<compile_context>
chip_gen: v7x
topology: tpu7x:2x2x1
jax: 0.10.2.dev20260603
libtpu: 0.0.44.dev20260713+nightly
codegen_flags: <defaults>
</compile_context>

<pallas_src>
import functools

import jax
import jax.numpy as jnp
from jax import lax
from jax.experimental import pallas as pl
from jax.experimental.pallas import tpu as pltpu
from jax.experimental.pallas import tpu_sc as plsc

_B, _S, _D = 4, 2048, 1024
_NC, _NS = 2, 16
_NW = _NC * _NS
_PPW = _S // _NW
_C = 8
_NPC = _PPW // _C
_NCH = _NPC * _B
_NBUF = 4
_AHEAD = 2
_GRP = 4
_NV = _D // 16

_mesh = plsc.VectorSubcoreMesh(core_axis_name="c", subcore_axis_name="s")


@functools.partial(
    pl.kernel,
    out_type=jax.ShapeDtypeStruct((_B * _S, _D), jnp.float32),
    mesh=_mesh,
    scratch_types=[
        pltpu.VMEM((_B, _NPC, _C), jnp.int32),
        pltpu.VMEM((_PPW, _D), jnp.float32),
        pltpu.VMEM((_C, _D), jnp.float32),
        pltpu.VMEM((_C, _D), jnp.float32),
        pltpu.VMEM((_C, _D), jnp.float32),
        pltpu.VMEM((_C, _D), jnp.float32),
        pltpu.SemaphoreType.DMA,
        pltpu.SemaphoreType.DMA,
        pltpu.SemaphoreType.DMA,
        pltpu.SemaphoreType.DMA,
        pltpu.SemaphoreType.DMA,
        pltpu.SemaphoreType.DMA,
        pltpu.SemaphoreType.DMA,
        pltpu.SemaphoreType.DMA,
        pltpu.SemaphoreType.DMA,
    ],
)
def _emb_lookup(tok_idx, tok_tab, pos_tab, out,
                idx_v, pos_v, buf0, buf1, buf2, buf3,
                g0, g1, g2, g3, o0, o1, o2, o3, psem):
    sid = lax.axis_index("s")
    wid = sid * _NC + lax.axis_index("c")
    pos0 = wid * _PPW
    for b in range(_B):
        pltpu.sync_copy(tok_idx.at[b, wid], idx_v.at[b])
    bufs = (buf0, buf1, buf2, buf3)
    gsems = (g0, g1, g2, g3)
    osems = (o0, o1, o2, o3)

    def gissue(ci, q):
        pltpu.async_copy(
            tok_tab.at[idx_v.at[ci % _B, ci // _B]], bufs[q], gsems[q])

    def gwait(q):
        pltpu.make_async_copy(tok_tab.at[idx_v.at[0, 0]], bufs[q],
                              gsems[q]).wait()

    def oissue(ci, q):
        pltpu.async_copy(
            bufs[q],
            out.at[pl.ds((ci % _B) * _S + pos0 + (ci // _B) * _C, _C)],
            osems[q])

    def owait(q):
        pltpu.make_async_copy(bufs[q], out.at[pl.ds(0, _C)],
                              osems[q]).wait()

    for ci in range(_AHEAD):
        gissue(ci, ci)
    pltpu.async_copy(pos_tab.at[pl.ds(pos0, _PPW)], pos_v, psem)
    pltpu.make_async_copy(pos_tab.at[pl.ds(pos0, _PPW)], pos_v, psem).wait()

    def chunk(ci, p):
        gwait(p)
        prow0 = (ci // _B) * _C

        @plsc.parallel_loop(0, _NV)
        def _(i):
            off = i * 16
            for r in range(_C):
                bufs[p][r, pl.ds(off, 16)] = (
                    bufs[p][r, pl.ds(off, 16)]
                    + pos_v[prow0 + r, pl.ds(off, 16)])

        oissue(ci, p)
        nci = ci + _AHEAD
        nq = (p + _AHEAD) % _NBUF

        @pl.when(jnp.logical_and(nci < _NCH, nci >= _NBUF))
        def _():
            owait(nq)

        @pl.when(nci < _NCH)
        def _():
            gissue(nci, nq)

    def group(gi, carry):
        ci0 = gi * _GRP
        for j in range(_GRP):
            chunk(ci0 + j, j % _NBUF)
        return carry

    lax.fori_loop(0, _NCH // _GRP, group, 0)
    for q in range(_NBUF):
        owait(q)


def kernel(x, token_table, pos_table):
    B, S = x.shape
    D = token_table.shape[1]
    tok_idx = x.reshape(B, _NW, _NPC, _C).astype(jnp.int32)
    out = _emb_lookup(tok_idx, token_table, pos_table)
    return out.reshape(B, S, D)

# --- scband reference (transcript-rebuilt; emitter-appended) ---
"""Pipeline reference for scband-embedding-87222195847931 (READ-ONLY COPY).

The authoritative reference and input builder live on the scoring server;
editing this copy changes nothing except your own understanding.
"""

import jax, jax.numpy as jnp
import numpy as np

VOCAB = 100000
D_MODEL = 1024
MAX_SEQ = 2048
B = 4
S = 2048

def setup_inputs(seed: int = 0) -> dict:
    key = jax.random.key(seed)
    k1, k2, k3 = jax.random.split(key, 3)
    x = jax.random.randint(k1, (B, S), 0, VOCAB, dtype=jnp.int64)
    token_table = jax.random.normal(k2, (VOCAB, D_MODEL), dtype=jnp.float32) * 0.02
    pos_table = jax.random.normal(k3, (MAX_SEQ, D_MODEL), dtype=jnp.float32) * 0.02
    return {"x": x, "token_table": token_table, "pos_table": pos_table}

def reference(x, token_table, pos_table):
    # token embedding: gather rows from table
    t_emb = jnp.take(token_table, x, axis=0)            # [B, S, D]
    # learnable positional embedding: gather first S positions
    Sdim = x.shape[1]
    p_emb = jnp.take(pos_table, jnp.arange(Sdim), axis=0)  # [S, D]
    return t_emb + p_emb[None, :, :]

if __name__ == "__main__":
    import jax
    _d = setup_inputs()
    print(jax.jit(kernel)(*tuple(_d.values())))

</pallas_src>

<mosaic_0001>
#map = affine_map<(d0, d1) -> (0, 0, 0, 0)>
#map1 = affine_map<(d0, d1) -> (0, 0)>
module attributes {stable_mosaic.version = 14 : i64} {
  func.func @_emb_lookup(%arg0: i32, %arg1: i32, %arg2: memref<4x32x8x8xi32, #tpu.memory_space<hbm>>, %arg3: memref<100000x1024xf32, #tpu.memory_space<hbm>>, %arg4: memref<2048x1024xf32, #tpu.memory_space<hbm>>, %arg5: memref<8192x1024xf32, #tpu.memory_space<hbm>>, %arg6: memref<4x8x8xi32, #tpu.memory_space<vmem>>, %arg7: memref<64x1024xf32, #tpu.memory_space<vmem>>, %arg8: memref<8x1024xf32, #tpu.memory_space<vmem>>, %arg9: memref<8x1024xf32, #tpu.memory_space<vmem>>, %arg10: memref<8x1024xf32, #tpu.memory_space<vmem>>, %arg11: memref<8x1024xf32, #tpu.memory_space<vmem>>, %arg12: memref<!tpu.dma_semaphore, #tpu.memory_space<semaphore_mem>>, %arg13: memref<!tpu.dma_semaphore, #tpu.memory_space<semaphore_mem>>, %arg14: memref<!tpu.dma_semaphore, #tpu.memory_space<semaphore_mem>>, %arg15: memref<!tpu.dma_semaphore, #tpu.memory_space<semaphore_mem>>, %arg16: memref<!tpu.dma_semaphore, #tpu.memory_space<semaphore_mem>>, %arg17: memref<!tpu.dma_semaphore, #tpu.memory_space<semaphore_mem>>, %arg18: memref<!tpu.dma_semaphore, #tpu.memory_space<semaphore_mem>>, %arg19: memref<!tpu.dma_semaphore, #tpu.memory_space<semaphore_mem>>, %arg20: memref<!tpu.dma_semaphore, #tpu.memory_space<semaphore_mem>>) attributes {dimension_semantics = [#tpu.dimension_semantics<core_parallel>, #tpu.dimension_semantics<subcore_parallel>], iteration_bounds = array<i64: 2, 16>, scalar_prefetch = 0 : i64, scratch_operands = 15 : i64, tpu.core_type = #tpu.core_type<sc_vector_subcore>, window_params = [{transform_indices = #map}, {transform_indices = #map1}, {transform_indices = #map1}, {transform_indices = #map1}]} {
    %mul3A = arith.constant 2 : i32
    %mul3A_0 = arith.muli %arg1, %mul3A : i32
    %add3A = arith.addi %mul3A_0, %arg0 : i32
    %mul3A_1 = arith.constant 64 : i32
    %mul3A_2 = arith.muli %add3A, %mul3A_1 : i32
    %run_scoped3A = arith.constant 0 : i32
    %run_scoped3A_3 = arith.constant 0 : i32
    "tpu.region"() ({
      %run_scoped3A_61 = tpu.sem_alloc : memref<!tpu.dma_semaphore, #tpu.memory_space<semaphore_mem>>
      %dma_start3A_62 = arith.constant 0 : i32
      %dma_start3A_63 = arith.constant 0 : i32
      %dma_start3A_64 = tpu.memref_slice %arg6[%run_scoped3A_3, %dma_start3A_62, %dma_start3A_63] : memref<4x8x8xi32, #tpu.memory_space<vmem>> -> memref<1x8x8xi32, #tpu.memory_space<vmem>>
      %dma_start3A_65 = tpu.memref_squeeze %dma_start3A_64 : memref<1x8x8xi32, #tpu.memory_space<vmem>> -> memref<8x8xi32, #tpu.memory_space<vmem>>
      %dma_start3A_66 = arith.constant 0 : i32
      %dma_start3A_67 = arith.constant 0 : i32
      %dma_start3A_68 = tpu.memref_slice %arg2[%run_scoped3A, %add3A, %dma_start3A_66, %dma_start3A_67] : memref<4x32x8x8xi32, #tpu.memory_space<hbm>> -> memref<1x1x8x8xi32, #tpu.memory_space<hbm>>
      %dma_start3A_69 = tpu.memref_squeeze %dma_start3A_68 : memref<1x1x8x8xi32, #tpu.memory_space<hbm>> -> memref<8x8xi32, #tpu.memory_space<hbm>>
      %dma_start3A_70 = arith.constant 0 : i32
      %dma_start3A_71 = arith.constant 0 : i32
      %dma_start3A_72 = tpu.memref_slice %arg6[%run_scoped3A_3, %dma_start3A_70, %dma_start3A_71] : memref<4x8x8xi32, #tpu.memory_space<vmem>> -> memref<1x8x8xi32, #tpu.memory_space<vmem>>
      %dma_start3A_73 = tpu.memref_squeeze %dma_start3A_72 : memref<1x8x8xi32, #tpu.memory_space<vmem>> -> memref<8x8xi32, #tpu.memory_space<vmem>>
      %dma_start3A_74 = arith.constant 0 : i32
      %dma_start3A_75 = arith.constant 0 : i32
      %dma_start3A_76 = tpu.memref_slice %arg2[%run_scoped3A, %add3A, %dma_start3A_74, %dma_start3A_75] : memref<4x32x8x8xi32, #tpu.memory_space<hbm>> -> memref<1x1x8x8xi32, #tpu.memory_space<hbm>>
      %dma_start3A_77 = tpu.memref_squeeze %dma_start3A_76 : memref<1x1x8x8xi32, #tpu.memory_space<hbm>> -> memref<8x8xi32, #tpu.memory_space<hbm>>
      tpu.enqueue_dma source(%dma_start3A_77 : memref<8x8xi32, #tpu.memory_space<hbm>>) target(%dma_start3A_73 : memref<8x8xi32, #tpu.memory_space<vmem>>) target_semaphore(%run_scoped3A_61 : memref<!tpu.dma_semaphore, #tpu.memory_space<semaphore_mem>>)
      %dma_wait3A_78 = arith.constant 0 : i32
      %dma_wait3A_79 = arith.constant 0 : i32
      %dma_wait3A_80 = tpu.memref_slice %arg6[%run_scoped3A_3, %dma_wait3A_78, %dma_wait3A_79] : memref<4x8x8xi32, #tpu.memory_space<vmem>> -> memref<1x8x8xi32, #tpu.memory_space<vmem>>
      %dma_wait3A_81 = tpu.memref_squeeze %dma_wait3A_80 : memref<1x8x8xi32, #tpu.memory_space<vmem>> -> memref<8x8xi32, #tpu.memory_space<vmem>>
      %dma_wait3A_82 = arith.constant 0 : i32
      %dma_wait3A_83 = arith.constant 0 : i32
      %dma_wait3A_84 = tpu.memref_slice %arg2[%run_scoped3A, %add3A, %dma_wait3A_82, %dma_wait3A_83] : memref<4x32x8x8xi32, #tpu.memory_space<hbm>> -> memref<1x1x8x8xi32, #tpu.memory_space<hbm>>
      %dma_wait3A_85 = tpu.memref_squeeze %dma_wait3A_84 : memref<1x1x8x8xi32, #tpu.memory_space<hbm>> -> memref<8x8xi32, #tpu.memory_space<hbm>>
      %dma_wait3A_86 = arith.constant 0 : i32
      %dma_wait3A_87 = arith.constant 0 : i32
      %dma_wait3A_88 = tpu.memref_slice %arg6[%run_scoped3A_3, %dma_wait3A_86, %dma_wait3A_87] : memref<4x8x8xi32, #tpu.memory_space<vmem>> -> memref<1x8x8xi32, #tpu.memory_space<vmem>>
      %dma_wait3A_89 = tpu.memref_squeeze %dma_wait3A_88 : memref<1x8x8xi32, #tpu.memory_space<vmem>> -> memref<8x8xi32, #tpu.memory_space<vmem>>
      %dma_wait3A_90 = arith.constant 0 : i32
      %dma_wait3A_91 = arith.constant 0 : i32
      %dma_wait3A_92 = tpu.memref_slice %arg2[%run_scoped3A, %add3A, %dma_wait3A_90, %dma_wait3A_91] : memref<4x32x8x8xi32, #tpu.memory_space<hbm>> -> memref<1x1x8x8xi32, #tpu.memory_space<hbm>>
      %dma_wait3A_93 = tpu.memref_squeeze %dma_wait3A_92 : memref<1x1x8x8xi32, #tpu.memory_space<hbm>> -> memref<8x8xi32, #tpu.memory_space<hbm>>
      tpu.wait_dma2 semaphore(%run_scoped3A_61 : memref<!tpu.dma_semaphore, #tpu.memory_space<semaphore_mem>>) src(%dma_wait3A_93 : memref<8x8xi32, #tpu.memory_space<hbm>>) dst(%dma_wait3A_89 : memref<8x8xi32, #tpu.memory_space<vmem>>)
      tpu.yield
    }) : () -> ()
    %run_scoped3A_4 = arith.constant 1 : i32
    %run_scoped3A_5 = arith.constant 1 : i32
    "tpu.region"() ({
      %run_scoped3A_61 = tpu.sem_alloc : memref<!tpu.dma_semaphore, #tpu.memory_space<semaphore_mem>>
      %dma_start3A_62 = arith.constant 0 : i32
      %dma_start3A_63 = arith.constant 0 : i32
      %dma_start3A_64 = tpu.memref_slice %arg6[%run_scoped3A_5, %dma_start3A_62, %dma_start3A_63] : memref<4x8x8xi32, #tpu.memory_space<vmem>> -> memref<1x8x8xi32, #tpu.memory_space<vmem>>
      %dma_start3A_65 = tpu.memref_squeeze %dma_start3A_64 : memref<1x8x8xi32, #tpu.memory_space<vmem>> -> memref<8x8xi32, #tpu.memory_space<vmem>>
      %dma_start3A_66 = arith.constant 0 : i32
      %dma_start3A_67 = arith.constant 0 : i32
      %dma_start3A_68 = tpu.memref_slice %arg2[%run_scoped3A_4, %add3A, %dma_start3A_66, %dma_start3A_67] : memref<4x32x8x8xi32, #tpu.memory_space<hbm>> -> memref<1x1x8x8xi32, #tpu.memory_space<hbm>>
      %dma_start3A_69 = tpu.memref_squeeze %dma_start3A_68 : memref<1x1x8x8xi32, #tpu.memory_space<hbm>> -> memref<8x8xi32, #tpu.memory_space<hbm>>
      %dma_start3A_70 = arith.constant 0 : i32
      %dma_start3A_71 = arith.constant 0 : i32
      %dma_start3A_72 = tpu.memref_slice %arg6[%run_scoped3A_5, %dma_start3A_70, %dma_start3A_71] : memref<4x8x8xi32, #tpu.memory_space<vmem>> -> memref<1x8x8xi32, #tpu.memory_space<vmem>>
      %dma_start3A_73 = tpu.memref_squeeze %dma_start3A_72 : memref<1x8x8xi32, #tpu.memory_space<vmem>> -> memref<8x8xi32, #tpu.memory_space<vmem>>
      %dma_start3A_74 = arith.constant 0 : i32
      %dma_start3A_75 = arith.constant 0 : i32
      %dma_start3A_76 = tpu.memref_slice %arg2[%run_scoped3A_4, %add3A, %dma_start3A_74, %dma_start3A_75] : memref<4x32x8x8xi32, #tpu.memory_space<hbm>> -> memref<1x1x8x8xi32, #tpu.memory_space<hbm>>
      %dma_start3A_77 = tpu.memref_squeeze %dma_start3A_76 : memref<1x1x8x8xi32, #tpu.memory_space<hbm>> -> memref<8x8xi32, #tpu.memory_space<hbm>>
      tpu.enqueue_dma source(%dma_start3A_77 : memref<8x8xi32, #tpu.memory_space<hbm>>) target(%dma_start3A_73 : memref<8x8xi32, #tpu.memory_space<vmem>>) target_semaphore(%run_scoped3A_61 : memref<!tpu.dma_semaphore, #tpu.memory_space<semaphore_mem>>)
      %dma_wait3A_78 = arith.constant 0 : i32
      %dma_wait3A_79 = arith.constant 0 : i32
      %dma_wait3A_80 = tpu.memref_slice %arg6[%run_scoped3A_5, %dma_wait3A_78, %dma_wait3A_79] : memref<4x8x8xi32, #tpu.memory_space<vmem>> -> memref<1x8x8xi32, #tpu.memory_space<vmem>>
      %dma_wait3A_81 = tpu.memref_squeeze %dma_wait3A_80 : memref<1x8x8xi32, #tpu.memory_space<vmem>> -> memref<8x8xi32, #tpu.memory_space<vmem>>
      %dma_wait3A_82 = arith.constant 0 : i32
      %dma_wait3A_83 = arith.constant 0 : i32
      %dma_wait3A_84 = tpu.memref_slice %arg2[%run_scoped3A_4, %add3A, %dma_wait3A_82, %dma_wait3A_83] : memref<4x32x8x8xi32, #tpu.memory_space<hbm>> -> memref<1x1x8x8xi32, #tpu.memory_space<hbm>>
      %dma_wait3A_85 = tpu.memref_squeeze %dma_wait3A_84 : memref<1x1x8x8xi32, #tpu.memory_space<hbm>> -> memref<8x8xi32, #tpu.memory_space<hbm>>
      %dma_wait3A_86 = arith.constant 0 : i32
      %dma_wait3A_87 = arith.constant 0 : i32
      %dma_wait3A_88 = tpu.memref_slice %arg6[%run_scoped3A_5, %dma_wait3A_86, %dma_wait3A_87] : memref<4x8x8xi32, #tpu.memory_space<vmem>> -> memref<1x8x8xi32, #tpu.memory_space<vmem>>
      %dma_wait3A_89 = tpu.memref_squeeze %dma_wait3A_88 : memref<1x8x8xi32, #tpu.memory_space<vmem>> -> memref<8x8xi32, #tpu.memory_space<vmem>>
      %dma_wait3A_90 = arith.constant 0 : i32
      %dma_wait3A_91 = arith.constant 0 : i32
      %dma_wait3A_92 = tpu.memref_slice %arg2[%run_scoped3A_4, %add3A, %dma_wait3A_90, %dma_wait3A_91] : memref<4x32x8x8xi32, #tpu.memory_space<hbm>> -> memref<1x1x8x8xi32, #tpu.memory_space<hbm>>
      %dma_wait3A_93 = tpu.memref_squeeze %dma_wait3A_92 : memref<1x1x8x8xi32, #tpu.memory_space<hbm>> -> memref<8x8xi32, #tpu.memory_space<hbm>>
      tpu.wait_dma2 semaphore(%run_scoped3A_61 : memref<!tpu.dma_semaphore, #tpu.memory_space<semaphore_mem>>) src(%dma_wait3A_93 : memref<8x8xi32, #tpu.memory_space<hbm>>) dst(%dma_wait3A_89 : memref<8x8xi32, #tpu.memory_space<vmem>>)
      tpu.yield
    }) : () -> ()
    %run_scoped3A_6 = arith.constant 2 : i32
    %run_scoped3A_7 = arith.constant 2 : i32
    "tpu.region"() ({
      %run_scoped3A_61 = tpu.sem_alloc : memref<!tpu.dma_semaphore, #tpu.memory_space<semaphore_mem>>
      %dma_start3A_62 = arith.constant 0 : i32
      %dma_start3A_63 = arith.constant 0 : i32
      %dma_start3A_64 = tpu.memref_slice %arg6[%run_scoped3A_7, %dma_start3A_62, %dma_start3A_63] : memref<4x8x8xi32, #tpu.memory_space<vmem>> -> memref<1x8x8xi32, #tpu.memory_space<vmem>>
      %dma_start3A_65 = tpu.memref_squeeze %dma_start3A_64 : memref<1x8x8xi32, #tpu.memory_space<vmem>> -> memref<8x8xi32, #tpu.memory_space<vmem>>
      %dma_start3A_66 = arith.constant 0 : i32
      %dma_start3A_67 = arith.constant 0 : i32
      %dma_start3A_68 = tpu.memref_slice %arg2[%run_scoped3A_6, %add3A, %dma_start3A_66, %dma_start3A_67] : memref<4x32x8x8xi32, #tpu.memory_space<hbm>> -> memref<1x1x8x8xi32, #tpu.memory_space<hbm>>
      %dma_start3A_69 = tpu.memref_squeeze %dma_start3A_68 : memref<1x1x8x8xi32, #tpu.memory_space<hbm>> -> memref<8x8xi32, #tpu.memory_space<hbm>>
      %dma_start3A_70 = arith.constant 0 : i32
      %dma_start3A_71 = arith.constant 0 : i32
      %dma_start3A_72 = tpu.memref_slice %arg6[%run_scoped3A_7, %dma_start3A_70, %dma_start3A_71] : memref<4x8x8xi32, #tpu.memory_space<vmem>> -> memref<1x8x8xi32, #tpu.memory_space<vmem>>
      %dma_start3A_73 = tpu.memref_squeeze %dma_start3A_72 : memref<1x8x8xi32, #tpu.memory_space<vmem>> -> memref<8x8xi32, #tpu.memory_space<vmem>>
      %dma_start3A_74 = arith.constant 0 : i32
      %dma_start3A_75 = arith.constant 0 : i32
      %dma_start3A_76 = tpu.memref_slice %arg2[%run_scoped3A_6, %add3A, %dma_start3A_74, %dma_start3A_75] : memref<4x32x8x8xi32, #tpu.memory_space<hbm>> -> memref<1x1x8x8xi32, #tpu.memory_space<hbm>>
      %dma_start3A_77 = tpu.memref_squeeze %dma_start3A_76 : memref<1x1x8x8xi32, #tpu.memory_space<hbm>> -> memref<8x8xi32, #tpu.memory_space<hbm>>
      tpu.enqueue_dma source(%dma_start3A_77 : memref<8x8xi32, #tpu.memory_space<hbm>>) target(%dma_start3A_73 : memref<8x8xi32, #tpu.memory_space<vmem>>) target_semaphore(%run_scoped3A_61 : memref<!tpu.dma_semaphore, #tpu.memory_space<semaphore_mem>>)
      %dma_wait3A_78 = arith.constant 0 : i32
      %dma_wait3A_79 = arith.constant 0 : i32
      %dma_wait3A_80 = tpu.memref_slice %arg6[%run_scoped3A_7, %dma_wait3A_78, %dma_wait3A_79] : memref<4x8x8xi32, #tpu.memory_space<vmem>> -> memref<1x8x8xi32, #tpu.memory_space<vmem>>
      %dma_wait3A_81 = tpu.memref_squeeze %dma_wait3A_80 : memref<1x8x8xi32, #tpu.memory_space<vmem>> -> memref<8x8xi32, #tpu.memory_space<vmem>>
      %dma_wait3A_82 = arith.constant 0 : i32
      %dma_wait3A_83 = arith.constant 0 : i32
      %dma_wait3A_84 = tpu.memref_slice %arg2[%run_scoped3A_6, %add3A, %dma_wait3A_82, %dma_wait3A_83] : memref<4x32x8x8xi32, #tpu.memory_space<hbm>> -> memref<1x1x8x8xi32, #tpu.memory_space<hbm>>
      %dma_wait3A_85 = tpu.memref_squeeze %dma_wait3A_84 : memref<1x1x8x8xi32, #tpu.memory_space<hbm>> -> memref<8x8xi32, #tpu.memory_space<hbm>>
      %dma_wait3A_86 = arith.constant 0 : i32
      %dma_wait3A_87 = arith.constant 0 : i32
      %dma_wait3A_88 = tpu.memref_slice %arg6[%run_scoped3A_7, %dma_wait3A_86, %dma_wait3A_87] : memref<4x8x8xi32, #tpu.memory_space<vmem>> -> memref<1x8x8xi32, #tpu.memory_space<vmem>>
      %dma_wait3A_89 = tpu.memref_squeeze %dma_wait3A_88 : memref<1x8x8xi32, #tpu.memory_space<vmem>> -> memref<8x8xi32, #tpu.memory_space<vmem>>
      %dma_wait3A_90 = arith.constant 0 : i32
      %dma_wait3A_91 = arith.constant 0 : i32
      %dma_wait3A_92 = tpu.memref_slice %arg2[%run_scoped3A_6, %add3A, %dma_wait3A_90, %dma_wait3A_91] : memref<4x32x8x8xi32, #tpu.memory_space<hbm>> -> memref<1x1x8x8xi32, #tpu.memory_space<hbm>>
      %dma_wait3A_93 = tpu.memref_squeeze %dma_wait3A_92 : memref<1x1x8x8xi32, #tpu.memory_space<hbm>> -> memref<8x8xi32, #tpu.memory_space<hbm>>
      tpu.wait_dma2 semaphore(%run_scoped3A_61 : memref<!tpu.dma_semaphore, #tpu.memory_space<semaphore_mem>>) src(%dma_wait3A_93 : memref<8x8xi32, #tpu.memory_space<hbm>>) dst(%dma_wait3A_89 : memref<8x8xi32, #tpu.memory_space<vmem>>)
      tpu.yield
    }) : () -> ()
    %run_scoped3A_8 = arith.constant 3 : i32
    %run_scoped3A_9 = arith.constant 3 : i32
    "tpu.region"() ({
      %run_scoped3A_61 = tpu.sem_alloc : memref<!tpu.dma_semaphore, #tpu.memory_space<semaphore_mem>>
      %dma_start3A_62 = arith.constant 0 : i32
      %dma_start3A_63 = arith.constant 0 : i32
      %dma_start3A_64 = tpu.memref_slice %arg6[%run_scoped3A_9, %dma_start3A_62, %dma_start3A_63] : memref<4x8x8xi32, #tpu.memory_space<vmem>> -> memref<1x8x8xi32, #tpu.memory_space<vmem>>
      %dma_start3A_65 = tpu.memref_squeeze %dma_start3A_64 : memref<1x8x8xi32, #tpu.memory_space<vmem>> -> memref<8x8xi32, #tpu.memory_space<vmem>>
      %dma_start3A_66 = arith.constant 0 : i32
      %dma_start3A_67 = arith.constant 0 : i32
      %dma_start3A_68 = tpu.memref_slice %arg2[%run_scoped3A_8, %add3A, %dma_start3A_66, %dma_start3A_67] : memref<4x32x8x8xi32, #tpu.memory_space<hbm>> -> memref<1x1x8x8xi32, #tpu.memory_space<hbm>>
      %dma_start3A_69 = tpu.memref_squeeze %dma_start3A_68 : memref<1x1x8x8xi32, #tpu.memory_space<hbm>> -> memref<8x8xi32, #tpu.memory_space<hbm>>
      %dma_start3A_70 = arith.constant 0 : i32
      %dma_start3A_71 = arith.constant 0 : i32
      %dma_start3A_72 = tpu.memref_slice %arg6[%run_scoped3A_9, %dma_start3A_70, %dma_start3A_71] : memref<4x8x8xi32, #tpu.memory_space<vmem>> -> memref<1x8x8xi32, #tpu.memory_space<vmem>>
      %dma_start3A_73 = tpu.memref_squeeze %dma_start3A_72 : memref<1x8x8xi32, #tpu.memory_space<vmem>> -> memref<8x8xi32, #tpu.memory_space<vmem>>
      %dma_start3A_74 = arith.constant 0 : i32
      %dma_start3A_75 = arith.constant 0 : i32
      %dma_start3A_76 = tpu.memref_slice %arg2[%run_scoped3A_8, %add3A, %dma_start3A_74, %dma_start3A_75] : memref<4x32x8x8xi32, #tpu.memory_space<hbm>> -> memref<1x1x8x8xi32, #tpu.memory_space<hbm>>
      %dma_start3A_77 = tpu.memref_squeeze %dma_start3A_76 : memref<1x1x8x8xi32, #tpu.memory_space<hbm>> -> memref<8x8xi32, #tpu.memory_space<hbm>>
      tpu.enqueue_dma source(%dma_start3A_77 : memref<8x8xi32, #tpu.memory_space<hbm>>) target(%dma_start3A_73 : memref<8x8xi32, #tpu.memory_space<vmem>>) target_semaphore(%run_scoped3A_61 : memref<!tpu.dma_semaphore, #tpu.memory_space<semaphore_mem>>)
      %dma_wait3A_78 = arith.constant 0 : i32
      %dma_wait3A_79 = arith.constant 0 : i32
      %dma_wait3A_80 = tpu.memref_slice %arg6[%run_scoped3A_9, %dma_wait3A_78, %dma_wait3A_79] : memref<4x8x8xi32, #tpu.memory_space<vmem>> -> memref<1x8x8xi32, #tpu.memory_space<vmem>>
      %dma_wait3A_81 = tpu.memref_squeeze %dma_wait3A_80 : memref<1x8x8xi32, #tpu.memory_space<vmem>> -> memref<8x8xi32, #tpu.memory_space<vmem>>
      %dma_wait3A_82 = arith.constant 0 : i32
      %dma_wait3A_83 = arith.constant 0 : i32
      %dma_wait3A_84 = tpu.memref_slice %arg2[%run_scoped3A_8, %add3A, %dma_wait3A_82, %dma_wait3A_83] : memref<4x32x8x8xi32, #tpu.memory_space<hbm>> -> memref<1x1x8x8xi32, #tpu.memory_space<hbm>>
      %dma_wait3A_85 = tpu.memref_squeeze %dma_wait3A_84 : memref<1x1x8x8xi32, #tpu.memory_space<hbm>> -> memref<8x8xi32, #tpu.memory_space<hbm>>
      %dma_wait3A_86 = arith.constant 0 : i32
      %dma_wait3A_87 = arith.constant 0 : i32
      %dma_wait3A_88 = tpu.memref_slice %arg6[%run_scoped3A_9, %dma_wait3A_86, %dma_wait3A_87] : memref<4x8x8xi32, #tpu.memory_space<vmem>> -> memref<1x8x8xi32, #tpu.memory_space<vmem>>
      %dma_wait3A_89 = tpu.memref_squeeze %dma_wait3A_88 : memref<1x8x8xi32, #tpu.memory_space<vmem>> -> memref<8x8xi32, #tpu.memory_space<vmem>>
      %dma_wait3A_90 = arith.constant 0 : i32
      %dma_wait3A_91 = arith.constant 0 : i32
      %dma_wait3A_92 = tpu.memref_slice %arg2[%run_scoped3A_8, %add3A, %dma_wait3A_90, %dma_wait3A_91] : memref<4x32x8x8xi32, #tpu.memory_space<hbm>> -> memref<1x1x8x8xi32, #tpu.memory_space<hbm>>
      %dma_wait3A_93 = tpu.memref_squeeze %dma_wait3A_92 : memref<1x1x8x8xi32, #tpu.memory_space<hbm>> -> memref<8x8xi32, #tpu.memory_space<hbm>>
      tpu.wait_dma2 semaphore(%run_scoped3A_61 : memref<!tpu.dma_semaphore, #tpu.memory_space<semaphore_mem>>) src(%dma_wait3A_93 : memref<8x8xi32, #tpu.memory_space<hbm>>) dst(%dma_wait3A_89 : memref<8x8xi32, #tpu.memory_space<vmem>>)
      tpu.yield
    }) : () -> ()
    %dma_start3A = arith.constant 0 : i32
    %dma_start3A_10 = arith.constant 0 : i32
    %dma_start3A_11 = arith.constant 0 : i32
    %dma_start3A_12 = tpu.memref_slice %arg6[%dma_start3A, %dma_start3A_10, %dma_start3A_11] : memref<4x8x8xi32, #tpu.memory_space<vmem>> -> memref<1x1x8xi32, #tpu.memory_space<vmem>>
    %dma_start3A_13 = tpu.memref_squeeze %dma_start3A_12 : memref<1x1x8xi32, #tpu.memory_space<vmem>> -> memref<8xi32, #tpu.memory_space<vmem>>
    %dma_start3A_14 = arith.constant 0 : i32
    %dma_start3A_15 = arith.constant 0 : i32
    %dma_start3A_16 = tpu.memref_slice %arg3[%dma_start3A_14, %dma_start3A_15] : memref<100000x1024xf32, #tpu.memory_space<hbm>> -> memref<100000x1024xf32, #tpu.memory_space<hbm>>
    tpu.enqueue_indirect_dma source(%dma_start3A_16 : memref<100000x1024xf32, #tpu.memory_space<hbm>>) target(%arg8 : memref<8x1024xf32, #tpu.memory_space<vmem>>) offsets(%dma_start3A_13 : memref<8xi32, #tpu.memory_space<vmem>>) semaphore(%arg12 : memref<!tpu.dma_semaphore, #tpu.memory_space<semaphore_mem>>)
    %dma_start3A_17 = arith.constant 1 : i32
    %dma_start3A_18 = arith.constant 0 : i32
    %dma_start3A_19 = arith.constant 0 : i32
    %dma_start3A_20 = tpu.memref_slice %arg6[%dma_start3A_17, %dma_start3A_18, %dma_start3A_19] : memref<4x8x8xi32, #tpu.memory_space<vmem>> -> memref<1x1x8xi32, #tpu.memory_space<vmem>>
    %dma_start3A_21 = tpu.memref_squeeze %dma_start3A_20 : memref<1x1x8xi32, #tpu.memory_space<vmem>> -> memref<8xi32, #tpu.memory_space<vmem>>
    %dma_start3A_22 = arith.constant 0 : i32
    %dma_start3A_23 = arith.constant 0 : i32
    %dma_start3A_24 = tpu.memref_slice %arg3[%dma_start3A_22, %dma_start3A_23] : memref<100000x1024xf32, #tpu.memory_space<hbm>> -> memref<100000x1024xf32, #tpu.memory_space<hbm>>
    tpu.enqueue_indirect_dma source(%dma_start3A_24 : memref<100000x1024xf32, #tpu.memory_space<hbm>>) target(%arg9 : memref<8x1024xf32, #tpu.memory_space<vmem>>) offsets(%dma_start3A_21 : memref<8xi32, #tpu.memory_space<vmem>>) semaphore(%arg13 : memref<!tpu.dma_semaphore, #tpu.memory_space<semaphore_mem>>)
    %dma_start3A_25 = arith.constant 0 : i32
    %dma_start3A_26 = tpu.memref_slice %arg4[%mul3A_2, %dma_start3A_25] : memref<2048x1024xf32, #tpu.memory_space<hbm>> -> memref<64x1024xf32, #tpu.memory_space<hbm>>
    %dma_start3A_27 = arith.constant 0 : i32
    %dma_start3A_28 = tpu.memref_slice %arg4[%mul3A_2, %dma_start3A_27] : memref<2048x1024xf32, #tpu.memory_space<hbm>> -> memref<64x1024xf32, #tpu.memory_space<hbm>>
    tpu.enqueue_dma source(%dma_start3A_28 : memref<64x1024xf32, #tpu.memory_space<hbm>>) target(%arg7 : memref<64x1024xf32, #tpu.memory_space<vmem>>) target_semaphore(%arg20 : memref<!tpu.dma_semaphore, #tpu.memory_space<semaphore_mem>>)
    %dma_wait3A = arith.constant 0 : i32
    %dma_wait3A_29 = tpu.memref_slice %arg4[%mul3A_2, %dma_wait3A] : memref<2048x1024xf32, #tpu.memory_space<hbm>> -> memref<64x1024xf32, #tpu.memory_space<hbm>>
    %dma_wait3A_30 = arith.constant 0 : i32
    %dma_wait3A_31 = tpu.memref_slice %arg4[%mul3A_2, %dma_wait3A_30] : memref<2048x1024xf32, #tpu.memory_space<hbm>> -> memref<64x1024xf32, #tpu.memory_space<hbm>>
    tpu.wait_dma2 semaphore(%arg20 : memref<!tpu.dma_semaphore, #tpu.memory_space<semaphore_mem>>) src(%dma_wait3A_31 : memref<64x1024xf32, #tpu.memory_space<hbm>>) dst(%arg7 : memref<64x1024xf32, #tpu.memory_space<vmem>>)
    %scan3A = arith.constant 0 : i32
    %scan3A_32 = arith.constant 0 : i32
    %scan3A_33 = arith.constant 8 : i32
    %scan3A_34 = arith.addi %scan3A_32, %scan3A_33 : i32
    %scan3A_35 = arith.constant 1 : i32
    scf.for %scan3A_61 = %scan3A_32 to %scan3A_34 step %scan3A_35  : i32 {
      %mul3A_62 = arith.constant 4 : i32
      %mul3A_63 = arith.muli %scan3A_61, %mul3A_62 : i32
      %add3A_64 = arith.constant 0 : i32
      %add3A_65 = arith.addi %mul3A_63, %add3A_64 : i32
      %dma_wait3A_66 = arith.constant 0 : i32
      %dma_wait3A_67 = arith.constant 0 : i32
      %dma_wait3A_68 = arith.constant 0 : i32
      %dma_wait3A_69 = tpu.memref_slice %arg6[%dma_wait3A_66, %dma_wait3A_67, %dma_wait3A_68] : memref<4x8x8xi32, #tpu.memory_space<vmem>> -> memref<1x1x8xi32, #tpu.memory_space<vmem>>
      %dma_wait3A_70 = tpu.memref_squeeze %dma_wait3A_69 : memref<1x1x8xi32, #tpu.memory_space<vmem>> -> memref<8xi32, #tpu.memory_space<vmem>>
      %dma_wait3A_71 = arith.constant 0 : i32
      %dma_wait3A_72 = arith.constant 0 : i32
      %dma_wait3A_73 = tpu.memref_slice %arg3[%dma_wait3A_71, %dma_wait3A_72] : memref<100000x1024xf32, #tpu.memory_space<hbm>> -> memref<100000x1024xf32, #tpu.memory_space<hbm>>
      tpu.wait_indirect_dma semaphore(%arg12 : memref<!tpu.dma_semaphore, #tpu.memory_space<semaphore_mem>>) src(%dma_wait3A_73 : memref<100000x1024xf32, #tpu.memory_space<hbm>>) dst(%arg8 : memref<8x1024xf32, #tpu.memory_space<vmem>>)
      %jit3A = arith.constant 4 : i32
      %div3A = arith.divsi %add3A_65, %jit3A : i32
      %sign3A = arith.constant 0 : i32
      %sign3A_74 = arith.cmpi sgt, %add3A_65, %sign3A : i32
      %sign3A_75 = arith.extui %sign3A_74 : i1 to i32
      %sign3A_76 = arith.constant 0 : i32
      %sign3A_77 = arith.cmpi slt, %add3A_65, %sign3A_76 : i32
      %sign3A_78 = arith.extui %sign3A_77 : i1 to i32
      %sign3A_79 = arith.subi %sign3A_75, %sign3A_78 : i32
      %sign3A_80 = arith.constant 0 : i32
      %sign3A_81 = arith.cmpi sgt, %jit3A, %sign3A_80 : i32
      %sign3A_82 = arith.extui %sign3A_81 : i1 to i32
      %sign3A_83 = arith.constant 0 : i32
      %sign3A_84 = arith.cmpi slt, %jit3A, %sign3A_83 : i32
      %sign3A_85 = arith.extui %sign3A_84 : i1 to i32
      %sign3A_86 = arith.subi %sign3A_82, %sign3A_85 : i32
      %ne3A = arith.cmpi ne, %sign3A_79, %sign3A_86 : i32
      %rem3A = arith.remsi %add3A_65, %jit3A : i32
      %ne3A_87 = arith.constant 0 : i32
      %ne3A_88 = arith.cmpi ne, %rem3A, %ne3A_87 : i32
      %and3A = arith.andi %ne3A, %ne3A_88 : i1
      %sub3A = arith.constant 1 : i32
      %sub3A_89 = arith.subi %div3A, %sub3A : i32
      %select_n3A = arith.select %and3A, %sub3A_89, %div3A : i32
      %mul3A_90 = arith.constant 8 : i32
      %mul3A_91 = arith.muli %select_n3A, %mul3A_90 : i32
      %parallel_loop3A = arith.constant 0 : i32
      %parallel_loop3A_92 = arith.constant 64 : i32
      %parallel_loop3A_93 = arith.constant 1 : i32
      scf.for %parallel_loop3A_466 = %parallel_loop3A to %parallel_loop3A_92 step %parallel_loop3A_93  : i32 {
        %parallel_loop3A_467 = arith.constant 16 : i32
        %parallel_loop3A_468 = arith.muli %parallel_loop3A_466, %parallel_loop3A_467 : i32
        %parallel_loop3A_469 = arith.constant 0 : i32
        %parallel_loop3A_470 = arith.index_cast %parallel_loop3A_469 : i32 to index
        %parallel_loop3A_471 = arith.index_cast %parallel_loop3A_468 : i32 to index
        %parallel_loop3A_472 = tpu.vector_load %arg8[%parallel_loop3A_470, %parallel_loop3A_471] {strides = array<i32>} : memref<8x1024xf32, #tpu.memory_space<vmem>>, vector<1x16xf32>,
        %parallel_loop3A_473 = vector.shape_cast %parallel_loop3A_472 : vector<1x16xf32> to vector<16xf32>
        %parallel_loop3A_474 = arith.constant 0 : i32
        %parallel_loop3A_475 = arith.addi %mul3A_91, %parallel_loop3A_474 : i32
        %parallel_loop3A_476 = arith.index_cast %parallel_loop3A_475 : i32 to index
        %parallel_loop3A_477 = arith.index_cast %parallel_loop3A_468 : i32 to index
        %parallel_loop3A_478 = tpu.vector_load %arg7[%parallel_loop3A_476, %parallel_loop3A_477] {strides = array<i32>} : memref<64x1024xf32, #tpu.memory_space<vmem>>, vector<1x16xf32>,
        %parallel_loop3A_479 = vector.shape_cast %parallel_loop3A_478 : vector<1x16xf32> to vector<16xf32>
        %parallel_loop3A_480 = arith.addf %parallel_loop3A_473, %parallel_loop3A_479 : vector<16xf32>
        %parallel_loop3A_481 = arith.constant 0 : i32
        %parallel_loop3A_482 = arith.index_cast %parallel_loop3A_481 : i32 to index
        %parallel_loop3A_483 = arith.index_cast %parallel_loop3A_468 : i32 to index
        %parallel_loop3A_484 = tpu.vector_load %arg8[%parallel_loop3A_482, %parallel_loop3A_483] {strides = array<i32>} : memref<8x1024xf32, #tpu.memory_space<vmem>>, vector<1x16xf32>,
        %parallel_loop3A_485 = vector.shape_cast %parallel_loop3A_484 : vector<1x16xf32> to vector<16xf32>
        %parallel_loop3A_486 = vector.shape_cast %parallel_loop3A_480 : vector<16xf32> to vector<1x16xf32>
        tpu.vector_store %arg8[%parallel_loop3A_482, %parallel_loop3A_483], %parallel_loop3A_486 {strides = array<i32>} : memref<8x1024xf32, #tpu.memory_space<vmem>>, vector<1x16xf32>,
        %parallel_loop3A_487 = arith.constant 1 : i32
        %parallel_loop3A_488 = arith.index_cast %parallel_loop3A_487 : i32 to index
        %parallel_loop3A_489 = arith.index_cast %parallel_loop3A_468 : i32 to index
        %parallel_loop3A_490 = tpu.vector_load %arg8[%parallel_loop3A_488, %parallel_loop3A_489] {strides = array<i32>} : memref<8x1024xf32, #tpu.memory_space<vmem>>, vector<1x16xf32>,
        %parallel_loop3A_491 = vector.shape_cast %parallel_loop3A_490 : vector<1x16xf32> to vector<16xf32>
        %parallel_loop3A_492 = arith.constant 1 : i32
        %parallel_loop3A_493 = arith.addi %mul3A_91, %parallel_loop3A_492 : i32
        %parallel_loop3A_494 = arith.index_cast %parallel_loop3A_493 : i32 to index
        %parallel_loop3A_495 = arith.index_cast %parallel_loop3A_468 : i32 to index
        %parallel_loop3A_496 = tpu.vector_load %arg7[%parallel_loop3A_494, %parallel_loop3A_495] {strides = array<i32>} : memref<64x1024xf32, #tpu.memory_space<vmem>>, vector<1x16xf32>,
        %parallel_loop3A_497 = vector.shape_cast %parallel_loop3A_496 : vector<1x16xf32> to vector<16xf32>
        %parallel_loop3A_498 = arith.addf %parallel_loop3A_491, %parallel_loop3A_497 : vector<16xf32>
        %parallel_loop3A_499 = arith.constant 1 : i32
        %parallel_loop3A_500 = arith.index_cast %parallel_loop3A_499 : i32 to index
        %parallel_loop3A_501 = arith.index_cast %parallel_loop3A_468 : i32 to index
        %parallel_loop3A_502 = tpu.vector_load %arg8[%parallel_loop3A_500, %parallel_loop3A_501] {strides = array<i32>} : memref<8x1024xf32, #tpu.memory_space<vmem>>, vector<1x16xf32>,
        %parallel_loop3A_503 = vector.shape_cast %parallel_loop3A_502 : vector<1x16xf32> to vector<16xf32>
        %parallel_loop3A_504 = vector.shape_cast %parallel_loop3A_498 : vector<16xf32> to vector<1x16xf32>
        tpu.vector_store %arg8[%parallel_loop3A_500, %parallel_loop3A_501], %parallel_loop3A_504 {strides = array<i32>} : memref<8x1024xf32, #tpu.memory_space<vmem>>, vector<1x16xf32>,
        %parallel_loop3A_505 = arith.constant 2 : i32
        %parallel_loop3A_506 = arith.index_cast %parallel_loop3A_505 : i32 to index
        %parallel_loop3A_507 = arith.index_cast %parallel_loop3A_468 : i32 to index
        %parallel_loop3A_508 = tpu.vector_load %arg8[%parallel_loop3A_506, %parallel_loop3A_507] {strides = array<i32>} : memref<8x1024xf32, #tpu.memory_space<vmem>>, vector<1x16xf32>,
        %parallel_loop3A_509 = vector.shape_cast %parallel_loop3A_508 : vector<1x16xf32> to vector<16xf32>
        %parallel_loop3A_510 = arith.constant 2 : i32
        %parallel_loop3A_511 = arith.addi %mul3A_91, %parallel_loop3A_510 : i32
        %parallel_loop3A_512 = arith.index_cast %parallel_loop3A_511 : i32 to index
        %parallel_loop3A_513 = arith.index_cast %parallel_loop3A_468 : i32 to index
        %parallel_loop3A_514 = tpu.vector_load %arg7[%parallel_loop3A_512, %parallel_loop3A_513] {strides = array<i32>} : memref<64x1024xf32, #tpu.memory_space<vmem>>, vector<1x16xf32>,
        %parallel_loop3A_515 = vector.shape_cast %parallel_loop3A_514 : vector<1x16xf32> to vector<16xf32>
        %parallel_loop3A_516 = arith.addf %parallel_loop3A_509, %parallel_loop3A_515 : vector<16xf32>
        %parallel_loop3A_517 = arith.constant 2 : i32
        %parallel_loop3A_518 = arith.index_cast %parallel_loop3A_517 : i32 to index
        %parallel_loop3A_519 = arith.index_cast %parallel_loop3A_468 : i32 to index
        %parallel_loop3A_520 = tpu.vector_load %arg8[%parallel_loop3A_518, %parallel_loop3A_519] {strides = array<i32>} : memref<8x1024xf32, #tpu.memory_space<vmem>>, vector<1x16xf32>,
        %parallel_loop3A_521 = vector.shape_cast %parallel_loop3A_520 : vector<1x16xf32> to vector<16xf32>
        %parallel_loop3A_522 = vector.shape_cast %parallel_loop3A_516 : vector<16xf32> to vector<1x16xf32>
        tpu.vector_store %arg8[%parallel_loop3A_518, %parallel_loop3A_519], %parallel_loop3A_522 {strides = array<i32>} : memref<8x1024xf32, #tpu.memory_space<vmem>>, vector<1x16xf32>,
        %parallel_loop3A_523 = arith.constant 3 : i32
        %parallel_loop3A_524 = arith.index_cast %parallel_loop3A_523 : i32 to index
        %parallel_loop3A_525 = arith.index_cast %parallel_loop3A_468 : i32 to index
        %parallel_loop3A_526 = tpu.vector_load %arg8[%parallel_loop3A_524, %parallel_loop3A_525] {strides = array<i32>} : memref<8x1024xf32, #tpu.memory_space<vmem>>, vector<1x16xf32>,
        %parallel_loop3A_527 = vector.shape_cast %parallel_loop3A_526 : vector<1x16xf32> to vector<16xf32>
        %parallel_loop3A_528 = arith.constant 3 : i32
        %parallel_loop3A_529 = arith.addi %mul3A_91, %parallel_loop3A_528 : i32
        %parallel_loop3A_530 = arith.index_cast %parallel_loop3A_529 : i32 to index
        %parallel_loop3A_531 = arith.index_cast %parallel_loop3A_468 : i32 to index
        %parallel_loop3A_532 = tpu.vector_load %arg7[%parallel_loop3A_530, %parallel_loop3A_531] {strides = array<i32>} : memref<64x1024xf32, #tpu.memory_space<vmem>>, vector<1x16xf32>,
        %parallel_loop3A_533 = vector.shape_cast %parallel_loop3A_532 : vector<1x16xf32> to vector<16xf32>
        %parallel_loop3A_534 = arith.addf %parallel_loop3A_527, %parallel_loop3A_533 : vector<16xf32>
        %parallel_loop3A_535 = arith.constant 3 : i32
        %parallel_loop3A_536 = arith.index_cast %parallel_loop3A_535 : i32 to index
        %parallel_loop3A_537 = arith.index_cast %parallel_loop3A_468 : i32 to index
        %parallel_loop3A_538 = tpu.vector_load %arg8[%parallel_loop3A_536, %parallel_loop3A_537] {strides = array<i32>} : memref<8x1024xf32, #tpu.memory_space<vmem>>, vector<1x16xf32>,
        %parallel_loop3A_539 = vector.shape_cast %parallel_loop3A_538 : vector<1x16xf32> to vector<16xf32>
        %parallel_loop3A_540 = vector.shape_cast %parallel_loop3A_534 : vector<16xf32> to vector<1x16xf32>
        tpu.vector_store %arg8[%parallel_loop3A_536, %parallel_loop3A_537], %parallel_loop3A_540 {strides = array<i32>} : memref<8x1024xf32, #tpu.memory_space<vmem>>, vector<1x16xf32>,
        %parallel_loop3A_541 = arith.constant 4 : i32
        %parallel_loop3A_542 = arith.index_cast %parallel_loop3A_541 : i32 to index
        %parallel_loop3A_543 = arith.index_cast %parallel_loop3A_468 : i32 to index
        %parallel_loop3A_544 = tpu.vector_load %arg8[%parallel_loop3A_542, %parallel_loop3A_543] {strides = array<i32>} : memref<8x1024xf32, #tpu.memory_space<vmem>>, vector<1x16xf32>,
        %parallel_loop3A_545 = vector.shape_cast %parallel_loop3A_544 : vector<1x16xf32> to vector<16xf32>
        %parallel_loop3A_546 = arith.constant 4 : i32
        %parallel_loop3A_547 = arith.addi %mul3A_91, %parallel_loop3A_546 : i32
        %parallel_loop3A_548 = arith.index_cast %parallel_loop3A_547 : i32 to index
        %parallel_loop3A_549 = arith.index_cast %parallel_loop3A_468 : i32 to index
        %parallel_loop3A_550 = tpu.vector_load %arg7[%parallel_loop3A_548, %parallel_loop3A_549] {strides = array<i32>} : memref<64x1024xf32, #tpu.memory_space<vmem>>, vector<1x16xf32>,
        %parallel_loop3A_551 = vector.shape_cast %parallel_loop3A_550 : vector<1x16xf32> to vector<16xf32>
        %parallel_loop3A_552 = arith.addf %parallel_loop3A_545, %parallel_loop3A_551 : vector<16xf32>
        %parallel_loop3A_553 = arith.constant 4 : i32
        %parallel_loop3A_554 = arith.index_cast %parallel_loop3A_553 : i32 to index
        %parallel_loop3A_555 = arith.index_cast %parallel_loop3A_468 : i32 to index
        %parallel_loop3A_556 = tpu.vector_load %arg8[%parallel_loop3A_554, %parallel_loop3A_555] {strides = array<i32>} : memref<8x1024xf32, #tpu.memory_space<vmem>>, vector<1x16xf32>,
        %parallel_loop3A_557 = vector.shape_cast %parallel_loop3A_556 : vector<1x16xf32> to vector<16xf32>
        %parallel_loop3A_558 = vector.shape_cast %parallel_loop3A_552 : vector<16xf32> to vector<1x16xf32>
        tpu.vector_store %arg8[%parallel_loop3A_554, %parallel_loop3A_555], %parallel_loop3A_558 {strides = array<i32>} : memref<8x1024xf32, #tpu.memory_space<vmem>>, vector<1x16xf32>,
        %parallel_loop3A_559 = arith.constant 5 : i32
        %parallel_loop3A_560 = arith.index_cast %parallel_loop3A_559 : i32 to index
        %parallel_loop3A_561 = arith.index_cast %parallel_loop3A_468 : i32 to index
        %parallel_loop3A_562 = tpu.vector_load %arg8[%parallel_loop3A_560, %parallel_loop3A_561] {strides = array<i32>} : memref<8x1024xf32, #tpu.memory_space<vmem>>, vector<1x16xf32>,
        %parallel_loop3A_563 = vector.shape_cast %parallel_loop3A_562 : vector<1x16xf32> to vector<16xf32>
        %parallel_loop3A_564 = arith.constant 5 : i32
        %parallel_loop3A_565 = arith.addi %mul3A_91, %parallel_loop3A_564 : i32
        %parallel_loop3A_566 = arith.index_cast %parallel_loop3A_565 : i32 to index
        %parallel_loop3A_567 = arith.index_cast %parallel_loop3A_468 : i32 to index
        %parallel_loop3A_568 = tpu.vector_load %arg7[%parallel_loop3A_566, %parallel_loop3A_567] {strides = array<i32>} : memref<64x1024xf32, #tpu.memory_space<vmem>>, vector<1x16xf32>,
        %parallel_loop3A_569 = vector.shape_cast %parallel_loop3A_568 : vector<1x16xf32> to vector<16xf32>
        %parallel_loop3A_570 = arith.addf %parallel_loop3A_563, %parallel_loop3A_569 : vector<16xf32>
        %parallel_loop3A_571 = arith.constant 5 : i32
        %parallel_loop3A_572 = arith.index_cast %parallel_loop3A_571 : i32 to index
        %parallel_loop3A_573 = arith.index_cast %parallel_loop3A_468 : i32 to index
        %parallel_loop3A_574 = tpu.vector_load %arg8[%parallel_loop3A_572, %parallel_loop3A_573] {strides = array<i32>} : memref<8x1024xf32, #tpu.memory_space<vmem>>, vector<1x16xf32>,
        %parallel_loop3A_575 = vector.shape_cast %parallel_loop3A_574 : vector<1x16xf32> to vector<16xf32>
        %parallel_loop3A_576 = vector.shape_cast %parallel_loop3A_570 : vector<16xf32> to vector<1x16xf32>
        tpu.vector_store %arg8[%parallel_loop3A_572, %parallel_loop3A_573], %parallel_loop3A_576 {strides = array<i32>} : memref<8x1024xf32, #tpu.memory_space<vmem>>, vector<1x16xf32>,
        %parallel_loop3A_577 = arith.constant 6 : i32
        %parallel_loop3A_578 = arith.index_cast %parallel_loop3A_577 : i32 to index
        %parallel_loop3A_579 = arith.index_cast %parallel_loop3A_468 : i32 to index
        %parallel_loop3A_580 = tpu.vector_load %arg8[%parallel_loop3A_578, %parallel_loop3A_579] {strides = array<i32>} : memref<8x1024xf32, #tpu.memory_space<vmem>>, vector<1x16xf32>,
        %parallel_loop3A_581 = vector.shape_cast %parallel_loop3A_580 : vector<1x16xf32> to vector<16xf32>
        %parallel_loop3A_582 = arith.constant 6 : i32
        %parallel_loop3A_583 = arith.addi %mul3A_91, %parallel_loop3A_582 : i32
        %parallel_loop3A_584 = arith.index_cast %parallel_loop3A_583 : i32 to index
        %parallel_loop3A_585 = arith.index_cast %parallel_loop3A_468 : i32 to index
        %parallel_loop3A_586 = tpu.vector_load %arg7[%parallel_loop3A_584, %parallel_loop3A_585] {strides = array<i32>} : memref<64x1024xf32, #tpu.memory_space<vmem>>, vector<1x16xf32>,
        %parallel_loop3A_587 = vector.shape_cast %parallel_loop3A_586 : vector<1x16xf32> to vector<16xf32>
        %parallel_loop3A_588 = arith.addf %parallel_loop3A_581, %parallel_loop3A_587 : vector<16xf32>
        %parallel_loop3A_589 = arith.constant 6 : i32
        %parallel_loop3A_590 = arith.index_cast %parallel_loop3A_589 : i32 to index
        %parallel_loop3A_591 = arith.index_cast %parallel_loop3A_468 : i32 to index
        %parallel_loop3A_592 = tpu.vector_load %arg8[%parallel_loop3A_590, %parallel_loop3A_591] {strides = array<i32>} : memref<8x1024xf32, #tpu.memory_space<vmem>>, vector<1x16xf32>,
        %parallel_loop3A_593 = vector.shape_cast %parallel_loop3A_592 : vector<1x16xf32> to vector<16xf32>
        %parallel_loop3A_594 = vector.shape_cast %parallel_loop3A_588 : vector<16xf32> to vector<1x16xf32>
        tpu.vector_store %arg8[%parallel_loop3A_590, %parallel_loop3A_591], %parallel_loop3A_594 {strides = array<i32>} : memref<8x1024xf32, #tpu.memory_space<vmem>>, vector<1x16xf32>,
        %parallel_loop3A_595 = arith.constant 7 : i32
        %parallel_loop3A_596 = arith.index_cast %parallel_loop3A_595 : i32 to index
        %parallel_loop3A_597 = arith.index_cast %parallel_loop3A_468 : i32 to index
        %parallel_loop3A_598 = tpu.vector_load %arg8[%parallel_loop3A_596, %parallel_loop3A_597] {strides = array<i32>} : memref<8x1024xf32, #tpu.memory_space<vmem>>, vector<1x16xf32>,
        %parallel_loop3A_599 = vector.shape_cast %parallel_loop3A_598 : vector<1x16xf32> to vector<16xf32>
        %parallel_loop3A_600 = arith.constant 7 : i32
        %parallel_loop3A_601 = arith.addi %mul3A_91, %parallel_loop3A_600 : i32
        %parallel_loop3A_602 = arith.index_cast %parallel_loop3A_601 : i32 to index
        %parallel_loop3A_603 = arith.index_cast %parallel_loop3A_468 : i32 to index
        %parallel_loop3A_604 = tpu.vector_load %arg7[%parallel_loop3A_602, %parallel_loop3A_603] {strides = array<i32>} : memref<64x1024xf32, #tpu.memory_space<vmem>>, vector<1x16xf32>,
        %parallel_loop3A_605 = vector.shape_cast %parallel_loop3A_604 : vector<1x16xf32> to vector<16xf32>
        %parallel_loop3A_606 = arith.addf %parallel_loop3A_599, %parallel_loop3A_605 : vector<16xf32>
        %parallel_loop3A_607 = arith.constant 7 : i32
        %parallel_loop3A_608 = arith.index_cast %parallel_loop3A_607 : i32 to index
        %parallel_loop3A_609 = arith.index_cast %parallel_loop3A_468 : i32 to index
        %parallel_loop3A_610 = tpu.vector_load %arg8[%parallel_loop3A_608, %parallel_loop3A_609] {strides = array<i32>} : memref<8x1024xf32, #tpu.memory_space<vmem>>, vector<1x16xf32>,
        %parallel_loop3A_611 = vector.shape_cast %parallel_loop3A_610 : vector<1x16xf32> to vector<16xf32>
        %parallel_loop3A_612 = vector.shape_cast %parallel_loop3A_606 : vector<16xf32> to vector<1x16xf32>
        tpu.vector_store %arg8[%parallel_loop3A_608, %parallel_loop3A_609], %parallel_loop3A_612 {strides = array<i32>} : memref<8x1024xf32, #tpu.memory_space<vmem>>, vector<1x16xf32>,
      } {sc.loop_unroll_factor = 1 : i64, sc.parallel_access}
      %jit3A_94 = arith.constant 4 : i32
      %eq3A = arith.constant 0 : i32
      %eq3A_95 = arith.cmpi eq, %jit3A_94, %eq3A : i32
      %jit3A_96 = arith.constant 1 : i32
      %select_n3A_97 = arith.select %eq3A_95, %jit3A_96, %jit3A_94 : i32
      %rem3A_98 = arith.remsi %add3A_65, %select_n3A_97 : i32
      %ne3A_99 = arith.constant 0 : i32
      %ne3A_100 = arith.cmpi ne, %rem3A_98, %ne3A_99 : i32
      %lt3A = arith.constant 0 : i32
      %lt3A_101 = arith.cmpi slt, %rem3A_98, %lt3A : i32
      %lt3A_102 = arith.constant 0 : i32
      %lt3A_103 = arith.cmpi slt, %select_n3A_97, %lt3A_102 : i32
      %ne3A_104 = arith.xori %lt3A_101, %lt3A_103 : i1
      %and3A_105 = arith.andi %ne3A_104, %ne3A_100 : i1
      %add3A_106 = arith.addi %rem3A_98, %select_n3A_97 : i32
      %select_n3A_107 = arith.select %and3A_105, %add3A_106, %rem3A_98 : i32
      %mul3A_108 = arith.constant 2048 : i32
      %mul3A_109 = arith.muli %select_n3A_107, %mul3A_108 : i32
      %add3A_110 = arith.addi %mul3A_109, %mul3A_2 : i32
      %jit3A_111 = arith.constant 4 : i32
      %div3A_112 = arith.divsi %add3A_65, %jit3A_111 : i32
      %sign3A_113 = arith.constant 0 : i32
      %sign3A_114 = arith.cmpi sgt, %add3A_65, %sign3A_113 : i32
      %sign3A_115 = arith.extui %sign3A_114 : i1 to i32
      %sign3A_116 = arith.constant 0 : i32
      %sign3A_117 = arith.cmpi slt, %add3A_65, %sign3A_116 : i32
      %sign3A_118 = arith.extui %sign3A_117 : i1 to i32
      %sign3A_119 = arith.subi %sign3A_115, %sign3A_118 : i32
      %sign3A_120 = arith.constant 0 : i32
      %sign3A_121 = arith.cmpi sgt, %jit3A_111, %sign3A_120 : i32
      %sign3A_122 = arith.extui %sign3A_121 : i1 to i32
      %sign3A_123 = arith.constant 0 : i32
      %sign3A_124 = arith.cmpi slt, %jit3A_111, %sign3A_123 : i32
      %sign3A_125 = arith.extui %sign3A_124 : i1 to i32
      %sign3A_126 = arith.subi %sign3A_122, %sign3A_125 : i32
      %ne3A_127 = arith.cmpi ne, %sign3A_119, %sign3A_126 : i32
      %rem3A_128 = arith.remsi %add3A_65, %jit3A_111 : i32
      %ne3A_129 = arith.constant 0 : i32
      %ne3A_130 = arith.cmpi ne, %rem3A_128, %ne3A_129 : i32
      %and3A_131 = arith.andi %ne3A_127, %ne3A_130 : i1
      %sub3A_132 = arith.constant 1 : i32
      %sub3A_133 = arith.subi %div3A_112, %sub3A_132 : i32
      %select_n3A_134 = arith.select %and3A_131, %sub3A_133, %div3A_112 : i32
      %mul3A_135 = arith.constant 8 : i32
      %mul3A_136 = arith.muli %select_n3A_134, %mul3A_135 : i32
      %add3A_137 = arith.addi %add3A_110, %mul3A_136 : i32
      %dma_start3A_138 = arith.constant 0 : i32
      %dma_start3A_139 = tpu.memref_slice %arg5[%add3A_137, %dma_start3A_138] : memref<8192x1024xf32, #tpu.memory_space<hbm>> -> memref<8x1024xf32, #tpu.memory_space<hbm>>
      %dma_start3A_140 = arith.constant 0 : i32
      %dma_start3A_141 = tpu.memref_slice %arg5[%add3A_137, %dma_start3A_140] : memref<8192x1024xf32, #tpu.memory_space<hbm>> -> memref<8x1024xf32, #tpu.memory_space<hbm>>
      tpu.enqueue_dma source(%arg8 : memref<8x1024xf32, #tpu.memory_space<vmem>>) target(%dma_start3A_141 : memref<8x1024xf32, #tpu.memory_space<hbm>>) target_semaphore(%arg16 : memref<!tpu.dma_semaphore, #tpu.memory_space<semaphore_mem>>)
      %add3A_142 = arith.constant 2 : i32
      %add3A_143 = arith.addi %add3A_65, %add3A_142 : i32
      %lt3A_144 = arith.constant 32 : i32
      %lt3A_145 = arith.cmpi slt, %add3A_143, %lt3A_144 : i32
      %ge3A = arith.constant 4 : i32
      %ge3A_146 = arith.cmpi sge, %add3A_143, %ge3A : i32
      %and3A_147 = arith.andi %lt3A_145, %ge3A_146 : i1
      %convert_element_type3A = arith.extui %and3A_147 : i1 to i32
      %cond3A = arith.constant 0 : i32
      %cond3A_148 = arith.cmpi ne, %convert_element_type3A, %cond3A : i32
      scf.if %cond3A_148 {
        %dma_wait3A_466 = arith.constant 0 : i32
        %dma_wait3A_467 = arith.constant 0 : i32
        %dma_wait3A_468 = tpu.memref_slice %arg5[%dma_wait3A_466, %dma_wait3A_467] : memref<8192x1024xf32, #tpu.memory_space<hbm>> -> memref<8x1024xf32, #tpu.memory_space<hbm>>
        %dma_wait3A_469 = arith.constant 0 : i32
        %dma_wait3A_470 = arith.constant 0 : i32
        %dma_wait3A_471 = tpu.memref_slice %arg5[%dma_wait3A_469, %dma_wait3A_470] : memref<8192x1024xf32, #tpu.memory_space<hbm>> -> memref<8x1024xf32, #tpu.memory_space<hbm>>
        tpu.wait_dma2 semaphore(%arg18 : memref<!tpu.dma_semaphore, #tpu.memory_space<semaphore_mem>>) src(%arg10 : memref<8x1024xf32, #tpu.memory_space<vmem>>) dst(%dma_wait3A_471 : memref<8x1024xf32, #tpu.memory_space<hbm>>)
      } else {
      }
      %lt3A_149 = arith.constant 32 : i32
      %lt3A_150 = arith.cmpi slt, %add3A_143, %lt3A_149 : i32
      %convert_element_type3A_151 = arith.extui %lt3A_150 : i1 to i32
      %cond3A_152 = arith.constant 0 : i32
      %cond3A_153 = arith.cmpi ne, %convert_element_type3A_151, %cond3A_152 : i32
      scf.if %cond3A_153 {
        %jit3A_466 = arith.constant 4 : i32
        %eq3A_467 = arith.constant 0 : i32
        %eq3A_468 = arith.cmpi eq, %jit3A_466, %eq3A_467 : i32
        %jit3A_469 = arith.constant 1 : i32
        %select_n3A_470 = arith.select %eq3A_468, %jit3A_469, %jit3A_466 : i32
        %rem3A_471 = arith.remsi %add3A_143, %select_n3A_470 : i32
        %ne3A_472 = arith.constant 0 : i32
        %ne3A_473 = arith.cmpi ne, %rem3A_471, %ne3A_472 : i32
        %lt3A_474 = arith.constant 0 : i32
        %lt3A_475 = arith.cmpi slt, %rem3A_471, %lt3A_474 : i32
        %lt3A_476 = arith.constant 0 : i32
        %lt3A_477 = arith.cmpi slt, %select_n3A_470, %lt3A_476 : i32
        %ne3A_478 = arith.xori %lt3A_475, %lt3A_477 : i1
        %and3A_479 = arith.andi %ne3A_478, %ne3A_473 : i1
        %add3A_480 = arith.addi %rem3A_471, %select_n3A_470 : i32
        %select_n3A_481 = arith.select %and3A_479, %add3A_480, %rem3A_471 : i32
        %jit3A_482 = arith.constant 4 : i32
        %div3A_483 = arith.divsi %add3A_143, %jit3A_482 : i32
        %sign3A_484 = arith.constant 0 : i32
        %sign3A_485 = arith.cmpi sgt, %add3A_143, %sign3A_484 : i32
        %sign3A_486 = arith.extui %sign3A_485 : i1 to i32
        %sign3A_487 = arith.constant 0 : i32
        %sign3A_488 = arith.cmpi slt, %add3A_143, %sign3A_487 : i32
        %sign3A_489 = arith.extui %sign3A_488 : i1 to i32
        %sign3A_490 = arith.subi %sign3A_486, %sign3A_489 : i32
        %sign3A_491 = arith.constant 0 : i32
        %sign3A_492 = arith.cmpi sgt, %jit3A_482, %sign3A_491 : i32
        %sign3A_493 = arith.extui %sign3A_492 : i1 to i32
        %sign3A_494 = arith.constant 0 : i32
        %sign3A_495 = arith.cmpi slt, %jit3A_482, %sign3A_494 : i32
        %sign3A_496 = arith.extui %sign3A_495 : i1 to i32
        %sign3A_497 = arith.subi %sign3A_493, %sign3A_496 : i32
        %ne3A_498 = arith.cmpi ne, %sign3A_490, %sign3A_497 : i32
        %rem3A_499 = arith.remsi %add3A_143, %jit3A_482 : i32
        %ne3A_500 = arith.constant 0 : i32
        %ne3A_501 = arith.cmpi ne, %rem3A_499, %ne3A_500 : i32
        %and3A_502 = arith.andi %ne3A_498, %ne3A_501 : i1
        %sub3A_503 = arith.constant 1 : i32
        %sub3A_504 = arith.subi %div3A_483, %sub3A_503 : i32
        %select_n3A_505 = arith.select %and3A_502, %sub3A_504, %div3A_483 : i32
        %dma_start3A_506 = arith.constant 0 : i32
        %dma_start3A_507 = tpu.memref_slice %arg6[%select_n3A_481, %select_n3A_505, %dma_start3A_506] : memref<4x8x8xi32, #tpu.memory_space<vmem>> -> memref<1x1x8xi32, #tpu.memory_space<vmem>>
        %dma_start3A_508 = tpu.memref_squeeze %dma_start3A_507 : memref<1x1x8xi32, #tpu.memory_space<vmem>> -> memref<8xi32, #tpu.memory_space<vmem>>
        %dma_start3A_509 = arith.constant 0 : i32
        %dma_start3A_510 = arith.constant 0 : i32
        %dma_start3A_511 = tpu.memref_slice %arg3[%dma_start3A_509, %dma_start3A_510] : memref<100000x1024xf32, #tpu.memory_space<hbm>> -> memref<100000x1024xf32, #tpu.memory_space<hbm>>
        tpu.enqueue_indirect_dma source(%dma_start3A_511 : memref<100000x1024xf32, #tpu.memory_space<hbm>>) target(%arg10 : memref<8x1024xf32, #tpu.memory_space<vmem>>) offsets(%dma_start3A_508 : memref<8xi32, #tpu.memory_space<vmem>>) semaphore(%arg14 : memref<!tpu.dma_semaphore, #tpu.memory_space<semaphore_mem>>)
      } else {
      }
      %add3A_154 = arith.constant 1 : i32
      %add3A_155 = arith.addi %mul3A_63, %add3A_154 : i32
      %dma_wait3A_156 = arith.constant 0 : i32
      %dma_wait3A_157 = arith.constant 0 : i32
      %dma_wait3A_158 = arith.constant 0 : i32
      %dma_wait3A_159 = tpu.memref_slice %arg6[%dma_wait3A_156, %dma_wait3A_157, %dma_wait3A_158] : memref<4x8x8xi32, #tpu.memory_space<vmem>> -> memref<1x1x8xi32, #tpu.memory_space<vmem>>
      %dma_wait3A_160 = tpu.memref_squeeze %dma_wait3A_159 : memref<1x1x8xi32, #tpu.memory_space<vmem>> -> memref<8xi32, #tpu.memory_space<vmem>>
      %dma_wait3A_161 = arith.constant 0 : i32
      %dma_wait3A_162 = arith.constant 0 : i32
      %dma_wait3A_163 = tpu.memref_slice %arg3[%dma_wait3A_161, %dma_wait3A_162] : memref<100000x1024xf32, #tpu.memory_space<hbm>> -> memref<100000x1024xf32, #tpu.memory_space<hbm>>
      tpu.wait_indirect_dma semaphore(%arg13 : memref<!tpu.dma_semaphore, #tpu.memory_space<semaphore_mem>>) src(%dma_wait3A_163 : memref<100000x1024xf32, #tpu.memory_space<hbm>>) dst(%arg9 : memref<8x1024xf32, #tpu.memory_space<vmem>>)
      %jit3A_164 = arith.constant 4 : i32
      %div3A_165 = arith.divsi %add3A_155, %jit3A_164 : i32
      %sign3A_166 = arith.constant 0 : i32
      %sign3A_167 = arith.cmpi sgt, %add3A_155, %sign3A_166 : i32
      %sign3A_168 = arith.extui %sign3A_167 : i1 to i32
      %sign3A_169 = arith.constant 0 : i32
      %sign3A_170 = arith.cmpi slt, %add3A_155, %sign3A_169 : i32
      %sign3A_171 = arith.extui %sign3A_170 : i1 to i32
      %sign3A_172 = arith.subi %sign3A_168, %sign3A_171 : i32
      %sign3A_173 = arith.constant 0 : i32
      %sign3A_174 = arith.cmpi sgt, %jit3A_164, %sign3A_173 : i32
      %sign3A_175 = arith.extui %sign3A_174 : i1 to i32
      %sign3A_176 = arith.constant 0 : i32
      %sign3A_177 = arith.cmpi slt, %jit3A_164, %sign3A_176 : i32
      %sign3A_178 = arith.extui %sign3A_177 : i1 to i32
      %sign3A_179 = arith.subi %sign3A_175, %sign3A_178 : i32
      %ne3A_180 = arith.cmpi ne, %sign3A_172, %sign3A_179 : i32
      %rem3A_181 = arith.remsi %add3A_155, %jit3A_164 : i32
      %ne3A_182 = arith.constant 0 : i32
      %ne3A_183 = arith.cmpi ne, %rem3A_181, %ne3A_182 : i32
      %and3A_184 = arith.andi %ne3A_180, %ne3A_183 : i1
      %sub3A_185 = arith.constant 1 : i32
      %sub3A_186 = arith.subi %div3A_165, %sub3A_185 : i32
      %select_n3A_187 = arith.select %and3A_184, %sub3A_186, %div3A_165 : i32
      %mul3A_188 = arith.constant 8 : i32
      %mul3A_189 = arith.muli %select_n3A_187, %mul3A_188 : i32
      %parallel_loop3A_190 = arith.constant 0 : i32
      %parallel_loop3A_191 = arith.constant 64 : i32
      %parallel_loop3A_192 = arith.constant 1 : i32
      scf.for %parallel_loop3A_466 = %parallel_loop3A_190 to %parallel_loop3A_191 step %parallel_loop3A_192  : i32 {
        %parallel_loop3A_467 = arith.constant 16 : i32
        %parallel_loop3A_468 = arith.muli %parallel_loop3A_466, %parallel_loop3A_467 : i32
        %parallel_loop3A_469 = arith.constant 0 : i32
        %parallel_loop3A_470 = arith.index_cast %parallel_loop3A_469 : i32 to index
        %parallel_loop3A_471 = arith.index_cast %parallel_loop3A_468 : i32 to index
        %parallel_loop3A_472 = tpu.vector_load %arg9[%parallel_loop3A_470, %parallel_loop3A_471] {strides = array<i32>} : memref<8x1024xf32, #tpu.memory_space<vmem>>, vector<1x16xf32>,
        %parallel_loop3A_473 = vector.shape_cast %parallel_loop3A_472 : vector<1x16xf32> to vector<16xf32>
        %parallel_loop3A_474 = arith.constant 0 : i32
        %parallel_loop3A_475 = arith.addi %mul3A_189, %parallel_loop3A_474 : i32
        %parallel_loop3A_476 = arith.index_cast %parallel_loop3A_475 : i32 to index
        %parallel_loop3A_477 = arith.index_cast %parallel_loop3A_468 : i32 to index
        %parallel_loop3A_478 = tpu.vector_load %arg7[%parallel_loop3A_476, %parallel_loop3A_477] {strides = array<i32>} : memref<64x1024xf32, #tpu.memory_space<vmem>>, vector<1x16xf32>,
        %parallel_loop3A_479 = vector.shape_cast %parallel_loop3A_478 : vector<1x16xf32> to vector<16xf32>
        %parallel_loop3A_480 = arith.addf %parallel_loop3A_473, %parallel_loop3A_479 : vector<16xf32>
        %parallel_loop3A_481 = arith.constant 0 : i32
        %parallel_loop3A_482 = arith.index_cast %parallel_loop3A_481 : i32 to index
        %parallel_loop3A_483 = arith.index_cast %parallel_loop3A_468 : i32 to index
        %parallel_loop3A_484 = tpu.vector_load %arg9[%parallel_loop3A_482, %parallel_loop3A_483] {strides = array<i32>} : memref<8x1024xf32, #tpu.memory_space<vmem>>, vector<1x16xf32>,
        %parallel_loop3A_485 = vector.shape_cast %parallel_loop3A_484 : vector<1x16xf32> to vector<16xf32>
        %parallel_loop3A_486 = vector.shape_cast %parallel_loop3A_480 : vector<16xf32> to vector<1x16xf32>
        tpu.vector_store %arg9[%parallel_loop3A_482, %parallel_loop3A_483], %parallel_loop3A_486 {strides = array<i32>} : memref<8x1024xf32, #tpu.memory_space<vmem>>, vector<1x16xf32>,
        %parallel_loop3A_487 = arith.constant 1 : i32
        %parallel_loop3A_488 = arith.index_cast %parallel_loop3A_487 : i32 to index
        %parallel_loop3A_489 = arith.index_cast %parallel_loop3A_468 : i32 to index
        %parallel_loop3A_490 = tpu.vector_load %arg9[%parallel_loop3A_488, %parallel_loop3A_489] {strides = array<i32>} : memref<8x1024xf32, #tpu.memory_space<vmem>>, vector<1x16xf32>,
        %parallel_loop3A_491 = vector.shape_cast %parallel_loop3A_490 : vector<1x16xf32> to vector<16xf32>
        %parallel_loop3A_492 = arith.constant 1 : i32
        %parallel_loop3A_493 = arith.addi %mul3A_189, %parallel_loop3A_492 : i32
        %parallel_loop3A_494 = arith.index_cast %parallel_loop3A_493 : i32 to index
        %parallel_loop3A_495 = arith.index_cast %parallel_loop3A_468 : i32 to index
        %parallel_loop3A_496 = tpu.vector_load %arg7[%parallel_loop3A_494, %parallel_loop3A_495] {strides = array<i32>} : memref<64x1024xf32, #tpu.memory_space<vmem>>, vector<1x16xf32>,
        %parallel_loop3A_497 = vector.shape_cast %parallel_loop3A_496 : vector<1x16xf32> to vector<16xf32>
        %parallel_loop3A_498 = arith.addf %parallel_loop3A_491, %parallel_loop3A_497 : vector<16xf32>
        %parallel_loop3A_499 = arith.constant 1 : i32
        %parallel_loop3A_500 = arith.index_cast %parallel_loop3A_499 : i32 to index
        %parallel_loop3A_501 = arith.index_cast %parallel_loop3A_468 : i32 to index
        %parallel_loop3A_502 = tpu.vector_load %arg9[%parallel_loop3A_500, %parallel_loop3A_501] {strides = array<i32>} : memref<8x1024xf32, #tpu.memory_space<vmem>>, vector<1x16xf32>,
        %parallel_loop3A_503 = vector.shape_cast %parallel_loop3A_502 : vector<1x16xf32> to vector<16xf32>
        %parallel_loop3A_504 = vector.shape_cast %parallel_loop3A_498 : vector<16xf32> to vector<1x16xf32>
        tpu.vector_store %arg9[%parallel_loop3A_500, %parallel_loop3A_501], %parallel_loop3A_504 {strides = array<i32>} : memref<8x1024xf32, #tpu.memory_space<vmem>>, vector<1x16xf32>,
        %parallel_loop3A_505 = arith.constant 2 : i32
        %parallel_loop3A_506 = arith.index_cast %parallel_loop3A_505 : i32 to index
        %parallel_loop3A_507 = arith.index_cast %parallel_loop3A_468 : i32 to index
        %parallel_loop3A_508 = tpu.vector_load %arg9[%parallel_loop3A_506, %parallel_loop3A_507] {strides = array<i32>} : memref<8x1024xf32, #tpu.memory_space<vmem>>, vector<1x16xf32>,
        %parallel_loop3A_509 = vector.shape_cast %parallel_loop3A_508 : vector<1x16xf32> to vector<16xf32>
        %parallel_loop3A_510 = arith.constant 2 : i32
        %parallel_loop3A_511 = arith.addi %mul3A_189, %parallel_loop3A_510 : i32
        %parallel_loop3A_512 = arith.index_cast %parallel_loop3A_511 : i32 to index
        %parallel_loop3A_513 = arith.index_cast %parallel_loop3A_468 : i32 to index
        %parallel_loop3A_514 = tpu.vector_load %arg7[%parallel_loop3A_512, %parallel_loop3A_513] {strides = array<i32>} : memref<64x1024xf32, #tpu.memory_space<vmem>>, vector<1x16xf32>,
        %parallel_loop3A_515 = vector.shape_cast %parallel_loop3A_514 : vector<1x16xf32> to vector<16xf32>
        %parallel_loop3A_516 = arith.addf %parallel_loop3A_509, %parallel_loop3A_515 : vector<16xf32>
        %parallel_loop3A_517 = arith.constant 2 : i32
        %parallel_loop3A_518 = arith.index_cast %parallel_loop3A_517 : i32 to index
        %parallel_loop3A_519 = arith.index_cast %parallel_loop3A_468 : i32 to index
        %parallel_loop3A_520 = tpu.vector_load %arg9[%parallel_loop3A_518, %parallel_loop3A_519] {strides = array<i32>} : memref<8x1024xf32, #tpu.memory_space<vmem>>, vector<1x16xf32>,
        %parallel_loop3A_521 = vector.shape_cast %parallel_loop3A_520 : vector<1x16xf32> to vector<16xf32>
        %parallel_loop3A_522 = vector.shape_cast %parallel_loop3A_516 : vector<16xf32> to vector<1x16xf32>
        tpu.vector_store %arg9[%parallel_loop3A_518, %parallel_loop3A_519], %parallel_loop3A_522 {strides = array<i32>} : memref<8x1024xf32, #tpu.memory_space<vmem>>, vector<1x16xf32>,
        %parallel_loop3A_523 = arith.constant 3 : i32
        %parallel_loop3A_524 = arith.index_cast %parallel_loop3A_523 : i32 to index
        %parallel_loop3A_525 = arith.index_cast %parallel_loop3A_468 : i32 to index
        %parallel_loop3A_526 = tpu.vector_load %arg9[%parallel_loop3A_524, %parallel_loop3A_525] {strides = array<i32>} : memref<8x1024xf32, #tpu.memory_space<vmem>>, vector<1x16xf32>,
        %parallel_loop3A_527 = vector.shape_cast %parallel_loop3A_526 : vector<1x16xf32> to vector<16xf32>
        %parallel_loop3A_528 = arith.constant 3 : i32
        %parallel_loop3A_529 = arith.addi %mul3A_189, %parallel_loop3A_528 : i32
        %parallel_loop3A_530 = arith.index_cast %parallel_loop3A_529 : i32 to index
        %parallel_loop3A_531 = arith.index_cast %parallel_loop3A_468 : i32 to index
        %parallel_loop3A_532 = tpu.vector_load %arg7[%parallel_loop3A_530, %parallel_loop3A_531] {strides = array<i32>} : memref<64x1024xf32, #tpu.memory_space<vmem>>, vector<1x16xf32>,
        %parallel_loop3A_533 = vector.shape_cast %parallel_loop3A_532 : vector<1x16xf32> to vector<16xf32>
        %parallel_loop3A_534 = arith.addf %parallel_loop3A_527, %parallel_loop3A_533 : vector<16xf32>
        %parallel_loop3A_535 = arith.constant 3 : i32
        %parallel_loop3A_536 = arith.index_cast %parallel_loop3A_535 : i32 to index
        %parallel_loop3A_537 = arith.index_cast %parallel_loop3A_468 : i32 to index
        %parallel_loop3A_538 = tpu.vector_load %arg9[%parallel_loop3A_536, %parallel_loop3A_537] {strides = array<i32>} : memref<8x1024xf32, #tpu.memory_space<vmem>>, vector<1x16xf32>,
        %parallel_loop3A_539 = vector.shape_cast %parallel_loop3A_538 : vector<1x16xf32> to vector<16xf32>
        %parallel_loop3A_540 = vector.shape_cast %parallel_loop3A_534 : vector<16xf32> to vector<1x16xf32>
        tpu.vector_store %arg9[%parallel_loop3A_536, %parallel_loop3A_537], %parallel_loop3A_540 {strides = array<i32>} : memref<8x1024xf32, #tpu.memory_space<vmem>>, vector<1x16xf32>,
        %parallel_loop3A_541 = arith.constant 4 : i32
        %parallel_loop3A_542 = arith.index_cast %parallel_loop3A_541 : i32 to index
        %parallel_loop3A_543 = arith.index_cast %parallel_loop3A_468 : i32 to index
        %parallel_loop3A_544 = tpu.vector_load %arg9[%parallel_loop3A_542, %parallel_loop3A_543] {strides = array<i32>} : memref<8x1024xf32, #tpu.memory_space<vmem>>, vector<1x16xf32>,
        %parallel_loop3A_545 = vector.shape_cast %parallel_loop3A_544 : vector<1x16xf32> to vector<16xf32>
        %parallel_loop3A_546 = arith.constant 4 : i32
        %parallel_loop3A_547 = arith.addi %mul3A_189, %parallel_loop3A_546 : i32
        %parallel_loop3A_548 = arith.index_cast %parallel_loop3A_547 : i32 to index
        %parallel_loop3A_549 = arith.index_cast %parallel_loop3A_468 : i32 to index
        %parallel_loop3A_550 = tpu.vector_load %arg7[%parallel_loop3A_548, %parallel_loop3A_549] {strides = array<i32>} : memref<64x1024xf32, #tpu.memory_space<vmem>>, vector<1x16xf32>,
        %parallel_loop3A_551 = vector.shape_cast %parallel_loop3A_550 : vector<1x16xf32> to vector<16xf32>
        %parallel_loop3A_552 = arith.addf %parallel_loop3A_545, %parallel_loop3A_551 : vector<16xf32>
        %parallel_loop3A_553 = arith.constant 4 : i32
        %parallel_loop3A_554 = arith.index_cast %parallel_loop3A_553 : i32 to index
        %parallel_loop3A_555 = arith.index_cast %parallel_loop3A_468 : i32 to index
        %parallel_loop3A_556 = tpu.vector_load %arg9[%parallel_loop3A_554, %parallel_loop3A_555] {strides = array<i32>} : memref<8x1024xf32, #tpu.memory_space<vmem>>, vector<1x16xf32>,
        %parallel_loop3A_557 = vector.shape_cast %parallel_loop3A_556 : vector<1x16xf32> to vector<16xf32>
        %parallel_loop3A_558 = vector.shape_cast %parallel_loop3A_552 : vector<16xf32> to vector<1x16xf32>
        tpu.vector_store %arg9[%parallel_loop3A_554, %parallel_loop3A_555], %parallel_loop3A_558 {strides = array<i32>} : memref<8x1024xf32, #tpu.memory_space<vmem>>, vector<1x16xf32>,
        %parallel_loop3A_559 = arith.constant 5 : i32
        %parallel_loop3A_560 = arith.index_cast %parallel_loop3A_559 : i32 to index
        %parallel_loop3A_561 = arith.index_cast %parallel_loop3A_468 : i32 to index
        %parallel_loop3A_562 = tpu.vector_load %arg9[%parallel_loop3A_560, %parallel_loop3A_561] {strides = array<i32>} : memref<8x1024xf32, #tpu.memory_space<vmem>>, vector<1x16xf32>,
        %parallel_loop3A_563 = vector.shape_cast %parallel_loop3A_562 : vector<1x16xf32> to vector<16xf32>
        %parallel_loop3A_564 = arith.constant 5 : i32
        %parallel_loop3A_565 = arith.addi %mul3A_189, %parallel_loop3A_564 : i32
        %parallel_loop3A_566 = arith.index_cast %parallel_loop3A_565 : i32 to index
        %parallel_loop3A_567 = arith.index_cast %parallel_loop3A_468 : i32 to index
        %parallel_loop3A_568 = tpu.vector_load %arg7[%parallel_loop3A_566, %parallel_loop3A_567] {strides = array<i32>} : memref<64x1024xf32, #tpu.memory_space<vmem>>, vector<1x16xf32>,
        %parallel_loop3A_569 = vector.shape_cast %parallel_loop3A_568 : vector<1x16xf32> to vector<16xf32>
        %parallel_loop3A_570 = arith.addf %parallel_loop3A_563, %parallel_loop3A_569 : vector<16xf32>
        %parallel_loop3A_571 = arith.constant 5 : i32
        %parallel_loop3A_572 = arith.index_cast %parallel_loop3A_571 : i32 to index
        %parallel_loop3A_573 = arith.index_cast %parallel_loop3A_468 : i32 to index
        %parallel_loop3A_574 = tpu.vector_load %arg9[%parallel_loop3A_572, %parallel_loop3A_573] {strides = array<i32>} : memref<8x1024xf32, #tpu.memory_space<vmem>>, vector<1x16xf32>,
        %parallel_loop3A_575 = vector.shape_cast %parallel_loop3A_574 : vector<1x16xf32> to vector<16xf32>
        %parallel_loop3A_576 = vector.shape_cast %parallel_loop3A_570 : vector<16xf32> to vector<1x16xf32>
        tpu.vector_store %arg9[%parallel_loop3A_572, %parallel_loop3A_573], %parallel_loop3A_576 {strides = array<i32>} : memref<8x1024xf32, #tpu.memory_space<vmem>>, vector<1x16xf32>,
        %parallel_loop3A_577 = arith.constant 6 : i32
        %parallel_loop3A_578 = arith.index_cast %parallel_loop3A_577 : i32 to index
        %parallel_loop3A_579 = arith.index_cast %parallel_loop3A_468 : i32 to index
        %parallel_loop3A_580 = tpu.vector_load %arg9[%parallel_loop3A_578, %parallel_loop3A_579] {strides = array<i32>} : memref<8x1024xf32, #tpu.memory_space<vmem>>, vector<1x16xf32>,
        %parallel_loop3A_581 = vector.shape_cast %parallel_loop3A_580 : vector<1x16xf32> to vector<16xf32>
        %parallel_loop3A_582 = arith.constant 6 : i32
        %parallel_loop3A_583 = arith.addi %mul3A_189, %parallel_loop3A_582 : i32
        %parallel_loop3A_584 = arith.index_cast %parallel_loop3A_583 : i32 to index
        %parallel_loop3A_585 = arith.index_cast %parallel_loop3A_468 : i32 to index
        %parallel_loop3A_586 = tpu.vector_load %arg7[%parallel_loop3A_584, %parallel_loop3A_585] {strides = array<i32>} : memref<64x1024xf32, #tpu.memory_space<vmem>>, vector<1x16xf32>,
        %parallel_loop3A_587 = vector.shape_cast %parallel_loop3A_586 : vector<1x16xf32> to vector<16xf32>
        %parallel_loop3A_588 = arith.addf %parallel_loop3A_581, %parallel_loop3A_587 : vector<16xf32>
        %parallel_loop3A_589 = arith.constant 6 : i32
        %parallel_loop3A_590 = arith.index_cast %parallel_loop3A_589 : i32 to index
        %parallel_loop3A_591 = arith.index_cast %parallel_loop3A_468 : i32 to index
        %parallel_loop3A_592 = tpu.vector_load %arg9[%parallel_loop3A_590, %parallel_loop3A_591] {strides = array<i32>} : memref<8x1024xf32, #tpu.memory_space<vmem>>, vector<1x16xf32>,
        %parallel_loop3A_593 = vector.shape_cast %parallel_loop3A_592 : vector<1x16xf32> to vector<16xf32>
        %parallel_loop3A_594 = vector.shape_cast %parallel_loop3A_588 : vector<16xf32> to vector<1x16xf32>
        tpu.vector_store %arg9[%parallel_loop3A_590, %parallel_loop3A_591], %parallel_loop3A_594 {strides = array<i32>} : memref<8x1024xf32, #tpu.memory_space<vmem>>, vector<1x16xf32>,
        %parallel_loop3A_595 = arith.constant 7 : i32
        %parallel_loop3A_596 = arith.index_cast %parallel_loop3A_595 : i32 to index
        %parallel_loop3A_597 = arith.index_cast %parallel_loop3A_468 : i32 to index
        %parallel_loop3A_598 = tpu.vector_load %arg9[%parallel_loop3A_596, %parallel_loop3A_597] {strides = array<i32>} : memref<8x1024xf32, #tpu.memory_space<vmem>>, vector<1x16xf32>,
        %parallel_loop3A_599 = vector.shape_cast %parallel_loop3A_598 : vector<1x16xf32> to vector<16xf32>
        %parallel_loop3A_600 = arith.constant 7 : i32
        %parallel_loop3A_601 = arith.addi %mul3A_189, %parallel_loop3A_600 : i32
        %parallel_loop3A_602 = arith.index_cast %parallel_loop3A_601 : i32 to index
        %parallel_loop3A_603 = arith.index_cast %parallel_loop3A_468 : i32 to index
        %parallel_loop3A_604 = tpu.vector_load %arg7[%parallel_loop3A_602, %parallel_loop3A_603] {strides = array<i32>} : memref<64x1024xf32, #tpu.memory_space<vmem>>, vector<1x16xf32>,
        %parallel_loop3A_605 = vector.shape_cast %parallel_loop3A_604 : vector<1x16xf32> to vector<16xf32>
        %parallel_loop3A_606 = arith.addf %parallel_loop3A_599, %parallel_loop3A_605 : vector<16xf32>
        %parallel_loop3A_607 = arith.constant 7 : i32
        %parallel_loop3A_608 = arith.index_cast %parallel_loop3A_607 : i32 to index
        %parallel_loop3A_609 = arith.index_cast %parallel_loop3A_468 : i32 to index
        %parallel_loop3A_610 = tpu.vector_load %arg9[%parallel_loop3A_608, %parallel_loop3A_609] {strides = array<i32>} : memref<8x1024xf32, #tpu.memory_space<vmem>>, vector<1x16xf32>,
        %parallel_loop3A_611 = vector.shape_cast %parallel_loop3A_610 : vector<1x16xf32> to vector<16xf32>
        %parallel_loop3A_612 = vector.shape_cast %parallel_loop3A_606 : vector<16xf32> to vector<1x16xf32>
        tpu.vector_store %arg9[%parallel_loop3A_608, %parallel_loop3A_609], %parallel_loop3A_612 {strides = array<i32>} : memref<8x1024xf32, #tpu.memory_space<vmem>>, vector<1x16xf32>,
      } {sc.loop_unroll_factor = 1 : i64, sc.parallel_access}
      %jit3A_193 = arith.constant 4 : i32
      %eq3A_194 = arith.constant 0 : i32
      %eq3A_195 = arith.cmpi eq, %jit3A_193, %eq3A_194 : i32
      %jit3A_196 = arith.constant 1 : i32
      %select_n3A_197 = arith.select %eq3A_195, %jit3A_196, %jit3A_193 : i32
      %rem3A_198 = arith.remsi %add3A_155, %select_n3A_197 : i32
      %ne3A_199 = arith.constant 0 : i32
      %ne3A_200 = arith.cmpi ne, %rem3A_198, %ne3A_199 : i32
      %lt3A_201 = arith.constant 0 : i32
      %lt3A_202 = arith.cmpi slt, %rem3A_198, %lt3A_201 : i32
      %lt3A_203 = arith.constant 0 : i32
      %lt3A_204 = arith.cmpi slt, %select_n3A_197, %lt3A_203 : i32
      %ne3A_205 = arith.xori %lt3A_202, %lt3A_204 : i1
      %and3A_206 = arith.andi %ne3A_205, %ne3A_200 : i1
      %add3A_207 = arith.addi %rem3A_198, %select_n3A_197 : i32
      %select_n3A_208 = arith.select %and3A_206, %add3A_207, %rem3A_198 : i32
      %mul3A_209 = arith.constant 2048 : i32
      %mul3A_210 = arith.muli %select_n3A_208, %mul3A_209 : i32
      %add3A_211 = arith.addi %mul3A_210, %mul3A_2 : i32
      %jit3A_212 = arith.constant 4 : i32
      %div3A_213 = arith.divsi %add3A_155, %jit3A_212 : i32
      %sign3A_214 = arith.constant 0 : i32
      %sign3A_215 = arith.cmpi sgt, %add3A_155, %sign3A_214 : i32
      %sign3A_216 = arith.extui %sign3A_215 : i1 to i32
      %sign3A_217 = arith.constant 0 : i32
      %sign3A_218 = arith.cmpi slt, %add3A_155, %sign3A_217 : i32
      %sign3A_219 = arith.extui %sign3A_218 : i1 to i32
      %sign3A_220 = arith.subi %sign3A_216, %sign3A_219 : i32
      %sign3A_221 = arith.constant 0 : i32
      %sign3A_222 = arith.cmpi sgt, %jit3A_212, %sign3A_221 : i32
      %sign3A_223 = arith.extui %sign3A_222 : i1 to i32
      %sign3A_224 = arith.constant 0 : i32
      %sign3A_225 = arith.cmpi slt, %jit3A_212, %sign3A_224 : i32
      %sign3A_226 = arith.extui %sign3A_225 : i1 to i32
      %sign3A_227 = arith.subi %sign3A_223, %sign3A_226 : i32
      %ne3A_228 = arith.cmpi ne, %sign3A_220, %sign3A_227 : i32
      %rem3A_229 = arith.remsi %add3A_155, %jit3A_212 : i32
      %ne3A_230 = arith.constant 0 : i32
      %ne3A_231 = arith.cmpi ne, %rem3A_229, %ne3A_230 : i32
      %and3A_232 = arith.andi %ne3A_228, %ne3A_231 : i1
      %sub3A_233 = arith.constant 1 : i32
      %sub3A_234 = arith.subi %div3A_213, %sub3A_233 : i32
      %select_n3A_235 = arith.select %and3A_232, %sub3A_234, %div3A_213 : i32
      %mul3A_236 = arith.constant 8 : i32
      %mul3A_237 = arith.muli %select_n3A_235, %mul3A_236 : i32
      %add3A_238 = arith.addi %add3A_211, %mul3A_237 : i32
      %dma_start3A_239 = arith.constant 0 : i32
      %dma_start3A_240 = tpu.memref_slice %arg5[%add3A_238, %dma_start3A_239] : memref<8192x1024xf32, #tpu.memory_space<hbm>> -> memref<8x1024xf32, #tpu.memory_space<hbm>>
      %dma_start3A_241 = arith.constant 0 : i32
      %dma_start3A_242 = tpu.memref_slice %arg5[%add3A_238, %dma_start3A_241] : memref<8192x1024xf32, #tpu.memory_space<hbm>> -> memref<8x1024xf32, #tpu.memory_space<hbm>>
      tpu.enqueue_dma source(%arg9 : memref<8x1024xf32, #tpu.memory_space<vmem>>) target(%dma_start3A_242 : memref<8x1024xf32, #tpu.memory_space<hbm>>) target_semaphore(%arg17 : memref<!tpu.dma_semaphore, #tpu.memory_space<semaphore_mem>>)
      %add3A_243 = arith.constant 2 : i32
      %add3A_244 = arith.addi %add3A_155, %add3A_243 : i32
      %lt3A_245 = arith.constant 32 : i32
      %lt3A_246 = arith.cmpi slt, %add3A_244, %lt3A_245 : i32
      %ge3A_247 = arith.constant 4 : i32
      %ge3A_248 = arith.cmpi sge, %add3A_244, %ge3A_247 : i32
      %and3A_249 = arith.andi %lt3A_246, %ge3A_248 : i1
      %convert_element_type3A_250 = arith.extui %and3A_249 : i1 to i32
      %cond3A_251 = arith.constant 0 : i32
      %cond3A_252 = arith.cmpi ne, %convert_element_type3A_250, %cond3A_251 : i32
      scf.if %cond3A_252 {
        %dma_wait3A_466 = arith.constant 0 : i32
        %dma_wait3A_467 = arith.constant 0 : i32
        %dma_wait3A_468 = tpu.memref_slice %arg5[%dma_wait3A_466, %dma_wait3A_467] : memref<8192x1024xf32, #tpu.memory_space<hbm>> -> memref<8x1024xf32, #tpu.memory_space<hbm>>
        %dma_wait3A_469 = arith.constant 0 : i32
        %dma_wait3A_470 = arith.constant 0 : i32
        %dma_wait3A_471 = tpu.memref_slice %arg5[%dma_wait3A_469, %dma_wait3A_470] : memref<8192x1024xf32, #tpu.memory_space<hbm>> -> memref<8x1024xf32, #tpu.memory_space<hbm>>
        tpu.wait_dma2 semaphore(%arg19 : memref<!tpu.dma_semaphore, #tpu.memory_space<semaphore_mem>>) src(%arg11 : memref<8x1024xf32, #tpu.memory_space<vmem>>) dst(%dma_wait3A_471 : memref<8x1024xf32, #tpu.memory_space<hbm>>)
      } else {
      }
      %lt3A_253 = arith.constant 32 : i32
      %lt3A_254 = arith.cmpi slt, %add3A_244, %lt3A_253 : i32
      %convert_element_type3A_255 = arith.extui %lt3A_254 : i1 to i32
      %cond3A_256 = arith.constant 0 : i32
      %cond3A_257 = arith.cmpi ne, %convert_element_type3A_255, %cond3A_256 : i32
      scf.if %cond3A_257 {
        %jit3A_466 = arith.constant 4 : i32
        %eq3A_467 = arith.constant 0 : i32
        %eq3A_468 = arith.cmpi eq, %jit3A_466, %eq3A_467 : i32
        %jit3A_469 = arith.constant 1 : i32
        %select_n3A_470 = arith.select %eq3A_468, %jit3A_469, %jit3A_466 : i32
        %rem3A_471 = arith.remsi %add3A_244, %select_n3A_470 : i32
        %ne3A_472 = arith.constant 0 : i32
        %ne3A_473 = arith.cmpi ne, %rem3A_471, %ne3A_472 : i32
        %lt3A_474 = arith.constant 0 : i32
        %lt3A_475 = arith.cmpi slt, %rem3A_471, %lt3A_474 : i32
        %lt3A_476 = arith.constant 0 : i32
        %lt3A_477 = arith.cmpi slt, %select_n3A_470, %lt3A_476 : i32
        %ne3A_478 = arith.xori %lt3A_475, %lt3A_477 : i1
        %and3A_479 = arith.andi %ne3A_478, %ne3A_473 : i1
        %add3A_480 = arith.addi %rem3A_471, %select_n3A_470 : i32
        %select_n3A_481 = arith.select %and3A_479, %add3A_480, %rem3A_471 : i32
        %jit3A_482 = arith.constant 4 : i32
        %div3A_483 = arith.divsi %add3A_244, %jit3A_482 : i32
        %sign3A_484 = arith.constant 0 : i32
        %sign3A_485 = arith.cmpi sgt, %add3A_244, %sign3A_484 : i32
        %sign3A_486 = arith.extui %sign3A_485 : i1 to i32
        %sign3A_487 = arith.constant 0 : i32
        %sign3A_488 = arith.cmpi slt, %add3A_244, %sign3A_487 : i32
        %sign3A_489 = arith.extui %sign3A_488 : i1 to i32
        %sign3A_490 = arith.subi %sign3A_486, %sign3A_489 : i32
        %sign3A_491 = arith.constant 0 : i32
        %sign3A_492 = arith.cmpi sgt, %jit3A_482, %sign3A_491 : i32
        %sign3A_493 = arith.extui %sign3A_492 : i1 to i32
        %sign3A_494 = arith.constant 0 : i32
        %sign3A_495 = arith.cmpi slt, %jit3A_482, %sign3A_494 : i32
        %sign3A_496 = arith.extui %sign3A_495 : i1 to i32
        %sign3A_497 = arith.subi %sign3A_493, %sign3A_496 : i32
        %ne3A_498 = arith.cmpi ne, %sign3A_490, %sign3A_497 : i32
        %rem3A_499 = arith.remsi %add3A_244, %jit3A_482 : i32
        %ne3A_500 = arith.constant 0 : i32
        %ne3A_501 = arith.cmpi ne, %rem3A_499, %ne3A_500 : i32
        %and3A_502 = arith.andi %ne3A_498, %ne3A_501 : i1
        %sub3A_503 = arith.constant 1 : i32
        %sub3A_504 = arith.subi %div3A_483, %sub3A_503 : i32
        %select_n3A_505 = arith.select %and3A_502, %sub3A_504, %div3A_483 : i32
        %dma_start3A_506 = arith.constant 0 : i32
        %dma_start3A_507 = tpu.memref_slice %arg6[%select_n3A_481, %select_n3A_505, %dma_start3A_506] : memref<4x8x8xi32, #tpu.memory_space<vmem>> -> memref<1x1x8xi32, #tpu.memory_space<vmem>>
        %dma_start3A_508 = tpu.memref_squeeze %dma_start3A_507 : memref<1x1x8xi32, #tpu.memory_space<vmem>> -> memref<8xi32, #tpu.memory_space<vmem>>
        %dma_start3A_509 = arith.constant 0 : i32
        %dma_start3A_510 = arith.constant 0 : i32
        %dma_start3A_511 = tpu.memref_slice %arg3[%dma_start3A_509, %dma_start3A_510] : memref<100000x1024xf32, #tpu.memory_space<hbm>> -> memref<100000x1024xf32, #tpu.memory_space<hbm>>
        tpu.enqueue_indirect_dma source(%dma_start3A_511 : memref<100000x1024xf32, #tpu.memory_space<hbm>>) target(%arg11 : memref<8x1024xf32, #tpu.memory_space<vmem>>) offsets(%dma_start3A_508 : memref<8xi32, #tpu.memory_space<vmem>>) semaphore(%arg15 : memref<!tpu.dma_semaphore, #tpu.memory_space<semaphore_mem>>)
      } else {
      }
      %add3A_258 = arith.constant 2 : i32
      %add3A_259 = arith.addi %mul3A_63, %add3A_258 : i32
      %dma_wait3A_260 = arith.constant 0 : i32
      %dma_wait3A_261 = arith.constant 0 : i32
      %dma_wait3A_262 = arith.constant 0 : i32
      %dma_wait3A_263 = tpu.memref_slice %arg6[%dma_wait3A_260, %dma_wait3A_261, %dma_wait3A_262] : memref<4x8x8xi32, #tpu.memory_space<vmem>> -> memref<1x1x8xi32, #tpu.memory_space<vmem>>
      %dma_wait3A_264 = tpu.memref_squeeze %dma_wait3A_263 : memref<1x1x8xi32, #tpu.memory_space<vmem>> -> memref<8xi32, #tpu.memory_space<vmem>>
      %dma_wait3A_265 = arith.constant 0 : i32
      %dma_wait3A_266 = arith.constant 0 : i32
      %dma_wait3A_267 = tpu.memref_slice %arg3[%dma_wait3A_265, %dma_wait3A_266] : memref<100000x1024xf32, #tpu.memory_space<hbm>> -> memref<100000x1024xf32, #tpu.memory_space<hbm>>
      tpu.wait_indirect_dma semaphore(%arg14 : memref<!tpu.dma_semaphore, #tpu.memory_space<semaphore_mem>>) src(%dma_wait3A_267 : memref<100000x1024xf32, #tpu.memory_space<hbm>>) dst(%arg10 : memref<8x1024xf32, #tpu.memory_space<vmem>>)
      %jit3A_268 = arith.constant 4 : i32
      %div3A_269 = arith.divsi %add3A_259, %jit3A_268 : i32
      %sign3A_270 = arith.constant 0 : i32
      %sign3A_271 = arith.cmpi sgt, %add3A_259, %sign3A_270 : i32
      %sign3A_272 = arith.extui %sign3A_271 : i1 to i32
      %sign3A_273 = arith.constant 0 : i32
      %sign3A_274 = arith.cmpi slt, %add3A_259, %sign3A_273 : i32
      %sign3A_275 = arith.extui %sign3A_274 : i1 to i32
      %sign3A_276 = arith.subi %sign3A_272, %sign3A_275 : i32
      %sign3A_277 = arith.constant 0 : i32
      %sign3A_278 = arith.cmpi sgt, %jit3A_268, %sign3A_277 : i32
      %sign3A_279 = arith.extui %sign3A_278 : i1 to i32
      %sign3A_280 = arith.constant 0 : i32
      %sign3A_281 = arith.cmpi slt, %jit3A_268, %sign3A_280 : i32
      %sign3A_282 = arith.extui %sign3A_281 : i1 to i32
      %sign3A_283 = arith.subi %sign3A_279, %sign3A_282 : i32
      %ne3A_284 = arith.cmpi ne, %sign3A_276, %sign3A_283 : i32
      %rem3A_285 = arith.remsi %add3A_259, %jit3A_268 : i32
      %ne3A_286 = arith.constant 0 : i32
      %ne3A_287 = arith.cmpi ne, %rem3A_285, %ne3A_286 : i32
      %and3A_288 = arith.andi %ne3A_284, %ne3A_287 : i1
      %sub3A_289 = arith.constant 1 : i32
      %sub3A_290 = arith.subi %div3A_269, %sub3A_289 : i32
      %select_n3A_291 = arith.select %and3A_288, %sub3A_290, %div3A_269 : i32
      %mul3A_292 = arith.constant 8 : i32
      %mul3A_293 = arith.muli %select_n3A_291, %mul3A_292 : i32
      %parallel_loop3A_294 = arith.constant 0 : i32
      %parallel_loop3A_295 = arith.constant 64 : i32
      %parallel_loop3A_296 = arith.constant 1 : i32
      scf.for %parallel_loop3A_466 = %parallel_loop3A_294 to %parallel_loop3A_295 step %parallel_loop3A_296  : i32 {
        %parallel_loop3A_467 = arith.constant 16 : i32
        %parallel_loop3A_468 = arith.muli %parallel_loop3A_466, %parallel_loop3A_467 : i32
        %parallel_loop3A_469 = arith.constant 0 : i32
        %parallel_loop3A_470 = arith.index_cast %parallel_loop3A_469 : i32 to index
        %parallel_loop3A_471 = arith.index_cast %parallel_loop3A_468 : i32 to index
        %parallel_loop3A_472 = tpu.vector_load %arg10[%parallel_loop3A_470, %parallel_loop3A_471] {strides = array<i32>} : memref<8x1024xf32, #tpu.memory_space<vmem>>, vector<1x16xf32>,
        %parallel_loop3A_473 = vector.shape_cast %parallel_loop3A_472 : vector<1x16xf32> to vector<16xf32>
        %parallel_loop3A_474 = arith.constant 0 : i32
        %parallel_loop3A_475 = arith.addi %mul3A_293, %parallel_loop3A_474 : i32
        %parallel_loop3A_476 = arith.index_cast %parallel_loop3A_475 : i32 to index
        %parallel_loop3A_477 = arith.index_cast %parallel_loop3A_468 : i32 to index
        %parallel_loop3A_478 = tpu.vector_load %arg7[%parallel_loop3A_476, %parallel_loop3A_477] {strides = array<i32>} : memref<64x1024xf32, #tpu.memory_space<vmem>>, vector<1x16xf32>,
        %parallel_loop3A_479 = vector.shape_cast %parallel_loop3A_478 : vector<1x16xf32> to vector<16xf32>
        %parallel_loop3A_480 = arith.addf %parallel_loop3A_473, %parallel_loop3A_479 : vector<16xf32>
        %parallel_loop3A_481 = arith.constant 0 : i32
        %parallel_loop3A_482 = arith.index_cast %parallel_loop3A_481 : i32 to index
        %parallel_loop3A_483 = arith.index_cast %parallel_loop3A_468 : i32 to index
        %parallel_loop3A_484 = tpu.vector_load %arg10[%parallel_loop3A_482, %parallel_loop3A_483] {strides = array<i32>} : memref<8x1024xf32, #tpu.memory_space<vmem>>, vector<1x16xf32>,
        %parallel_loop3A_485 = vector.shape_cast %parallel_loop3A_484 : vector<1x16xf32> to vector<16xf32>
        %parallel_loop3A_486 = vector.shape_cast %parallel_loop3A_480 : vector<16xf32> to vector<1x16xf32>
        tpu.vector_store %arg10[%parallel_loop3A_482, %parallel_loop3A_483], %parallel_loop3A_486 {strides = array<i32>} : memref<8x1024xf32, #tpu.memory_space<vmem>>, vector<1x16xf32>,
        %parallel_loop3A_487 = arith.constant 1 : i32
        %parallel_loop3A_488 = arith.index_cast %parallel_loop3A_487 : i32 to index
        %parallel_loop3A_489 = arith.index_cast %parallel_loop3A_468 : i32 to index
        %parallel_loop3A_490 = tpu.vector_load %arg10[%parallel_loop3A_488, %parallel_loop3A_489] {strides = array<i32>} : memref<8x1024xf32, #tpu.memory_space<vmem>>, vector<1x16xf32>,
        %parallel_loop3A_491 = vector.shape_cast %parallel_loop3A_490 : vector<1x16xf32> to vector<16xf32>
        %parallel_loop3A_492 = arith.constant 1 : i32
        %parallel_loop3A_493 = arith.addi %mul3A_293, %parallel_loop3A_492 : i32
        %parallel_loop3A_494 = arith.index_cast %parallel_loop3A_493 : i32 to index
        %parallel_loop3A_495 = arith.index_cast %parallel_loop3A_468 : i32 to index
        %parallel_loop3A_496 = tpu.vector_load %arg7[%parallel_loop3A_494, %parallel_loop3A_495] {strides = array<i32>} : memref<64x1024xf32, #tpu.memory_space<vmem>>, vector<1x16xf32>,
        %parallel_loop3A_497 = vector.shape_cast %parallel_loop3A_496 : vector<1x16xf32> to vector<16xf32>
        %parallel_loop3A_498 = arith.addf %parallel_loop3A_491, %parallel_loop3A_497 : vector<16xf32>
        %parallel_loop3A_499 = arith.constant 1 : i32
        %parallel_loop3A_500 = arith.index_cast %parallel_loop3A_499 : i32 to index
        %parallel_loop3A_501 = arith.index_cast %parallel_loop3A_468 : i32 to index
        %parallel_loop3A_502 = tpu.vector_load %arg10[%parallel_loop3A_500, %parallel_loop3A_501] {strides = array<i32>} : memref<8x1024xf32, #tpu.memory_space<vmem>>, vector<1x16xf32>,
        %parallel_loop3A_503 = vector.shape_cast %parallel_loop3A_502 : vector<1x16xf32> to vector<16xf32>
        %parallel_loop3A_504 = vector.shape_cast %parallel_loop3A_498 : vector<16xf32> to vector<1x16xf32>
        tpu.vector_store %arg10[%parallel_loop3A_500, %parallel_loop3A_501], %parallel_loop3A_504 {strides = array<i32>} : memref<8x1024xf32, #tpu.memory_space<vmem>>, vector<1x16xf32>,
        %parallel_loop3A_505 = arith.constant 2 : i32
        %parallel_loop3A_506 = arith.index_cast %parallel_loop3A_505 : i32 to index
        %parallel_loop3A_507 = arith.index_cast %parallel_loop3A_468 : i32 to index
        %parallel_loop3A_508 = tpu.vector_load %arg10[%parallel_loop3A_506, %parallel_loop3A_507] {strides = array<i32>} : memref<8x1024xf32, #tpu.memory_space<vmem>>, vector<1x16xf32>,
        %parallel_loop3A_509 = vector.shape_cast %parallel_loop3A_508 : vector<1x16xf32> to vector<16xf32>
        %parallel_loop3A_510 = arith.constant 2 : i32
        %parallel_loop3A_511 = arith.addi %mul3A_293, %parallel_loop3A_510 : i32
        %parallel_loop3A_512 = arith.index_cast %parallel_loop3A_511 : i32 to index
        %parallel_loop3A_513 = arith.index_cast %parallel_loop3A_468 : i32 to index
        %parallel_loop3A_514 = tpu.vector_load %arg7[%parallel_loop3A_512, %parallel_loop3A_513] {strides = array<i32>} : memref<64x1024xf32, #tpu.memory_space<vmem>>, vector<1x16xf32>,
        %parallel_loop3A_515 = vector.shape_cast %parallel_loop3A_514 : vector<1x16xf32> to vector<16xf32>
        %parallel_loop3A_516 = arith.addf %parallel_loop3A_509, %parallel_loop3A_515 : vector<16xf32>
        %parallel_loop3A_517 = arith.constant 2 : i32
        %parallel_loop3A_518 = arith.index_cast %parallel_loop3A_517 : i32 to index
        %parallel_loop3A_519 = arith.index_cast %parallel_loop3A_468 : i32 to index
        %parallel_loop3A_520 = tpu.vector_load %arg10[%parallel_loop3A_518, %parallel_loop3A_519] {strides = array<i32>} : memref<8x1024xf32, #tpu.memory_space<vmem>>, vector<1x16xf32>,
        %parallel_loop3A_521 = vector.shape_cast %parallel_loop3A_520 : vector<1x16xf32> to vector<16xf32>
        %parallel_loop3A_522 = vector.shape_cast %parallel_loop3A_516 : vector<16xf32> to vector<1x16xf32>
        tpu.vector_store %arg10[%parallel_loop3A_518, %parallel_loop3A_519], %parallel_loop3A_522 {strides = array<i32>} : memref<8x1024xf32, #tpu.memory_space<vmem>>, vector<1x16xf32>,
        %parallel_loop3A_523 = arith.constant 3 : i32
        %parallel_loop3A_524 = arith.index_cast %parallel_loop3A_523 : i32 to index
        %parallel_loop3A_525 = arith.index_cast %parallel_loop3A_468 : i32 to index
        %parallel_loop3A_526 = tpu.vector_load %arg10[%parallel_loop3A_524, %parallel_loop3A_525] {strides = array<i32>} : memref<8x1024xf32, #tpu.memory_space<vmem>>, vector<1x16xf32>,
        %parallel_loop3A_527 = vector.shape_cast %parallel_loop3A_526 : vector<1x16xf32> to vector<16xf32>
        %parallel_loop3A_528 = arith.constant 3 : i32
        %parallel_loop3A_529 = arith.addi %mul3A_293, %parallel_loop3A_528 : i32
        %parallel_loop3A_530 = arith.index_cast %parallel_loop3A_529 : i32 to index
        %parallel_loop3A_531 = arith.index_cast %parallel_loop3A_468 : i32 to index
        %parallel_loop3A_532 = tpu.vector_load %arg7[%parallel_loop3A_530, %parallel_loop3A_531] {strides = array<i32>} : memref<64x1024xf32, #tpu.memory_space<vmem>>, vector<1x16xf32>,
        %parallel_loop3A_533 = vector.shape_cast %parallel_loop3A_532 : vector<1x16xf32> to vector<16xf32>
        %parallel_loop3A_534 = arith.addf %parallel_loop3A_527, %parallel_loop3A_533 : vector<16xf32>
        %parallel_loop3A_535 = arith.constant 3 : i32
        %parallel_loop3A_536 = arith.index_cast %parallel_loop3A_535 : i32 to index
        %parallel_loop3A_537 = arith.index_cast %parallel_loop3A_468 : i32 to index
        %parallel_loop3A_538 = tpu.vector_load %arg10[%parallel_loop3A_536, %parallel_loop3A_537] {strides = array<i32>} : memref<8x1024xf32, #tpu.memory_space<vmem>>, vector<1x16xf32>,
        %parallel_loop3A_539 = vector.shape_cast %parallel_loop3A_538 : vector<1x16xf32> to vector<16xf32>
        %parallel_loop3A_540 = vector.shape_cast %parallel_loop3A_534 : vector<16xf32> to vector<1x16xf32>
        tpu.vector_store %arg10[%parallel_loop3A_536, %parallel_loop3A_537], %parallel_loop3A_540 {strides = array<i32>} : memref<8x1024xf32, #tpu.memory_space<vmem>>, vector<1x16xf32>,
        %parallel_loop3A_541 = arith.constant 4 : i32
        %parallel_loop3A_542 = arith.index_cast %parallel_loop3A_541 : i32 to index
        %parallel_loop3A_543 = arith.index_cast %parallel_loop3A_468 : i32 to index
        %parallel_loop3A_544 = tpu.vector_load %arg10[%parallel_loop3A_542, %parallel_loop3A_543] {strides = array<i32>} : memref<8x1024xf32, #tpu.memory_space<vmem>>, vector<1x16xf32>,
        %parallel_loop3A_545 = vector.shape_cast %parallel_loop3A_544 : vector<1x16xf32> to vector<16xf32>
        %parallel_loop3A_546 = arith.constant 4 : i32
        %parallel_loop3A_547 = arith.addi %mul3A_293, %parallel_loop3A_546 : i32
        %parallel_loop3A_548 = arith.index_cast %parallel_loop3A_547 : i32 to index
        %parallel_loop3A_549 = arith.index_cast %parallel_loop3A_468 : i32 to index
        %parallel_loop3A_550 = tpu.vector_load %arg7[%parallel_loop3A_548, %parallel_loop3A_549] {strides = array<i32>} : memref<64x1024xf32, #tpu.memory_space<vmem>>, vector<1x16xf32>,
        %parallel_loop3A_551 = vector.shape_cast %parallel_loop3A_550 : vector<1x16xf32> to vector<16xf32>
        %parallel_loop3A_552 = arith.addf %parallel_loop3A_545, %parallel_loop3A_551 : vector<16xf32>
        %parallel_loop3A_553 = arith.constant 4 : i32
        %parallel_loop3A_554 = arith.index_cast %parallel_loop3A_553 : i32 to index
        %parallel_loop3A_555 = arith.index_cast %parallel_loop3A_468 : i32 to index
        %parallel_loop3A_556 = tpu.vector_load %arg10[%parallel_loop3A_554, %parallel_loop3A_555] {strides = array<i32>} : memref<8x1024xf32, #tpu.memory_space<vmem>>, vector<1x16xf32>,
        %parallel_loop3A_557 = vector.shape_cast %parallel_loop3A_556 : vector<1x16xf32> to vector<16xf32>
        %parallel_loop3A_558 = vector.shape_cast %parallel_loop3A_552 : vector<16xf32> to vector<1x16xf32>
        tpu.vector_store %arg10[%parallel_loop3A_554, %parallel_loop3A_555], %parallel_loop3A_558 {strides = array<i32>} : memref<8x1024xf32, #tpu.memory_space<vmem>>, vector<1x16xf32>,
        %parallel_loop3A_559 = arith.constant 5 : i32
        %parallel_loop3A_560 = arith.index_cast %parallel_loop3A_559 : i32 to index
        %parallel_loop3A_561 = arith.index_cast %parallel_loop3A_468 : i32 to index
        %parallel_loop3A_562 = tpu.vector_load %arg10[%parallel_loop3A_560, %parallel_loop3A_561] {strides = array<i32>} : memref<8x1024xf32, #tpu.memory_space<vmem>>, vector<1x16xf32>,
        %parallel_loop3A_563 = vector.shape_cast %parallel_loop3A_562 : vector<1x16xf32> to vector<16xf32>
        %parallel_loop3A_564 = arith.constant 5 : i32
        %parallel_loop3A_565 = arith.addi %mul3A_293, %parallel_loop3A_564 : i32
        %parallel_loop3A_566 = arith.index_cast %parallel_loop3A_565 : i32 to index
        %parallel_loop3A_567 = arith.index_cast %parallel_loop3A_468 : i32 to index
        %parallel_loop3A_568 = tpu.vector_load %arg7[%parallel_loop3A_566, %parallel_loop3A_567] {strides = array<i32>} : memref<64x1024xf32, #tpu.memory_space<vmem>>, vector<1x16xf32>,
        %parallel_loop3A_569 = vector.shape_cast %parallel_loop3A_568 : vector<1x16xf32> to vector<16xf32>
        %parallel_loop3A_570 = arith.addf %parallel_loop3A_563, %parallel_loop3A_569 : vector<16xf32>
        %parallel_loop3A_571 = arith.constant 5 : i32
        %parallel_loop3A_572 = arith.index_cast %parallel_loop3A_571 : i32 to index
        %parallel_loop3A_573 = arith.index_cast %parallel_loop3A_468 : i32 to index
        %parallel_loop3A_574 = tpu.vector_load %arg10[%parallel_loop3A_572, %parallel_loop3A_573] {strides = array<i32>} : memref<8x1024xf32, #tpu.memory_space<vmem>>, vector<1x16xf32>,
        %parallel_loop3A_575 = vector.shape_cast %parallel_loop3A_574 : vector<1x16xf32> to vector<16xf32>
        %parallel_loop3A_576 = vector.shape_cast %parallel_loop3A_570 : vector<16xf32> to vector<1x16xf32>
        tpu.vector_store %arg10[%parallel_loop3A_572, %parallel_loop3A_573], %parallel_loop3A_576 {strides = array<i32>} : memref<8x1024xf32, #tpu.memory_space<vmem>>, vector<1x16xf32>,
        %parallel_loop3A_577 = arith.constant 6 : i32
        %parallel_loop3A_578 = arith.index_cast %parallel_loop3A_577 : i32 to index
        %parallel_loop3A_579 = arith.index_cast %parallel_loop3A_468 : i32 to index
        %parallel_loop3A_580 = tpu.vector_load %arg10[%parallel_loop3A_578, %parallel_loop3A_579] {strides = array<i32>} : memref<8x1024xf32, #tpu.memory_space<vmem>>, vector<1x16xf32>,
        %parallel_loop3A_581 = vector.shape_cast %parallel_loop3A_580 : vector<1x16xf32> to vector<16xf32>
        %parallel_loop3A_582 = arith.constant 6 : i32
        %parallel_loop3A_583 = arith.addi %mul3A_293, %parallel_loop3A_582 : i32
        %parallel_loop3A_584 = arith.index_cast %parallel_loop3A_583 : i32 to index
        %parallel_loop3A_585 = arith.index_cast %parallel_loop3A_468 : i32 to index
        %parallel_loop3A_586 = tpu.vector_load %arg7[%parallel_loop3A_584, %parallel_loop3A_585] {strides = array<i32>} : memref<64x1024xf32, #tpu.memory_space<vmem>>, vector<1x16xf32>,
        %parallel_loop3A_587 = vector.shape_cast %parallel_loop3A_586 : vector<1x16xf32> to vector<16xf32>
        %parallel_loop3A_588 = arith.addf %parallel_loop3A_581, %parallel_loop3A_587 : vector<16xf32>
        %parallel_loop3A_589 = arith.constant 6 : i32
        %parallel_loop3A_590 = arith.index_cast %parallel_loop3A_589 : i32 to index
        %parallel_loop3A_591 = arith.index_cast %parallel_loop3A_468 : i32 to index
        %parallel_loop3A_592 = tpu.vector_load %arg10[%parallel_loop3A_590, %parallel_loop3A_591] {strides = array<i32>} : memref<8x1024xf32, #tpu.memory_space<vmem>>, vector<1x16xf32>,
        %parallel_loop3A_593 = vector.shape_cast %parallel_loop3A_592 : vector<1x16xf32> to vector<16xf32>
        %parallel_loop3A_594 = vector.shape_cast %parallel_loop3A_588 : vector<16xf32> to vector<1x16xf32>
        tpu.vector_store %arg10[%parallel_loop3A_590, %parallel_loop3A_591], %parallel_loop3A_594 {strides = array<i32>} : memref<8x1024xf32, #tpu.memory_space<vmem>>, vector<1x16xf32>,
        %parallel_loop3A_595 = arith.constant 7 : i32
        %parallel_loop3A_596 = arith.index_cast %parallel_loop3A_595 : i32 to index
        %parallel_loop3A_597 = arith.index_cast %parallel_loop3A_468 : i32 to index
        %parallel_loop3A_598 = tpu.vector_load %arg10[%parallel_loop3A_596, %parallel_loop3A_597] {strides = array<i32>} : memref<8x1024xf32, #tpu.memory_space<vmem>>, vector<1x16xf32>,
        %parallel_loop3A_599 = vector.shape_cast %parallel_loop3A_598 : vector<1x16xf32> to vector<16xf32>
        %parallel_loop3A_600 = arith.constant 7 : i32
        %parallel_loop3A_601 = arith.addi %mul3A_293, %parallel_loop3A_600 : i32
        %parallel_loop3A_602 = arith.index_cast %parallel_loop3A_601 : i32 to index
        %parallel_loop3A_603 = arith.index_cast %parallel_loop3A_468 : i32 to index
        %parallel_loop3A_604 = tpu.vector_load %arg7[%parallel_loop3A_602, %parallel_loop3A_603] {strides = array<i32>} : memref<64x1024xf32, #tpu.memory_space<vmem>>, vector<1x16xf32>,
        %parallel_loop3A_605 = vector.shape_cast %parallel_loop3A_604 : vector<1x16xf32> to vector<16xf32>
        %parallel_loop3A_606 = arith.addf %parallel_loop3A_599, %parallel_loop3A_605 : vector<16xf32>
        %parallel_loop3A_607 = arith.constant 7 : i32
        %parallel_loop3A_608 = arith.index_cast %parallel_loop3A_607 : i32 to index
        %parallel_loop3A_609 = arith.index_cast %parallel_loop3A_468 : i32 to index
        %parallel_loop3A_610 = tpu.vector_load %arg10[%parallel_loop3A_608, %parallel_loop3A_609] {strides = array<i32>} : memref<8x1024xf32, #tpu.memory_space<vmem>>, vector<1x16xf32>,
        %parallel_loop3A_611 = vector.shape_cast %parallel_loop3A_610 : vector<1x16xf32> to vector<16xf32>
        %parallel_loop3A_612 = vector.shape_cast %parallel_loop3A_606 : vector<16xf32> to vector<1x16xf32>
        tpu.vector_store %arg10[%parallel_loop3A_608, %parallel_loop3A_609], %parallel_loop3A_612 {strides = array<i32>} : memref<8x1024xf32, #tpu.memory_space<vmem>>, vector<1x16xf32>,
      } {sc.loop_unroll_factor = 1 : i64, sc.parallel_access}
      %jit3A_297 = arith.constant 4 : i32
      %eq3A_298 = arith.constant 0 : i32
      %eq3A_299 = arith.cmpi eq, %jit3A_297, %eq3A_298 : i32
      %jit3A_300 = arith.constant 1 : i32
      %select_n3A_301 = arith.select %eq3A_299, %jit3A_300, %jit3A_297 : i32
      %rem3A_302 = arith.remsi %add3A_259, %select_n3A_301 : i32
      %ne3A_303 = arith.constant 0 : i32
      %ne3A_304 = arith.cmpi ne, %rem3A_302, %ne3A_303 : i32
      %lt3A_305 = arith.constant 0 : i32
      %lt3A_306 = arith.cmpi slt, %rem3A_302, %lt3A_305 : i32
      %lt3A_307 = arith.constant 0 : i32
      %lt3A_308 = arith.cmpi slt, %select_n3A_301, %lt3A_307 : i32
      %ne3A_309 = arith.xori %lt3A_306, %lt3A_308 : i1
      %and3A_310 = arith.andi %ne3A_309, %ne3A_304 : i1
      %add3A_311 = arith.addi %rem3A_302, %select_n3A_301 : i32
      %select_n3A_312 = arith.select %and3A_310, %add3A_311, %rem3A_302 : i32
      %mul3A_313 = arith.constant 2048 : i32
      %mul3A_314 = arith.muli %select_n3A_312, %mul3A_313 : i32
      %add3A_315 = arith.addi %mul3A_314, %mul3A_2 : i32
      %jit3A_316 = arith.constant 4 : i32
      %div3A_317 = arith.divsi %add3A_259, %jit3A_316 : i32
      %sign3A_318 = arith.constant 0 : i32
      %sign3A_319 = arith.cmpi sgt, %add3A_259, %sign3A_318 : i32
      %sign3A_320 = arith.extui %sign3A_319 : i1 to i32
      %sign3A_321 = arith.constant 0 : i32
      %sign3A_322 = arith.cmpi slt, %add3A_259, %sign3A_321 : i32
      %sign3A_323 = arith.extui %sign3A_322 : i1 to i32
      %sign3A_324 = arith.subi %sign3A_320, %sign3A_323 : i32
      %sign3A_325 = arith.constant 0 : i32
      %sign3A_326 = arith.cmpi sgt, %jit3A_316, %sign3A_325 : i32
      %sign3A_327 = arith.extui %sign3A_326 : i1 to i32
      %sign3A_328 = arith.constant 0 : i32
      %sign3A_329 = arith.cmpi slt, %jit3A_316, %sign3A_328 : i32
      %sign3A_330 = arith.extui %sign3A_329 : i1 to i32
      %sign3A_331 = arith.subi %sign3A_327, %sign3A_330 : i32
      %ne3A_332 = arith.cmpi ne, %sign3A_324, %sign3A_331 : i32
      %rem3A_333 = arith.remsi %add3A_259, %jit3A_316 : i32
      %ne3A_334 = arith.constant 0 : i32
      %ne3A_335 = arith.cmpi ne, %rem3A_333, %ne3A_334 : i32
      %and3A_336 = arith.andi %ne3A_332, %ne3A_335 : i1
      %sub3A_337 = arith.constant 1 : i32
      %sub3A_338 = arith.subi %div3A_317, %sub3A_337 : i32
      %select_n3A_339 = arith.select %and3A_336, %sub3A_338, %div3A_317 : i32
      %mul3A_340 = arith.constant 8 : i32
      %mul3A_341 = arith.muli %select_n3A_339, %mul3A_340 : i32
      %add3A_342 = arith.addi %add3A_315, %mul3A_341 : i32
      %dma_start3A_343 = arith.constant 0 : i32
      %dma_start3A_344 = tpu.memref_slice %arg5[%add3A_342, %dma_start3A_343] : memref<8192x1024xf32, #tpu.memory_space<hbm>> -> memref<8x1024xf32, #tpu.memory_space<hbm>>
      %dma_start3A_345 = arith.constant 0 : i32
      %dma_start3A_346 = tpu.memref_slice %arg5[%add3A_342, %dma_start3A_345] : memref<8192x1024xf32, #tpu.memory_space<hbm>> -> memref<8x1024xf32, #tpu.memory_space<hbm>>
      tpu.enqueue_dma source(%arg10 : memref<8x1024xf32, #tpu.memory_space<vmem>>) target(%dma_start3A_346 : memref<8x1024xf32, #tpu.memory_space<hbm>>) target_semaphore(%arg18 : memref<!tpu.dma_semaphore, #tpu.memory_space<semaphore_mem>>)
      %add3A_347 = arith.constant 2 : i32
      %add3A_348 = arith.addi %add3A_259, %add3A_347 : i32
      %lt3A_349 = arith.constant 32 : i32
      %lt3A_350 = arith.cmpi slt, %add3A_348, %lt3A_349 : i32
      %ge3A_351 = arith.constant 4 : i32
      %ge3A_352 = arith.cmpi sge, %add3A_348, %ge3A_351 : i32
      %and3A_353 = arith.andi %lt3A_350, %ge3A_352 : i1
      %convert_element_type3A_354 = arith.extui %and3A_353 : i1 to i32
      %cond3A_355 = arith.constant 0 : i32
      %cond3A_356 = arith.cmpi ne, %convert_element_type3A_354, %cond3A_355 : i32
      scf.if %cond3A_356 {
        %dma_wait3A_466 = arith.constant 0 : i32
        %dma_wait3A_467 = arith.constant 0 : i32
        %dma_wait3A_468 = tpu.memref_slice %arg5[%dma_wait3A_466, %dma_wait3A_467] : memref<8192x1024xf32, #tpu.memory_space<hbm>> -> memref<8x1024xf32, #tpu.memory_space<hbm>>
        %dma_wait3A_469 = arith.constant 0 : i32
        %dma_wait3A_470 = arith.constant 0 : i32
        %dma_wait3A_471 = tpu.memref_slice %arg5[%dma_wait3A_469, %dma_wait3A_470] : memref<8192x1024xf32, #tpu.memory_space<hbm>> -> memref<8x1024xf32, #tpu.memory_space<hbm>>
        tpu.wait_dma2 semaphore(%arg16 : memref<!tpu.dma_semaphore, #tpu.memory_space<semaphore_mem>>) src(%arg8 : memref<8x1024xf32, #tpu.memory_space<vmem>>) dst(%dma_wait3A_471 : memref<8x1024xf32, #tpu.memory_space<hbm>>)
      } else {
      }
      %lt3A_357 = arith.constant 32 : i32
      %lt3A_358 = arith.cmpi slt, %add3A_348, %lt3A_357 : i32
      %convert_element_type3A_359 = arith.extui %lt3A_358 : i1 to i32
      %cond3A_360 = arith.constant 0 : i32
      %cond3A_361 = arith.cmpi ne, %convert_element_type3A_359, %cond3A_360 : i32
      scf.if %cond3A_361 {
        %jit3A_466 = arith.constant 4 : i32
        %eq3A_467 = arith.constant 0 : i32
        %eq3A_468 = arith.cmpi eq, %jit3A_466, %eq3A_467 : i32
        %jit3A_469 = arith.constant 1 : i32
        %select_n3A_470 = arith.select %eq3A_468, %jit3A_469, %jit3A_466 : i32
        %rem3A_471 = arith.remsi %add3A_348, %select_n3A_470 : i32
        %ne3A_472 = arith.constant 0 : i32
        %ne3A_473 = arith.cmpi ne, %rem3A_471, %ne3A_472 : i32
        %lt3A_474 = arith.constant 0 : i32
        %lt3A_475 = arith.cmpi slt, %rem3A_471, %lt3A_474 : i32
        %lt3A_476 = arith.constant 0 : i32
        %lt3A_477 = arith.cmpi slt, %select_n3A_470, %lt3A_476 : i32
        %ne3A_478 = arith.xori %lt3A_475, %lt3A_477 : i1
        %and3A_479 = arith.andi %ne3A_478, %ne3A_473 : i1
        %add3A_480 = arith.addi %rem3A_471, %select_n3A_470 : i32
        %select_n3A_481 = arith.select %and3A_479, %add3A_480, %rem3A_471 : i32
        %jit3A_482 = arith.constant 4 : i32
        %div3A_483 = arith.divsi %add3A_348, %jit3A_482 : i32
        %sign3A_484 = arith.constant 0 : i32
        %sign3A_485 = arith.cmpi sgt, %add3A_348, %sign3A_484 : i32
        %sign3A_486 = arith.extui %sign3A_485 : i1 to i32
        %sign3A_487 = arith.constant 0 : i32
        %sign3A_488 = arith.cmpi slt, %add3A_348, %sign3A_487 : i32
        %sign3A_489 = arith.extui %sign3A_488 : i1 to i32
        %sign3A_490 = arith.subi %sign3A_486, %sign3A_489 : i32
        %sign3A_491 = arith.constant 0 : i32
        %sign3A_492 = arith.cmpi sgt, %jit3A_482, %sign3A_491 : i32
        %sign3A_493 = arith.extui %sign3A_492 : i1 to i32
        %sign3A_494 = arith.constant 0 : i32
        %sign3A_495 = arith.cmpi slt, %jit3A_482, %sign3A_494 : i32
        %sign3A_496 = arith.extui %sign3A_495 : i1 to i32
        %sign3A_497 = arith.subi %sign3A_493, %sign3A_496 : i32
        %ne3A_498 = arith.cmpi ne, %sign3A_490, %sign3A_497 : i32
        %rem3A_499 = arith.remsi %add3A_348, %jit3A_482 : i32
        %ne3A_500 = arith.constant 0 : i32
        %ne3A_501 = arith.cmpi ne, %rem3A_499, %ne3A_500 : i32
        %and3A_502 = arith.andi %ne3A_498, %ne3A_501 : i1
        %sub3A_503 = arith.constant 1 : i32
        %sub3A_504 = arith.subi %div3A_483, %sub3A_503 : i32
        %select_n3A_505 = arith.select %and3A_502, %sub3A_504, %div3A_483 : i32
        %dma_start3A_506 = arith.constant 0 : i32
        %dma_start3A_507 = tpu.memref_slice %arg6[%select_n3A_481, %select_n3A_505, %dma_start3A_506] : memref<4x8x8xi32, #tpu.memory_space<vmem>> -> memref<1x1x8xi32, #tpu.memory_space<vmem>>
        %dma_start3A_508 = tpu.memref_squeeze %dma_start3A_507 : memref<1x1x8xi32, #tpu.memory_space<vmem>> -> memref<8xi32, #tpu.memory_space<vmem>>
        %dma_start3A_509 = arith.constant 0 : i32
        %dma_start3A_510 = arith.constant 0 : i32
        %dma_start3A_511 = tpu.memref_slice %arg3[%dma_start3A_509, %dma_start3A_510] : memref<100000x1024xf32, #tpu.memory_space<hbm>> -> memref<100000x1024xf32, #tpu.memory_space<hbm>>
        tpu.enqueue_indirect_dma source(%dma_start3A_511 : memref<100000x1024xf32, #tpu.memory_space<hbm>>) target(%arg8 : memref<8x1024xf32, #tpu.memory_space<vmem>>) offsets(%dma_start3A_508 : memref<8xi32, #tpu.memory_space<vmem>>) semaphore(%arg12 : memref<!tpu.dma_semaphore, #tpu.memory_space<semaphore_mem>>)
      } else {
      }
      %add3A_362 = arith.constant 3 : i32
      %add3A_363 = arith.addi %mul3A_63, %add3A_362 : i32
      %dma_wait3A_364 = arith.constant 0 : i32
      %dma_wait3A_365 = arith.constant 0 : i32
      %dma_wait3A_366 = arith.constant 0 : i32
      %dma_wait3A_367 = tpu.memref_slice %arg6[%dma_wait3A_364, %dma_wait3A_365, %dma_wait3A_366] : memref<4x8x8xi32, #tpu.memory_space<vmem>> -> memref<1x1x8xi32, #tpu.memory_space<vmem>>
      %dma_wait3A_368 = tpu.memref_squeeze %dma_wait3A_367 : memref<1x1x8xi32, #tpu.memory_space<vmem>> -> memref<8xi32, #tpu.memory_space<vmem>>
      %dma_wait3A_369 = arith.constant 0 : i32
      %dma_wait3A_370 = arith.constant 0 : i32
      %dma_wait3A_371 = tpu.memref_slice %arg3[%dma_wait3A_369, %dma_wait3A_370] : memref<100000x1024xf32, #tpu.memory_space<hbm>> -> memref<100000x1024xf32, #tpu.memory_space<hbm>>
      tpu.wait_indirect_dma semaphore(%arg15 : memref<!tpu.dma_semaphore, #tpu.memory_space<semaphore_mem>>) src(%dma_wait3A_371 : memref<100000x1024xf32, #tpu.memory_space<hbm>>) dst(%arg11 : memref<8x1024xf32, #tpu.memory_space<vmem>>)
      %jit3A_372 = arith.constant 4 : i32
      %div3A_373 = arith.divsi %add3A_363, %jit3A_372 : i32
      %sign3A_374 = arith.constant 0 : i32
      %sign3A_375 = arith.cmpi sgt, %add3A_363, %sign3A_374 : i32
      %sign3A_376 = arith.extui %sign3A_375 : i1 to i32
      %sign3A_377 = arith.constant 0 : i32
      %sign3A_378 = arith.cmpi slt, %add3A_363, %sign3A_377 : i32
      %sign3A_379 = arith.extui %sign3A_378 : i1 to i32
      %sign3A_380 = arith.subi %sign3A_376, %sign3A_379 : i32
      %sign3A_381 = arith.constant 0 : i32
      %sign3A_382 = arith.cmpi sgt, %jit3A_372, %sign3A_381 : i32
      %sign3A_383 = arith.extui %sign3A_382 : i1 to i32
      %sign3A_384 = arith.constant 0 : i32
      %sign3A_385 = arith.cmpi slt, %jit3A_372, %sign3A_384 : i32
      %sign3A_386 = arith.extui %sign3A_385 : i1 to i32
      %sign3A_387 = arith.subi %sign3A_383, %sign3A_386 : i32
      %ne3A_388 = arith.cmpi ne, %sign3A_380, %sign3A_387 : i32
      %rem3A_389 = arith.remsi %add3A_363, %jit3A_372 : i32
      %ne3A_390 = arith.constant 0 : i32
      %ne3A_391 = arith.cmpi ne, %rem3A_389, %ne3A_390 : i32
      %and3A_392 = arith.andi %ne3A_388, %ne3A_391 : i1
      %sub3A_393 = arith.constant 1 : i32
      %sub3A_394 = arith.subi %div3A_373, %sub3A_393 : i32
      %select_n3A_395 = arith.select %and3A_392, %sub3A_394, %div3A_373 : i32
      %mul3A_396 = arith.constant 8 : i32
      %mul3A_397 = arith.muli %select_n3A_395, %mul3A_396 : i32
      %parallel_loop3A_398 = arith.constant 0 : i32
      %parallel_loop3A_399 = arith.constant 64 : i32
      %parallel_loop3A_400 = arith.constant 1 : i32
      scf.for %parallel_loop3A_466 = %parallel_loop3A_398 to %parallel_loop3A_399 step %parallel_loop3A_400  : i32 {
        %parallel_loop3A_467 = arith.constant 16 : i32
        %parallel_loop3A_468 = arith.muli %parallel_loop3A_466, %parallel_loop3A_467 : i32
        %parallel_loop3A_469 = arith.constant 0 : i32
        %parallel_loop3A_470 = arith.index_cast %parallel_loop3A_469 : i32 to index
        %parallel_loop3A_471 = arith.index_cast %parallel_loop3A_468 : i32 to index
        %parallel_loop3A_472 = tpu.vector_load %arg11[%parallel_loop3A_470, %parallel_loop3A_471] {strides = array<i32>} : memref<8x1024xf32, #tpu.memory_space<vmem>>, vector<1x16xf32>,
        %parallel_loop3A_473 = vector.shape_cast %parallel_loop3A_472 : vector<1x16xf32> to vector<16xf32>
        %parallel_loop3A_474 = arith.constant 0 : i32
        %parallel_loop3A_475 = arith.addi %mul3A_397, %parallel_loop3A_474 : i32
        %parallel_loop3A_476 = arith.index_cast %parallel_loop3A_475 : i32 to index
        %parallel_loop3A_477 = arith.index_cast %parallel_loop3A_468 : i32 to index
        %parallel_loop3A_478 = tpu.vector_load %arg7[%parallel_loop3A_476, %parallel_loop3A_477] {strides = array<i32>} : memref<64x1024xf32, #tpu.memory_space<vmem>>, vector<1x16xf32>,
        %parallel_loop3A_479 = vector.shape_cast %parallel_loop3A_478 : vector<1x16xf32> to vector<16xf32>
        %parallel_loop3A_480 = arith.addf %parallel_loop3A_473, %parallel_loop3A_479 : vector<16xf32>
        %parallel_loop3A_481 = arith.constant 0 : i32
        %parallel_loop3A_482 = arith.index_cast %parallel_loop3A_481 : i32 to index
        %parallel_loop3A_483 = arith.index_cast %parallel_loop3A_468 : i32 to index
        %parallel_loop3A_484 = tpu.vector_load %arg11[%parallel_loop3A_482, %parallel_loop3A_483] {strides = array<i32>} : memref<8x1024xf32, #tpu.memory_space<vmem>>, vector<1x16xf32>,
        %parallel_loop3A_485 = vector.shape_cast %parallel_loop3A_484 : vector<1x16xf32> to vector<16xf32>
        %parallel_loop3A_486 = vector.shape_cast %parallel_loop3A_480 : vector<16xf32> to vector<1x16xf32>
        tpu.vector_store %arg11[%parallel_loop3A_482, %parallel_loop3A_483], %parallel_loop3A_486 {strides = array<i32>} : memref<8x1024xf32, #tpu.memory_space<vmem>>, vector<1x16xf32>,
        %parallel_loop3A_487 = arith.constant 1 : i32
        %parallel_loop3A_488 = arith.index_cast %parallel_loop3A_487 : i32 to index
        %parallel_loop3A_489 = arith.index_cast %parallel_loop3A_468 : i32 to index
        %parallel_loop3A_490 = tpu.vector_load %arg11[%parallel_loop3A_488, %parallel_loop3A_489] {strides = array<i32>} : memref<8x1024xf32, #tpu.memory_space<vmem>>, vector<1x16xf32>,
        %parallel_loop3A_491 = vector.shape_cast %parallel_loop3A_490 : vector<1x16xf32> to vector<16xf32>
        %parallel_loop3A_492 = arith.constant 1 : i32
        %parallel_loop3A_493 = arith.addi %mul3A_397, %parallel_loop3A_492 : i32
        %parallel_loop3A_494 = arith.index_cast %parallel_loop3A_493 : i32 to index
        %parallel_loop3A_495 = arith.index_cast %parallel_loop3A_468 : i32 to index
        %parallel_loop3A_496 = tpu.vector_load %arg7[%parallel_loop3A_494, %parallel_loop3A_495] {strides = array<i32>} : memref<64x1024xf32, #tpu.memory_space<vmem>>, vector<1x16xf32>,
        %parallel_loop3A_497 = vector.shape_cast %parallel_loop3A_496 : vector<1x16xf32> to vector<16xf32>
        %parallel_loop3A_498 = arith.addf %parallel_loop3A_491, %parallel_loop3A_497 : vector<16xf32>
        %parallel_loop3A_499 = arith.constant 1 : i32
        %parallel_loop3A_500 = arith.index_cast %parallel_loop3A_499 : i32 to index
        %parallel_loop3A_501 = arith.index_cast %parallel_loop3A_468 : i32 to index
        %parallel_loop3A_502 = tpu.vector_load %arg11[%parallel_loop3A_500, %parallel_loop3A_501] {strides = array<i32>} : memref<8x1024xf32, #tpu.memory_space<vmem>>, vector<1x16xf32>,
        %parallel_loop3A_503 = vector.shape_cast %parallel_loop3A_502 : vector<1x16xf32> to vector<16xf32>
        %parallel_loop3A_504 = vector.shape_cast %parallel_loop3A_498 : vector<16xf32> to vector<1x16xf32>
        tpu.vector_store %arg11[%parallel_loop3A_500, %parallel_loop3A_501], %parallel_loop3A_504 {strides = array<i32>} : memref<8x1024xf32, #tpu.memory_space<vmem>>, vector<1x16xf32>,
        %parallel_loop3A_505 = arith.constant 2 : i32
        %parallel_loop3A_506 = arith.index_cast %parallel_loop3A_505 : i32 to index
        %parallel_loop3A_507 = arith.index_cast %parallel_loop3A_468 : i32 to index
        %parallel_loop3A_508 = tpu.vector_load %arg11[%parallel_loop3A_506, %parallel_loop3A_507] {strides = array<i32>} : memref<8x1024xf32, #tpu.memory_space<vmem>>, vector<1x16xf32>,
        %parallel_loop3A_509 = vector.shape_cast %parallel_loop3A_508 : vector<1x16xf32> to vector<16xf32>
        %parallel_loop3A_510 = arith.constant 2 : i32
        %parallel_loop3A_511 = arith.addi %mul3A_397, %parallel_loop3A_510 : i32
        %parallel_loop3A_512 = arith.index_cast %parallel_loop3A_511 : i32 to index
        %parallel_loop3A_513 = arith.index_cast %parallel_loop3A_468 : i32 to index
        %parallel_loop3A_514 = tpu.vector_load %arg7[%parallel_loop3A_512, %parallel_loop3A_513] {strides = array<i32>} : memref<64x1024xf32, #tpu.memory_space<vmem>>, vector<1x16xf32>,
        %parallel_loop3A_515 = vector.shape_cast %parallel_loop3A_514 : vector<1x16xf32> to vector<16xf32>
        %parallel_loop3A_516 = arith.addf %parallel_loop3A_509, %parallel_loop3A_515 : vector<16xf32>
        %parallel_loop3A_517 = arith.constant 2 : i32
        %parallel_loop3A_518 = arith.index_cast %parallel_loop3A_517 : i32 to index
        %parallel_loop3A_519 = arith.index_cast %parallel_loop3A_468 : i32 to index
        %parallel_loop3A_520 = tpu.vector_load %arg11[%parallel_loop3A_518, %parallel_loop3A_519] {strides = array<i32>} : memref<8x1024xf32, #tpu.memory_space<vmem>>, vector<1x16xf32>,
        %parallel_loop3A_521 = vector.shape_cast %parallel_loop3A_520 : vector<1x16xf32> to vector<16xf32>
        %parallel_loop3A_522 = vector.shape_cast %parallel_loop3A_516 : vector<16xf32> to vector<1x16xf32>
        tpu.vector_store %arg11[%parallel_loop3A_518, %parallel_loop3A_519], %parallel_loop3A_522 {strides = array<i32>} : memref<8x1024xf32, #tpu.memory_space<vmem>>, vector<1x16xf32>,
        %parallel_loop3A_523 = arith.constant 3 : i32
        %parallel_loop3A_524 = arith.index_cast %parallel_loop3A_523 : i32 to index
        %parallel_loop3A_525 = arith.index_cast %parallel_loop3A_468 : i32 to index
        %parallel_loop3A_526 = tpu.vector_load %arg11[%parallel_loop3A_524, %parallel_loop3A_525] {strides = array<i32>} : memref<8x1024xf32, #tpu.memory_space<vmem>>, vector<1x16xf32>,
        %parallel_loop3A_527 = vector.shape_cast %parallel_loop3A_526 : vector<1x16xf32> to vector<16xf32>
        %parallel_loop3A_528 = arith.constant 3 : i32
        %parallel_loop3A_529 = arith.addi %mul3A_397, %parallel_loop3A_528 : i32
        %parallel_loop3A_530 = arith.index_cast %parallel_loop3A_529 : i32 to index
        %parallel_loop3A_531 = arith.index_cast %parallel_loop3A_468 : i32 to index
        %parallel_loop3A_532 = tpu.vector_load %arg7[%parallel_loop3A_530, %parallel_loop3A_531] {strides = array<i32>} : memref<64x1024xf32, #tpu.memory_space<vmem>>, vector<1x16xf32>,
        %parallel_loop3A_533 = vector.shape_cast %parallel_loop3A_532 : vector<1x16xf32> to vector<16xf32>
        %parallel_loop3A_534 = arith.addf %parallel_loop3A_527, %parallel_loop3A_533 : vector<16xf32>
        %parallel_loop3A_535 = arith.constant 3 : i32
        %parallel_loop3A_536 = arith.index_cast %parallel_loop3A_535 : i32 to index
        %parallel_loop3A_537 = arith.index_cast %parallel_loop3A_468 : i32 to index
        %parallel_loop3A_538 = tpu.vector_load %arg11[%parallel_loop3A_536, %parallel_loop3A_537] {strides = array<i32>} : memref<8x1024xf32, #tpu.memory_space<vmem>>, vector<1x16xf32>,
        %parallel_loop3A_539 = vector.shape_cast %parallel_loop3A_538 : vector<1x16xf32> to vector<16xf32>
        %parallel_loop3A_540 = vector.shape_cast %parallel_loop3A_534 : vector<16xf32> to vector<1x16xf32>
        tpu.vector_store %arg11[%parallel_loop3A_536, %parallel_loop3A_537], %parallel_loop3A_540 {strides = array<i32>} : memref<8x1024xf32, #tpu.memory_space<vmem>>, vector<1x16xf32>,
        %parallel_loop3A_541 = arith.constant 4 : i32
        %parallel_loop3A_542 = arith.index_cast %parallel_loop3A_541 : i32 to index
        %parallel_loop3A_543 = arith.index_cast %parallel_loop3A_468 : i32 to index
        %parallel_loop3A_544 = tpu.vector_load %arg11[%parallel_loop3A_542, %parallel_loop3A_543] {strides = array<i32>} : memref<8x1024xf32, #tpu.memory_space<vmem>>, vector<1x16xf32>,
        %parallel_loop3A_545 = vector.shape_cast %parallel_loop3A_544 : vector<1x16xf32> to vector<16xf32>
        %parallel_loop3A_546 = arith.constant 4 : i32
        %parallel_loop3A_547 = arith.addi %mul3A_397, %parallel_loop3A_546 : i32
        %parallel_loop3A_548 = arith.index_cast %parallel_loop3A_547 : i32 to index
        %parallel_loop3A_549 = arith.index_cast %parallel_loop3A_468 : i32 to index
        %parallel_loop3A_550 = tpu.vector_load %arg7[%parallel_loop3A_548, %parallel_loop3A_549] {strides = array<i32>} : memref<64x1024xf32, #tpu.memory_space<vmem>>, vector<1x16xf32>,
        %parallel_loop3A_551 = vector.shape_cast %parallel_loop3A_550 : vector<1x16xf32> to vector<16xf32>
        %parallel_loop3A_552 = arith.addf %parallel_loop3A_545, %parallel_loop3A_551 : vector<16xf32>
        %parallel_loop3A_553 = arith.constant 4 : i32
        %parallel_loop3A_554 = arith.index_cast %parallel_loop3A_553 : i32 to index
        %parallel_loop3A_555 = arith.index_cast %parallel_loop3A_468 : i32 to index
        %parallel_loop3A_556 = tpu.vector_load %arg11[%parallel_loop3A_554, %parallel_loop3A_555] {strides = array<i32>} : memref<8x1024xf32, #tpu.memory_space<vmem>>, vector<1x16xf32>,
        %parallel_loop3A_557 = vector.shape_cast %parallel_loop3A_556 : vector<1x16xf32> to vector<16xf32>
        %parallel_loop3A_558 = vector.shape_cast %parallel_loop3A_552 : vector<16xf32> to vector<1x16xf32>
        tpu.vector_store %arg11[%parallel_loop3A_554, %parallel_loop3A_555], %parallel_loop3A_558 {strides = array<i32>} : memref<8x1024xf32, #tpu.memory_space<vmem>>, vector<1x16xf32>,
        %parallel_loop3A_559 = arith.constant 5 : i32
        %parallel_loop3A_560 = arith.index_cast %parallel_loop3A_559 : i32 to index
        %parallel_loop3A_561 = arith.index_cast %parallel_loop3A_468 : i32 to index
        %parallel_loop3A_562 = tpu.vector_load %arg11[%parallel_loop3A_560, %parallel_loop3A_561] {strides = array<i32>} : memref<8x1024xf32, #tpu.memory_space<vmem>>, vector<1x16xf32>,
        %parallel_loop3A_563 = vector.shape_cast %parallel_loop3A_562 : vector<1x16xf32> to vector<16xf32>
        %parallel_loop3A_564 = arith.constant 5 : i32
        %parallel_loop3A_565 = arith.addi %mul3A_397, %parallel_loop3A_564 : i32
        %parallel_loop3A_566 = arith.index_cast %parallel_loop3A_565 : i32 to index
        %parallel_loop3A_567 = arith.index_cast %parallel_loop3A_468 : i32 to index
        %parallel_loop3A_568 = tpu.vector_load %arg7[%parallel_loop3A_566, %parallel_loop3A_567] {strides = array<i32>} : memref<64x1024xf32, #tpu.memory_space<vmem>>, vector<1x16xf32>,
        %parallel_loop3A_569 = vector.shape_cast %parallel_loop3A_568 : vector<1x16xf32> to vector<16xf32>
        %parallel_loop3A_570 = arith.addf %parallel_loop3A_563, %parallel_loop3A_569 : vector<16xf32>
        %parallel_loop3A_571 = arith.constant 5 : i32
        %parallel_loop3A_572 = arith.index_cast %parallel_loop3A_571 : i32 to index
        %parallel_loop3A_573 = arith.index_cast %parallel_loop3A_468 : i32 to index
        %parallel_loop3A_574 = tpu.vector_load %arg11[%parallel_loop3A_572, %parallel_loop3A_573] {strides = array<i32>} : memref<8x1024xf32, #tpu.memory_space<vmem>>, vector<1x16xf32>,
        %parallel_loop3A_575 = vector.shape_cast %parallel_loop3A_574 : vector<1x16xf32> to vector<16xf32>
        %parallel_loop3A_576 = vector.shape_cast %parallel_loop3A_570 : vector<16xf32> to vector<1x16xf32>
        tpu.vector_store %arg11[%parallel_loop3A_572, %parallel_loop3A_573], %parallel_loop3A_576 {strides = array<i32>} : memref<8x1024xf32, #tpu.memory_space<vmem>>, vector<1x16xf32>,
        %parallel_loop3A_577 = arith.constant 6 : i32
        %parallel_loop3A_578 = arith.index_cast %parallel_loop3A_577 : i32 to index
        %parallel_loop3A_579 = arith.index_cast %parallel_loop3A_468 : i32 to index
        %parallel_loop3A_580 = tpu.vector_load %arg11[%parallel_loop3A_578, %parallel_loop3A_579] {strides = array<i32>} : memref<8x1024xf32, #tpu.memory_space<vmem>>, vector<1x16xf32>,
        %parallel_loop3A_581 = vector.shape_cast %parallel_loop3A_580 : vector<1x16xf32> to vector<16xf32>
        %parallel_loop3A_582 = arith.constant 6 : i32
        %parallel_loop3A_583 = arith.addi %mul3A_397, %parallel_loop3A_582 : i32
        %parallel_loop3A_584 = arith.index_cast %parallel_loop3A_583 : i32 to index
        %parallel_loop3A_585 = arith.index_cast %parallel_loop3A_468 : i32 to index
        %parallel_loop3A_586 = tpu.vector_load %arg7[%parallel_loop3A_584, %parallel_loop3A_585] {strides = array<i32>} : memref<64x1024xf32, #tpu.memory_space<vmem>>, vector<1x16xf32>,
        %parallel_loop3A_587 = vector.shape_cast %parallel_loop3A_586 : vector<1x16xf32> to vector<16xf32>
        %parallel_loop3A_588 = arith.addf %parallel_loop3A_581, %parallel_loop3A_587 : vector<16xf32>
        %parallel_loop3A_589 = arith.constant 6 : i32
        %parallel_loop3A_590 = arith.index_cast %parallel_loop3A_589 : i32 to index
        %parallel_loop3A_591 = arith.index_cast %parallel_loop3A_468 : i32 to index
        %parallel_loop3A_592 = tpu.vector_load %arg11[%parallel_loop3A_590, %parallel_loop3A_591] {strides = array<i32>} : memref<8x1024xf32, #tpu.memory_space<vmem>>, vector<1x16xf32>,
        %parallel_loop3A_593 = vector.shape_cast %parallel_loop3A_592 : vector<1x16xf32> to vector<16xf32>
        %parallel_loop3A_594 = vector.shape_cast %parallel_loop3A_588 : vector<16xf32> to vector<1x16xf32>
        tpu.vector_store %arg11[%parallel_loop3A_590, %parallel_loop3A_591], %parallel_loop3A_594 {strides = array<i32>} : memref<8x1024xf32, #tpu.memory_space<vmem>>, vector<1x16xf32>,
        %parallel_loop3A_595 = arith.constant 7 : i32
        %parallel_loop3A_596 = arith.index_cast %parallel_loop3A_595 : i32 to index
        %parallel_loop3A_597 = arith.index_cast %parallel_loop3A_468 : i32 to index
        %parallel_loop3A_598 = tpu.vector_load %arg11[%parallel_loop3A_596, %parallel_loop3A_597] {strides = array<i32>} : memref<8x1024xf32, #tpu.memory_space<vmem>>, vector<1x16xf32>,
        %parallel_loop3A_599 = vector.shape_cast %parallel_loop3A_598 : vector<1x16xf32> to vector<16xf32>
        %parallel_loop3A_600 = arith.constant 7 : i32
        %parallel_loop3A_601 = arith.addi %mul3A_397, %parallel_loop3A_600 : i32
        %parallel_loop3A_602 = arith.index_cast %parallel_loop3A_601 : i32 to index
        %parallel_loop3A_603 = arith.index_cast %parallel_loop3A_468 : i32 to index
        %parallel_loop3A_604 = tpu.vector_load %arg7[%parallel_loop3A_602, %parallel_loop3A_603] {strides = array<i32>} : memref<64x1024xf32, #tpu.memory_space<vmem>>, vector<1x16xf32>,
        %parallel_loop3A_605 = vector.shape_cast %parallel_loop3A_604 : vector<1x16xf32> to vector<16xf32>
        %parallel_loop3A_606 = arith.addf %parallel_loop3A_599, %parallel_loop3A_605 : vector<16xf32>
        %parallel_loop3A_607 = arith.constant 7 : i32
        %parallel_loop3A_608 = arith.index_cast %parallel_loop3A_607 : i32 to index
        %parallel_loop3A_609 = arith.index_cast %parallel_loop3A_468 : i32 to index
        %parallel_loop3A_610 = tpu.vector_load %arg11[%parallel_loop3A_608, %parallel_loop3A_609] {strides = array<i32>} : memref<8x1024xf32, #tpu.memory_space<vmem>>, vector<1x16xf32>,
        %parallel_loop3A_611 = vector.shape_cast %parallel_loop3A_610 : vector<1x16xf32> to vector<16xf32>
        %parallel_loop3A_612 = vector.shape_cast %parallel_loop3A_606 : vector<16xf32> to vector<1x16xf32>
        tpu.vector_store %arg11[%parallel_loop3A_608, %parallel_loop3A_609], %parallel_loop3A_612 {strides = array<i32>} : memref<8x1024xf32, #tpu.memory_space<vmem>>, vector<1x16xf32>,
      } {sc.loop_unroll_factor = 1 : i64, sc.parallel_access}
      %jit3A_401 = arith.constant 4 : i32
      %eq3A_402 = arith.constant 0 : i32
      %eq3A_403 = arith.cmpi eq, %jit3A_401, %eq3A_402 : i32
      %jit3A_404 = arith.constant 1 : i32
      %select_n3A_405 = arith.select %eq3A_403, %jit3A_404, %jit3A_401 : i32
      %rem3A_406 = arith.remsi %add3A_363, %select_n3A_405 : i32
      %ne3A_407 = arith.constant 0 : i32
      %ne3A_408 = arith.cmpi ne, %rem3A_406, %ne3A_407 : i32
      %lt3A_409 = arith.constant 0 : i32
      %lt3A_410 = arith.cmpi slt, %rem3A_406, %lt3A_409 : i32
      %lt3A_411 = arith.constant 0 : i32
      %lt3A_412 = arith.cmpi slt, %select_n3A_405, %lt3A_411 : i32
      %ne3A_413 = arith.xori %lt3A_410, %lt3A_412 : i1
      %and3A_414 = arith.andi %ne3A_413, %ne3A_408 : i1
      %add3A_415 = arith.addi %rem3A_406, %select_n3A_405 : i32
      %select_n3A_416 = arith.select %and3A_414, %add3A_415, %rem3A_406 : i32
      %mul3A_417 = arith.constant 2048 : i32
      %mul3A_418 = arith.muli %select_n3A_416, %mul3A_417 : i32
      %add3A_419 = arith.addi %mul3A_418, %mul3A_2 : i32
      %jit3A_420 = arith.constant 4 : i32
      %div3A_421 = arith.divsi %add3A_363, %jit3A_420 : i32
      %sign3A_422 = arith.constant 0 : i32
      %sign3A_423 = arith.cmpi sgt, %add3A_363, %sign3A_422 : i32
      %sign3A_424 = arith.extui %sign3A_423 : i1 to i32
      %sign3A_425 = arith.constant 0 : i32
      %sign3A_426 = arith.cmpi slt, %add3A_363, %sign3A_425 : i32
      %sign3A_427 = arith.extui %sign3A_426 : i1 to i32
      %sign3A_428 = arith.subi %sign3A_424, %sign3A_427 : i32
      %sign3A_429 = arith.constant 0 : i32
      %sign3A_430 = arith.cmpi sgt, %jit3A_420, %sign3A_429 : i32
      %sign3A_431 = arith.extui %sign3A_430 : i1 to i32
      %sign3A_432 = arith.constant 0 : i32
      %sign3A_433 = arith.cmpi slt, %jit3A_420, %sign3A_432 : i32
      %sign3A_434 = arith.extui %sign3A_433 : i1 to i32
      %sign3A_435 = arith.subi %sign3A_431, %sign3A_434 : i32
      %ne3A_436 = arith.cmpi ne, %sign3A_428, %sign3A_435 : i32
      %rem3A_437 = arith.remsi %add3A_363, %jit3A_420 : i32
      %ne3A_438 = arith.constant 0 : i32
      %ne3A_439 = arith.cmpi ne, %rem3A_437, %ne3A_438 : i32
      %and3A_440 = arith.andi %ne3A_436, %ne3A_439 : i1
      %sub3A_441 = arith.constant 1 : i32
      %sub3A_442 = arith.subi %div3A_421, %sub3A_441 : i32
      %select_n3A_443 = arith.select %and3A_440, %sub3A_442, %div3A_421 : i32
      %mul3A_444 = arith.constant 8 : i32
      %mul3A_445 = arith.muli %select_n3A_443, %mul3A_444 : i32
      %add3A_446 = arith.addi %add3A_419, %mul3A_445 : i32
      %dma_start3A_447 = arith.constant 0 : i32
      %dma_start3A_448 = tpu.memref_slice %arg5[%add3A_446, %dma_start3A_447] : memref<8192x1024xf32, #tpu.memory_space<hbm>> -> memref<8x1024xf32, #tpu.memory_space<hbm>>
      %dma_start3A_449 = arith.constant 0 : i32
      %dma_start3A_450 = tpu.memref_slice %arg5[%add3A_446, %dma_start3A_449] : memref<8192x1024xf32, #tpu.memory_space<hbm>> -> memref<8x1024xf32, #tpu.memory_space<hbm>>
      tpu.enqueue_dma source(%arg11 : memref<8x1024xf32, #tpu.memory_space<vmem>>) target(%dma_start3A_450 : memref<8x1024xf32, #tpu.memory_space<hbm>>) target_semaphore(%arg19 : memref<!tpu.dma_semaphore, #tpu.memory_space<semaphore_mem>>)
      %add3A_451 = arith.constant 2 : i32
      %add3A_452 = arith.addi %add3A_363, %add3A_451 : i32
      %lt3A_453 = arith.constant 32 : i32
      %lt3A_454 = arith.cmpi slt, %add3A_452, %lt3A_453 : i32
      %ge3A_455 = arith.constant 4 : i32
      %ge3A_456 = arith.cmpi sge, %add3A_452, %ge3A_455 : i32
      %and3A_457 = arith.andi %lt3A_454, %ge3A_456 : i1
      %convert_element_type3A_458 = arith.extui %and3A_457 : i1 to i32
      %cond3A_459 = arith.constant 0 : i32
      %cond3A_460 = arith.cmpi ne, %convert_element_type3A_458, %cond3A_459 : i32
      scf.if %cond3A_460 {
        %dma_wait3A_466 = arith.constant 0 : i32
        %dma_wait3A_467 = arith.constant 0 : i32
        %dma_wait3A_468 = tpu.memref_slice %arg5[%dma_wait3A_466, %dma_wait3A_467] : memref<8192x1024xf32, #tpu.memory_space<hbm>> -> memref<8x1024xf32, #tpu.memory_space<hbm>>
        %dma_wait3A_469 = arith.constant 0 : i32
        %dma_wait3A_470 = arith.constant 0 : i32
        %dma_wait3A_471 = tpu.memref_slice %arg5[%dma_wait3A_469, %dma_wait3A_470] : memref<8192x1024xf32, #tpu.memory_space<hbm>> -> memref<8x1024xf32, #tpu.memory_space<hbm>>
        tpu.wait_dma2 semaphore(%arg17 : memref<!tpu.dma_semaphore, #tpu.memory_space<semaphore_mem>>) src(%arg9 : memref<8x1024xf32, #tpu.memory_space<vmem>>) dst(%dma_wait3A_471 : memref<8x1024xf32, #tpu.memory_space<hbm>>)
      } else {
      }
      %lt3A_461 = arith.constant 32 : i32
      %lt3A_462 = arith.cmpi slt, %add3A_452, %lt3A_461 : i32
      %convert_element_type3A_463 = arith.extui %lt3A_462 : i1 to i32
      %cond3A_464 = arith.constant 0 : i32
      %cond3A_465 = arith.cmpi ne, %convert_element_type3A_463, %cond3A_464 : i32
      scf.if %cond3A_465 {
        %jit3A_466 = arith.constant 4 : i32
        %eq3A_467 = arith.constant 0 : i32
        %eq3A_468 = arith.cmpi eq, %jit3A_466, %eq3A_467 : i32
        %jit3A_469 = arith.constant 1 : i32
        %select_n3A_470 = arith.select %eq3A_468, %jit3A_469, %jit3A_466 : i32
        %rem3A_471 = arith.remsi %add3A_452, %select_n3A_470 : i32
        %ne3A_472 = arith.constant 0 : i32
        %ne3A_473 = arith.cmpi ne, %rem3A_471, %ne3A_472 : i32
        %lt3A_474 = arith.constant 0 : i32
        %lt3A_475 = arith.cmpi slt, %rem3A_471, %lt3A_474 : i32
        %lt3A_476 = arith.constant 0 : i32
        %lt3A_477 = arith.cmpi slt, %select_n3A_470, %lt3A_476 : i32
        %ne3A_478 = arith.xori %lt3A_475, %lt3A_477 : i1
        %and3A_479 = arith.andi %ne3A_478, %ne3A_473 : i1
        %add3A_480 = arith.addi %rem3A_471, %select_n3A_470 : i32
        %select_n3A_481 = arith.select %and3A_479, %add3A_480, %rem3A_471 : i32
        %jit3A_482 = arith.constant 4 : i32
        %div3A_483 = arith.divsi %add3A_452, %jit3A_482 : i32
        %sign3A_484 = arith.constant 0 : i32
        %sign3A_485 = arith.cmpi sgt, %add3A_452, %sign3A_484 : i32
        %sign3A_486 = arith.extui %sign3A_485 : i1 to i32
        %sign3A_487 = arith.constant 0 : i32
        %sign3A_488 = arith.cmpi slt, %add3A_452, %sign3A_487 : i32
        %sign3A_489 = arith.extui %sign3A_488 : i1 to i32
        %sign3A_490 = arith.subi %sign3A_486, %sign3A_489 : i32
        %sign3A_491 = arith.constant 0 : i32
        %sign3A_492 = arith.cmpi sgt, %jit3A_482, %sign3A_491 : i32
        %sign3A_493 = arith.extui %sign3A_492 : i1 to i32
        %sign3A_494 = arith.constant 0 : i32
        %sign3A_495 = arith.cmpi slt, %jit3A_482, %sign3A_494 : i32
        %sign3A_496 = arith.extui %sign3A_495 : i1 to i32
        %sign3A_497 = arith.subi %sign3A_493, %sign3A_496 : i32
        %ne3A_498 = arith.cmpi ne, %sign3A_490, %sign3A_497 : i32
        %rem3A_499 = arith.remsi %add3A_452, %jit3A_482 : i32
        %ne3A_500 = arith.constant 0 : i32
        %ne3A_501 = arith.cmpi ne, %rem3A_499, %ne3A_500 : i32
        %and3A_502 = arith.andi %ne3A_498, %ne3A_501 : i1
        %sub3A_503 = arith.constant 1 : i32
        %sub3A_504 = arith.subi %div3A_483, %sub3A_503 : i32
        %select_n3A_505 = arith.select %and3A_502, %sub3A_504, %div3A_483 : i32
        %dma_start3A_506 = arith.constant 0 : i32
        %dma_start3A_507 = tpu.memref_slice %arg6[%select_n3A_481, %select_n3A_505, %dma_start3A_506] : memref<4x8x8xi32, #tpu.memory_space<vmem>> -> memref<1x1x8xi32, #tpu.memory_space<vmem>>
        %dma_start3A_508 = tpu.memref_squeeze %dma_start3A_507 : memref<1x1x8xi32, #tpu.memory_space<vmem>> -> memref<8xi32, #tpu.memory_space<vmem>>
        %dma_start3A_509 = arith.constant 0 : i32
        %dma_start3A_510 = arith.constant 0 : i32
        %dma_start3A_511 = tpu.memref_slice %arg3[%dma_start3A_509, %dma_start3A_510] : memref<100000x1024xf32, #tpu.memory_space<hbm>> -> memref<100000x1024xf32, #tpu.memory_space<hbm>>
        tpu.enqueue_indirect_dma source(%dma_start3A_511 : memref<100000x1024xf32, #tpu.memory_space<hbm>>) target(%arg9 : memref<8x1024xf32, #tpu.memory_space<vmem>>) offsets(%dma_start3A_508 : memref<8xi32, #tpu.memory_space<vmem>>) semaphore(%arg13 : memref<!tpu.dma_semaphore, #tpu.memory_space<semaphore_mem>>)
      } else {
      }
    }
    %scan3A_36 = arith.constant 8 : i32
    %dma_wait3A_37 = arith.constant 0 : i32
    %dma_wait3A_38 = arith.constant 0 : i32
    %dma_wait3A_39 = tpu.memref_slice %arg5[%dma_wait3A_37, %dma_wait3A_38] : memref<8192x1024xf32, #tpu.memory_space<hbm>> -> memref<8x1024xf32, #tpu.memory_space<hbm>>
    %dma_wait3A_40 = arith.constant 0 : i32
    %dma_wait3A_41 = arith.constant 0 : i32
    %dma_wait3A_42 = tpu.memref_slice %arg5[%dma_wait3A_40, %dma_wait3A_41] : memref<8192x1024xf32, #tpu.memory_space<hbm>> -> memref<8x1024xf32, #tpu.memory_space<hbm>>
    tpu.wait_dma2 semaphore(%arg16 : memref<!tpu.dma_semaphore, #tpu.memory_space<semaphore_mem>>) src(%arg8 : memref<8x1024xf32, #tpu.memory_space<vmem>>) dst(%dma_wait3A_42 : memref<8x1024xf32, #tpu.memory_space<hbm>>)
    %dma_wait3A_43 = arith.constant 0 : i32
    %dma_wait3A_44 = arith.constant 0 : i32
    %dma_wait3A_45 = tpu.memref_slice %arg5[%dma_wait3A_43, %dma_wait3A_44] : memref<8192x1024xf32, #tpu.memory_space<hbm>> -> memref<8x1024xf32, #tpu.memory_space<hbm>>
    %dma_wait3A_46 = arith.constant 0 : i32
    %dma_wait3A_47 = arith.constant 0 : i32
    %dma_wait3A_48 = tpu.memref_slice %arg5[%dma_wait3A_46, %dma_wait3A_47] : memref<8192x1024xf32, #tpu.memory_space<hbm>> -> memref<8x1024xf32, #tpu.memory_space<hbm>>
    tpu.wait_dma2 semaphore(%arg17 : memref<!tpu.dma_semaphore, #tpu.memory_space<semaphore_mem>>) src(%arg9 : memref<8x1024xf32, #tpu.memory_space<vmem>>) dst(%dma_wait3A_48 : memref<8x1024xf32, #tpu.memory_space<hbm>>)
    %dma_wait3A_49 = arith.constant 0 : i32
    %dma_wait3A_50 = arith.constant 0 : i32
    %dma_wait3A_51 = tpu.memref_slice %arg5[%dma_wait3A_49, %dma_wait3A_50] : memref<8192x1024xf32, #tpu.memory_space<hbm>> -> memref<8x1024xf32, #tpu.memory_space<hbm>>
    %dma_wait3A_52 = arith.constant 0 : i32
    %dma_wait3A_53 = arith.constant 0 : i32
    %dma_wait3A_54 = tpu.memref_slice %arg5[%dma_wait3A_52, %dma_wait3A_53] : memref<8192x1024xf32, #tpu.memory_space<hbm>> -> memref<8x1024xf32, #tpu.memory_space<hbm>>
    tpu.wait_dma2 semaphore(%arg18 : memref<!tpu.dma_semaphore, #tpu.memory_space<semaphore_mem>>) src(%arg10 : memref<8x1024xf32, #tpu.memory_space<vmem>>) dst(%dma_wait3A_54 : memref<8x1024xf32, #tpu.memory_space<hbm>>)
    %dma_wait3A_55 = arith.constant 0 : i32
    %dma_wait3A_56 = arith.constant 0 : i32
    %dma_wait3A_57 = tpu.memref_slice %arg5[%dma_wait3A_55, %dma_wait3A_56] : memref<8192x1024xf32, #tpu.memory_space<hbm>> -> memref<8x1024xf32, #tpu.memory_space<hbm>>
    %dma_wait3A_58 = arith.constant 0 : i32
    %dma_wait3A_59 = arith.constant 0 : i32
    %dma_wait3A_60 = tpu.memref_slice %arg5[%dma_wait3A_58, %dma_wait3A_59] : memref<8192x1024xf32, #tpu.memory_space<hbm>> -> memref<8x1024xf32, #tpu.memory_space<hbm>>
    tpu.wait_dma2 semaphore(%arg19 : memref<!tpu.dma_semaphore, #tpu.memory_space<semaphore_mem>>) src(%arg11 : memref<8x1024xf32, #tpu.memory_space<vmem>>) dst(%dma_wait3A_60 : memref<8x1024xf32, #tpu.memory_space<hbm>>)
    return
  }
}

</mosaic_0001>

<sc_bundles>
// kernel: kernel.3.cloned.1.call-start
scs
__scs_entry_jumppad:
0x0: {  	(pc) =	sbr.rel $0x88, $3  }
0x1: {  	(tag) =	ssettag $0x0;
	lr =	simm.s32 $0x1  }
0x2: {  	[smem:$0x3F9E] =	sst lr;
	_ =	strace $0xD0000000  }
0x3: {  	_ = 	snop  }
0x4: {  	_ = 	snop  }
0x5: {  	_ = 	snop  }
0x6: {  	_ = 	snop  }
0x7: {  	_ = 	snop  }
__scs_overlays_trampoline_lowered:
0x8: {  	[smem:$0x3FAD] =	sst s0  }
0x9: {  	[smem:$0x3FAE] =	sst s1  }
0xa: {  	[smem:$0x3FAF] =	sst s2  }
0xb: {  	[smem:$0x3FB0] =	sst s3  }
0xc: {  	[smem:$0x3FB1] =	sst s4  }
0xd: {  	[smem:$0x3FB2] =	sst s5  }
0xe: {  	[smem:$0x3FB3] =	sst s6  }
0xf: {  	[smem:$0x3FB4] =	sst s7  }
0x10: {  	[smem:$0x3FB5] =	sst s8  }
0x11: {  	[smem:$0x3FB6] =	sst s9;
	s0 =	simm.s32 @!p0 $0x0  }
0x12: {  	s1 =	sld [smem:$0x3F9C];
	s0 =	simm.s32 @p0 $0x1  }
0x13: {  	[smem:$0x3FB7] =	sst s0;
	s0 =	simm.s32 @!p1 $0x0  }
0x14: {  	s2 =	sld [smem:$0x3F9B];
	s0 =	simm.s32 @p1 $0x1  }
0x15: {  	[smem:$0x3FB8] =	sst s0;
	s0 =	simm.s32 @!p2 $0x0  }
0x16: {  	s3 =	sld [smem:$0x3FDB];
	s0 =	simm.s32 @p2 $0x1  }
0x17: {  	s4 =	simm.s32 $0x1BF5;
	[smem:$0x3FBA] =	sst s0  }
0x18: {  	s0 =	sld [smem:$0x3F9D];
	_ =	swait.ge [sflag:s4], $0x0  }
0x19: {  	s7 =	sld [smem:$0x3F9E]  }
0x1a: {  	s8 =	sadd.s32 $0xFFFFE003, lr  }
0x1b: {  	s9 =	sadd.s32 $0xFFFFFEF7, lr;
	s5 =	simm.s32 $0xFFFFFFFF;
	p2 =	slt.u32 s8, $0xFFFFF086  }
0x1c: {  	p1 =	slt.u32 s9, $0xF7A;
	s5 =	simm.s32 @!p2 $0x0  }
0x1d: {  	s5 =	simm.s32 @p1 $0x1;
	p0 =	seq.s32 s7, s2  }
0x1e: {  	s7 =	smul.u32 @!p0 $0xF7A, s2;
	p2 =	seq.s32 @!p0 s5, $0x0  }
0x1f: {  	s9 =	smul.u32 $0xF7A, s1;
	s8 =	simm.s32 @!p0 $0x1BF5;
	p2 =	por !p2, p0  }
0x20: {  	[sflag:s8] =	ssyncset.s32 @!p0 $0xFFFFF086;
	s6 =	sadd.s32 @!p0 s3, s7;
	s7 =	simm.s32 @!p0 $0x108  }
0x21: {  	s3 =	sadd.s32 s3, s9;
	s6 =	sadd.s32 @!p0 $0x88, s6;
	s7 =	simm.s32 @p2 $0x1082  }
0x22: {  	[simem:s7], [sflag:s8] =	dma.local @!p0 [hbm:s6], $0xF7A  }
0x23: {  	s9 =	sor.u32 $0xD0000000, s2;
	s6 =	simm.s32 $0x108;
	_ =	swait.ge @!p0 [sflag:s8], $0x0  }
0x24: {  	s3 =	sadd.s32 $0x88, s3;
	s6 =	simm.s32 @!p1 $0x1082;
	[sflag:s4] =	ssyncset.s32 $0xFFFFF086  }
0x25: {  	[simem:s6], [sflag:s4] =	dma.local [hbm:s3], $0xF7A  }
0x26: {  	[smem:$0x3F9E] =	sst s1;
	(tag) =	ssettag s2;
	_ =	strace s9  }
0x27: {  	s1 =	sld [smem:$0x3FAE]  }
0x28: {  	s2 =	sld [smem:$0x3FAF]  }
0x29: {  	s4 =	sld [smem:$0x3FB1]  }
0x2a: {  	p0 =	seq.s32 s5, $0x0;
	s5 =	sld [smem:$0x3FB2]  }
0x2b: {  	s6 =	sld [smem:$0x3FB3]  }
0x2c: {  	s7 =	sld [smem:$0x3FB4]  }
0x2d: {  	s3 =	simm.s32 $0x108;
	s8 =	sld [smem:$0x3FB5]  }
0x2e: {  	s3 =	simm.s32 @!p0 $0x1082;
	s9 =	sld [smem:$0x3FB6]  }
0x2f: {  	lr =	sadd.s32 s0, s3;
	s0 =	sld [smem:$0x3FAD]  }
0x30: {  	s3 =	sld [smem:$0x3FB0]  }
0x31: {  	[smem:$0x3FB9] =	sst s10  }
0x32: {  	s10 =	sld [smem:$0x3FB7];
	_ =	sdelay $0x3  }
0x33: {  	p0 =	seq.s32 s10, $0x1;
	s10 =	sld [smem:$0x3FB9];
	_ =	sdelay $0x3  }
0x34: {  	[smem:$0x3FB9] =	sst s10  }
0x35: {  	s10 =	sld [smem:$0x3FB8];
	_ =	sdelay $0x3  }
0x36: {  	p1 =	seq.s32 s10, $0x1;
	s10 =	sld [smem:$0x3FB9];
	_ =	sdelay $0x3  }
0x37: {  	[smem:$0x3FB9] =	sst s10  }
0x38: {  	s10 =	sld [smem:$0x3FBA]  }
0x39: {  	_ = 	snop;
	(pc) =	sbr.ind lr, $3  }
0x3a: {  	_ = 	snop  }
0x3b: {  	_ = 	snop  }
0x3c: {  	p2 =	seq.s32 s10, $0x1;
	s10 =	sld [smem:$0x3FB9]  }
0x3d: {  	_ =	shalt  }
0x3e: {  	_ =	shalt  }
0x3f: {  	_ =	shalt  }
0x40: {  	_ =	shalt  }
0x41: {  	_ =	shalt  }
0x42: {  	_ =	shalt  }
0x43: {  	_ =	shalt  }
0x44: {  	_ =	shalt  }
0x45: {  	_ =	shalt  }
0x46: {  	_ =	shalt  }
0x47: {  	_ =	shalt  }
0x48: {  	_ =	shalt  }
0x49: {  	_ =	shalt  }
0x4a: {  	_ =	shalt  }
0x4b: {  	_ =	shalt  }
0x4c: {  	_ =	shalt  }
0x4d: {  	_ =	shalt  }
0x4e: {  	_ =	shalt  }
0x4f: {  	_ =	shalt  }
0x50: {  	_ =	shalt  }
0x51: {  	_ =	shalt  }
0x52: {  	_ =	shalt  }
0x53: {  	_ =	shalt  }
0x54: {  	_ =	shalt  }
0x55: {  	_ =	shalt  }
0x56: {  	_ =	shalt  }
0x57: {  	_ =	shalt  }
0x58: {  	_ =	shalt  }
0x59: {  	_ =	shalt  }
0x5a: {  	_ =	shalt  }
0x5b: {  	_ =	shalt  }
0x5c: {  	_ =	shalt  }
0x5d: {  	_ =	shalt  }
0x5e: {  	_ =	shalt  }
0x5f: {  	_ =	shalt  }
0x60: {  	_ =	shalt  }
0x61: {  	_ =	shalt  }
0x62: {  	_ =	shalt  }
0x63: {  	_ =	shalt  }
0x64: {  	_ =	shalt  }
0x65: {  	_ =	shalt  }
0x66: {  	_ =	shalt  }
0x67: {  	_ =	shalt  }
0x68: {  	_ =	shalt  }
0x69: {  	_ =	shalt  }
0x6a: {  	_ =	shalt  }
0x6b: {  	_ =	shalt  }
0x6c: {  	_ =	shalt  }
0x6d: {  	_ =	shalt  }
0x6e: {  	_ =	shalt  }
0x6f: {  	_ =	shalt  }
0x70: {  	_ =	shalt  }
0x71: {  	_ =	shalt  }
0x72: {  	_ =	shalt  }
0x73: {  	_ =	shalt  }
0x74: {  	_ =	shalt  }
0x75: {  	_ =	shalt  }
0x76: {  	_ =	shalt  }
0x77: {  	_ =	shalt  }
0x78: {  	_ =	shalt  }
0x79: {  	_ =	shalt  }
0x7a: {  	_ =	shalt  }
0x7b: {  	_ =	shalt  }
0x7c: {  	_ =	shalt  }
0x7d: {  	_ =	shalt  }
0x7e: {  	_ =	shalt  }
0x7f: {  	_ =	shalt  }
0x80: {  	_ =	shalt  }
0x81: {  	_ =	shalt  }
0x82: {  	_ =	shalt  }
0x83: {  	_ =	shalt  }
0x84: {  	_ =	shalt  }
0x85: {  	_ =	shalt  }
0x86: {  	_ =	shalt  }
0x87: {  	_ =	shalt  }
.Lfunc_end0:
.L_simem_size_0:
called_computation_lowered:
.L_overlay_start_0:
0x88: {  	s2 =	sld [smem:$0x3FD9]  }
0x89: {  	s3 =	sld [smem:$0x3FFE];
	_ =	sdelay $0x1  }
0x8a: {  	s1 =	srdreg.scid  }
0x8b: {  	s0 =	sand.u32 $0x1, s1  }
0x8c: {  	s17 =	sshll.u32 s0, $0xA;
	s2 =	sadd.s32 s3, s2  }
0x8d: {  	s2 =	sadd.s32 s2, s17  }
0x8e: {  	[smem:$0x3FC5] =	sst s2  }
0x8f: {  	_ = 	snop  }
0x90: {  	s2 =	sld [smem:$0x3FC8]  }
0x91: {  	s18 =	sld [smem:$0x3FC7]  }
0x92: {  	s4 =	sld [smem:$0x3FD0];
	(tm) =	ssettm $0x1  }
0x93: {  	s5 =	sld [smem:$0x3FFB];
	_ =	sdelay $0x3  }
0x94: {  	_ =	strace s5  }
0x95: {  	s5 =	sld [smem:$0x3FFC];
	_ =	sdelay $0x3  }
0x96: {  	_ =	strace s5  }
0x97: {  	s5 =	sld [smem:$0x3FFD];
	_ =	sdelay $0x3  }
0x98: {  	_ =	strace s5  }
0x99: {  	_ =	strace $0x8FFFFFFF  }
0x9a: {  	s19 =	sld [smem:$0x3FDB];
	_ =	sdelay $0x1  }
0x9b: {  	s6 =	simm.s32 $_scs_section_size  }
0x9c: {  	s7 =	simm.s32 $_size__tile_overlayer_lowered;
	s8 =	simm.s32 $_tile_overlayer_lowered  }
0x9d: {  	s22 =	simm.s32 $0x1BFF;
	s21 =	sshll.u32 s8, $0x1;
	s5 =	sadd.s32 s6, s19  }
0x9e: {  	s9 =	simm.s32 $0x0;
	s20 =	sshll.u32 s7, $0x1;
	s7 =	sadd.s32 s21, s5  }
0x9f: {  	[timem:s9], [sflag:s22] =	dma.local [hbm:s7], s20  }
0xa0: {  	_ =	swait.ge [sflag:s22], s20  }
0xa1: {  	s6 =	ssub.s32 $0x0, s20;
	[sflag:s22] =	ssyncset.done $0x0  }
0xa2: {  	[sflag:s22] =	ssyncadd.s32 s6;
	_ =	sdelay $0x1  }
0xa3: {  	s23 =	simm.s32 $0x1B8B  }
0xa4: {  	_ =	swait.ge [sflag:s23], $0x1  }
0xa5: {  	[sflag:s23] =	ssyncset.done $0x0  }
0xa6: {  	s25 =	simm.s32 $0x1B8E;
	s24 =	sld [smem:$0x3FFE];
	[sflag:s23] =	ssyncadd.s32 $0xFFFFFFFF  }
0xa7: {  	s26 =	simm.s32 $execute0_lowered;
	[smem:$0x3FD2] =	sst s25  }
0xa8: {  	s7 =	sshll.u32 s26, $0x1;
	_ =	strace $0x80000046;
	[dreg:$0x1] =	wrdreg $0xFFFFFFFF  }
0xa9: {  	s28 =	simm.s32 $_size_execute0_lowered;
	s5 =	sadd.s32 s5, s7;
	[dreg:$0x0] =	wrdreg $0x0  }
0xaa: {  	s7 =	sshll.u32 s28, $0x1;
	[dreg:$0x2] =	wrdreg s5  }
0xab: {  	[dreg:$0x3] =	wrdreg s7  }
0xac: {  	[dreg:$0x4] =	wrdreg $0xC0  }
0xad: {  	_ =	task [dreg:s9], $0x5FFFF  }
0xae: {  	[dreg:$0x1] =	wrdreg $0xFFFFFFFF  }
0xaf: {  	[dreg:$0x0] =	wrdreg $0x60  }
0xb0: {  	[dreg:$0x2] =	wrdreg s24  }
0xb1: {  	[dreg:$0x3] =	wrdreg s2  }
0xb2: {  	[dreg:$0x4] =	wrdreg s18  }
0xb3: {  	[dreg:$0x5] =	wrdreg s4  }
0xb4: {  	[dreg:$0x6] =	wrdreg $0x9  }
0xb5: {  	_ =	task.clear_ibuf [dreg:s9], $0x7FFFF;
	_ =	strace $0x90000046  }
0xb6: {  	s29 =	simm.s32 $0x9;
	_ =	strace $0x80000048  }
0xb7: {  	_ =	swait.ge [sflag:s29], $0x1  }
0xb8: {  	[sflag:s29] =	ssyncadd.s32 $0xFFFFFFFF  }
0xb9: {  	_ =	strace $0x90000048  }
0xba: {  	_ =	sfence  }
0xbb: {  	s30 =	sld [smem:$0x0];
	_ =	sdelay $0x2  }
0xbc: {  	s31 =	sshll.u32 s1, $0xD;
	s1 =	sshrl.u32 s1, $0x2  }
0xbd: {  	s3 =	sand.u32 $0x4000, s31;
	s1 =	sadd.s32 s1, s30  }
0xbe: {  	s0 =	sor.u32 s3, s0;
	s1 =	sshll.u32 s1, $0x11  }
0xbf: {  	s0 =	sor.u32 s1, s0  }
0xc0: {  	s0 =	sadd.s32 $0x8F2B, s0  }
0xc1: {  	[sflag:s0] =	ssyncadd.remote.s32 $0x1  }
0xc2: {  	_ =	sfence.sel $0xFFFF  }
0xc3: {  	[dreg:$0x0] =	wrdreg $0xFFFFFFFF;
	(pc) =	sbr.abs _section_cstart, $3  }
0xc4: {  	[dreg:$0x1] =	wrdreg $0xFFFFFFFF  }
0xc5: {  	_ =	task.clear_ibuf [dreg:s9], $0x2FFFF;
	_ =	strace $0x9FFFFFFF  }
0xc6: {  	(tm) =	ssettm $0x7FFFFFFF  }
0xc7: {  	_ =	shalt  }
tec
execute0_lowered:
.L_overlay_start_1:
0x0: {  	(tag) =	ssettag $0x1  }
0x1: {  	s0 =	rddreg [dreg:$0x0]  }
0x2: {  	s7 =	rddreg [dreg:$0x1]  }
0x3: {  	s2 =	rddreg [dreg:$0x2];
	s3 =	srdreg.scid  }
0x4: {  	s1 =	stileid.u32;
	s8 =	rddreg [dreg:$0x3]  }
0x5: {  	s4 =	simm.s32 $0x0;
	s3 =	sand.u32 $0x1, s3;
	s5 =	sshll.u32 s1, $0x1  }
0x6: {  	[smem:$0x7FF] =	sst s4;
	s10 =	sadd.s32 $0x100, s7;
	s28 =	sadd.s32 $0x40000, s8  }
0x7: {  	s29 =	sadd.s32 $0x80000, s8;
	_ =	strace $0x80000047;
	[dreg:$0xb] =	wrdreg s28  }
0x8: {  	s30 =	sadd.s32 $0xC0000, s8;
	s5 =	sor.u32 s3, s5;
	[dreg:$0xc] =	wrdreg s29  }
0x9: {  	[dreg:$0xd] =	wrdreg s30;
	s6 =	sshll.u32 s5, $0x7;
	s22 =	sshll.u32 s5, $0xD  }
0xa: {  	s0 =	sadd.s32 s6, s0;
	[dreg:$0x5] =	wrdreg s22;
	s26 =	sadd.s32 s2, s22  }
0xb: {  	s3 =	ssub.s32 $0x2, s3;
	s23 =	sadd.s32 $0x400, s0;
	[dreg:$0xa] =	wrdreg s26  }
.Ltmp0:
0xc: {  	s24 =	sadd.s32 $0x1400, s0;
	[dreg:$0x6] =	wrdreg s23;
	(pc) =	sbr.rel .LBB2_1-.Ltmp0, $4  }
0xd: {  	s21 =	sshrl.u32 s3, $0x1;
	s25 =	sadd.s32 $0x2400, s0;
	[dreg:$0x7] =	wrdreg s24  }
0xe: {  	v0 =	vlaneseq.u32;
	s3 =	ssub.s32 s3, s21;
	s0 =	sadd.s32 $0x3400, s0;
	[dreg:$0x8] =	wrdreg s25  }
0xf: {  	s11 =	sadd.s32 $0x200, s7;
	v1 =	vshrl.u32 v0, $0x3;
	s31 =	smax.u32 s3, $0x1;
	[dreg:$0x9] =	wrdreg s0  }
0x10: {  	vm0 =	vmmov $0xffff;
	s12 =	sadd.s32 $0x300, s7;
	v0 =	vand.u32 $0x7, v0;
	v1 =	vmul.u32 $0x8, v1;
	s2 =	simm.s32 $0x0;
	[dreg:$0xe] =	wrdreg s31  }
.LBB2_12:
0x11: {  	s0 =	simm.s32 $0x5  }
0x12: {  	_ =	swait.ge [sflag:s0], $0x2000  }
0x13: {  	[sflag:s0] =	ssyncset.done $0x0  }
0x14: {  	s29 =	simm.s32 $0x6;
	[sflag:s0] =	ssyncadd.s32 $0xFFFFE000  }
0x15: {  	_ =	swait.ge [sflag:s29], $0x2000  }
0x16: {  	[sflag:s29] =	ssyncset.done $0x0  }
0x17: {  	s30 =	simm.s32 $0x7;
	[sflag:s29] =	ssyncadd.s32 $0xFFFFE000  }
0x18: {  	_ =	swait.ge [sflag:s30], $0x2000  }
0x19: {  	[sflag:s30] =	ssyncset.done $0x0  }
0x1a: {  	s1 =	simm.s32 $0x8;
	[sflag:s30] =	ssyncadd.s32 $0xFFFFE000  }
0x1b: {  	_ =	swait.ge [sflag:s1], $0x2000  }
0x1c: {  	s2 =	rddreg [dreg:$0xf]  }
0x1d: {  	s31 =	rddreg [dreg:$0xe];
	s2 =	sadd.s32 $0x1, s2  }
0x1e: {  	p0 =	sne.s32 s2, s31  }
.Ltmp1:
0x1f: {  	_ = 	snop;
	(pc) =	sbr.rel @!p0 .LBB2_13-.Ltmp1, $3  }
0x20: {  	_ =	sdelay $0x1  }
0x21: {  	[sflag:s1] =	ssyncset.done $0x0  }
0x22: {  	[sflag:s1] =	ssyncadd.s32 $0xFFFFE000  }
.LBB2_1:
0x23: {  	[dreg:$0xf] =	wrdreg s2  }
0x24: {  	s0 =	rddreg [dreg:$0x6];
	s1 =	simm.s32 $0xA  }
0x25: {  	[tilespmem:s4], [sflag:$0xA] =	stream.linear.gather [hbm4b:s0+s4], $0x400, $0x38;
	[tilespmem:$0x19000] =	vst v63  }
0x26: {  	_ =	swait.ge [sflag:s1], $0x400  }
0x27: {  	[sflag:s1] =	ssyncset.done $0x0  }
0x28: {  	s14 =	simm.s32 $0x400;
	s13 =	rddreg [dreg:$0x7];
	[sflag:s1] =	ssyncadd.s32 $0xFFFFFC00  }
0x29: {  	[tilespmem:s14], [sflag:$0xA] =	stream.linear.gather [hbm4b:s13+s4], $0x400, $0x38;
	[tilespmem:$0x19000] =	vst v63  }
0x2a: {  	_ =	swait.ge [sflag:s1], $0x400  }
0x2b: {  	[sflag:s1] =	ssyncset.done $0x0  }
0x2c: {  	s16 =	simm.s32 $0x800;
	s15 =	rddreg [dreg:$0x8];
	[sflag:s1] =	ssyncadd.s32 $0xFFFFFC00  }
0x2d: {  	[tilespmem:s16], [sflag:$0xA] =	stream.linear.gather [hbm4b:s15+s4], $0x400, $0x38;
	[tilespmem:$0x19000] =	vst v63  }
0x2e: {  	_ =	swait.ge [sflag:s1], $0x400  }
0x2f: {  	[sflag:s1] =	ssyncset.done $0x0  }
0x30: {  	s18 =	simm.s32 $0xC00;
	s17 =	rddreg [dreg:$0x9];
	[sflag:s1] =	ssyncadd.s32 $0xFFFFFC00  }
0x31: {  	[tilespmem:s18], [sflag:$0xA] =	stream.linear.gather [hbm4b:s17+s4], $0x400, $0x38;
	[tilespmem:$0x19000] =	vst v63  }
0x32: {  	_ =	swait.ge [sflag:s1], $0x400  }
0x33: {  	[sflag:s1] =	ssyncset.done $0x0  }
0x34: {  	[sflag:s1] =	ssyncadd.s32 $0xFFFFFC00  }
0x35: {  	v2 =	vld.msk [tilespmem:$0x0], $0xff;
	_ =	sdelay $0x4  }
0x36: {  	v3 =	vshll.u32 v2, $0x3  }
0x37: {  	v2 =	vand.u32 $0x7, v2;
	v3 =	vand.u32 $0xFFFFFFC0, v3  }
0x38: {  	v2 =	vor.u32 v2, v3  }
0x39: {  	v2 =	vperm.xlane v2, v0;
	_ =	sdelay $0x1  }
0x3a: {  	v2 =	vadd.s32 v1, v2;
	_ =	sdelay $0x3  }
0x3b: {  	s20 =	simm.s32 $0x11000;
	s19 =	rddreg [dreg:$0x1]  }
0x3c: {  	[tilespmem:s20], [sflag:$0x1] =	stream.indirect_vreg.gather [hbm4b:s19+s4], $0x80, v2, vm0, $0xb8;
	[tilespmem:$0x19000] =	vst v63  }
0x3d: {  	s21 =	simm.s32 $0x11800  }
0x3e: {  	[tilespmem:s21], [sflag:$0x1] =	stream.indirect_vreg.gather [hbm4b:s10+s4], $0x80, v2, vm0, $0xb8;
	[tilespmem:$0x19000] =	vst v63  }
0x3f: {  	s22 =	simm.s32 $0x12000  }
0x40: {  	[tilespmem:s22], [sflag:$0x1] =	stream.indirect_vreg.gather [hbm4b:s11+s4], $0x80, v2, vm0, $0xb8;
	[tilespmem:$0x19000] =	vst v63  }
0x41: {  	s23 =	simm.s32 $0x12800  }
0x42: {  	[tilespmem:s23], [sflag:$0x1] =	stream.indirect_vreg.gather [hbm4b:s12+s4], $0x80, v2, vm0, $0xb8;
	[tilespmem:$0x19000] =	vst v63  }
0x43: {  	v2 =	vld.msk [tilespmem:$0x400], $0xff;
	_ =	sdelay $0x4  }
0x44: {  	v3 =	vshll.u32 v2, $0x3  }
0x45: {  	v2 =	vand.u32 $0x7, v2;
	v3 =	vand.u32 $0xFFFFFFC0, v3  }
0x46: {  	v2 =	vor.u32 v2, v3  }
0x47: {  	v2 =	vperm.xlane v2, v0;
	_ =	sdelay $0x1  }
0x48: {  	v2 =	vadd.s32 v1, v2;
	_ =	sdelay $0x3  }
0x49: {  	s24 =	simm.s32 $0x13000  }
0x4a: {  	[tilespmem:s24], [sflag:$0x2] =	stream.indirect_vreg.gather [hbm4b:s19+s4], $0x80, v2, vm0, $0xb8;
	[tilespmem:$0x19000] =	vst v63  }
0x4b: {  	s25 =	simm.s32 $0x13800  }
0x4c: {  	[tilespmem:s25], [sflag:$0x2] =	stream.indirect_vreg.gather [hbm4b:s10+s4], $0x80, v2, vm0, $0xb8;
	[tilespmem:$0x19000] =	vst v63  }
0x4d: {  	s26 =	simm.s32 $0x14000  }
0x4e: {  	[tilespmem:s26], [sflag:$0x2] =	stream.indirect_vreg.gather [hbm4b:s11+s4], $0x80, v2, vm0, $0xb8;
	[tilespmem:$0x19000] =	vst v63  }
0x4f: {  	s28 =	simm.s32 $0x14800  }
0x50: {  	[tilespmem:s28], [sflag:$0x2] =	stream.indirect_vreg.gather [hbm4b:s12+s4], $0x80, v2, vm0, $0xb8;
	[tilespmem:$0x19000] =	vst v63  }
0x51: {  	s30 =	simm.s32 $0x1000;
	s31 =	simm.s32 $0x9;
	s29 =	rddreg [dreg:$0xa]  }
0x52: {  	[tilespmem:s30], [sflag:$0x9] =	stream.linear.gather [hbm4b:s29+s4], $0x10000, $0x38;
	[tilespmem:$0x19000] =	vst v63  }
0x53: {  	_ =	swait.ge [sflag:s31], $0x10000  }
0x54: {  	[sflag:s31] =	ssyncset.done $0x0  }
0x55: {  	s13 =	simm.s32 $0x0;
	[sflag:s31] =	ssyncadd.s32 $0xFFFF0000  }
.LBB2_2:
0x56: {  	s1 =	simm.s32 $0x1;
	s0 =	sshll.u32 s13, $0xD;
	s16 =	simm.s32 $0x0  }
0x57: {  	_ =	swait.ge [sflag:s1], $0x2000;
	s0 =	sand.u32 $0x3FFFE000, s0;
	s5 =	sand.u32 $0x70, s16  }
0x58: {  	s2 =	sand.u32 $0x1C00, s16;
	[sflag:s1] =	ssyncset.done $0x0;
	s18 =	sor.u32 $0x1000, s0  }
0x59: {  	s3 =	sor.u32 s5, s2;
	[sflag:s1] =	ssyncadd.s32 $0xFFFFE000;
	s2 =	sadd.s32 s2, s18  }
0x5a: {  	v2 =	vld [tilespmem:s3+$0x11000];
	s25 =	sadd.s32 s5, s2  }
0x5b: {  	v3 =	vld [tilespmem:s25+$0x0];
	_ =	sdelay $0x4  }
0x5c: {  	v2 =	vadd.f32 v3, v2;
	_ =	sdelay $0x1  }
0x5d: {  	s26 =	sadd.s32 $0x11000, s3;
	[tilespmem:s3+$0x11000] =	vst v2  }
0x5e: {  	v2 =	vld [tilespmem:s26+$0x80]  }
0x5f: {  	v3 =	vld [tilespmem:s25+$0x80];
	_ =	sdelay $0x1  }
0x60: {  	s23 =	simm.s32 $0x10;
	s3 =	simm.s32 $0x80  }
0x61: {  	s6 =	sand.u32 $0x70, s23;
	s7 =	sand.u32 $0x1C00, s3  }
0x62: {  	s5 =	sor.u32 s6, s7;
	s2 =	sadd.s32 s7, s18  }
0x63: {  	v4 =	vld [tilespmem:s5+$0x11000];
	s2 =	sadd.s32 s6, s2;
	v2 =	vadd.f32 v3, v2  }
0x64: {  	v3 =	vld [tilespmem:s2+$0x0]  }
0x65: {  	v5 =	vld [tilespmem:s26+$0x100];
	[tilespmem:s26+$0x80] =	vst v2  }
0x66: {  	v2 =	vld [tilespmem:s25+$0x100];
	_ =	sdelay $0x2  }
0x67: {  	v3 =	vadd.f32 v3, v4;
	_ =	sdelay $0x1  }
0x68: {  	s28 =	sadd.s32 $0x11000, s5;
	v4 =	vld [tilespmem:s26+$0x180];
	[tilespmem:s5+$0x11000] =	vst v3;
	v2 =	vadd.f32 v2, v5  }
0x69: {  	v3 =	vld [tilespmem:s28+$0x80]  }
0x6a: {  	v5 =	vld [tilespmem:s2+$0x80];
	[tilespmem:s26+$0x100] =	vst v2  }
0x6b: {  	v2 =	vld [tilespmem:s25+$0x180]  }
0x6c: {  	s29 =	simm.s32 $0x100;
	s20 =	simm.s32 $0x20  }
0x6d: {  	s8 =	sand.u32 $0x70, s20;
	s9 =	sand.u32 $0x1C00, s29  }
0x6e: {  	v7 =	vld [tilespmem:s26+$0x200];
	s6 =	sor.u32 s8, s9;
	s5 =	sadd.s32 s9, s18  }
0x6f: {  	v6 =	vld [tilespmem:s6+$0x11000];
	s21 =	sadd.s32 s8, s5;
	v3 =	vadd.f32 v5, v3  }
0x70: {  	v2 =	vadd.f32 v2, v4;
	v4 =	vld [tilespmem:s21+$0x0]  }
0x71: {  	v5 =	vld [tilespmem:s28+$0x100];
	[tilespmem:s28+$0x80] =	vst v3  }
0x72: {  	v3 =	vld [tilespmem:s2+$0x100];
	[tilespmem:s26+$0x180] =	vst v2  }
0x73: {  	v2 =	vld [tilespmem:s25+$0x200];
	_ =	sdelay $0x1  }
0x74: {  	v4 =	vadd.f32 v4, v6  }
0x75: {  	v6 =	vld [tilespmem:s26+$0x280]  }
0x76: {  	s30 =	sadd.s32 $0x11000, s6;
	v3 =	vadd.f32 v3, v5;
	v5 =	vld [tilespmem:s28+$0x180];
	[tilespmem:s6+$0x11000] =	vst v4  }
0x77: {  	v4 =	vld [tilespmem:s30+$0x80];
	v2 =	vadd.f32 v2, v7  }
0x78: {  	[tilespmem:s28+$0x100] =	vst v3;
	v7 =	vld [tilespmem:s21+$0x80]  }
0x79: {  	v3 =	vld [tilespmem:s2+$0x180];
	[tilespmem:s26+$0x200] =	vst v2  }
0x7a: {  	s22 =	simm.s32 $0x180;
	s6 =	simm.s32 $0x30;
	v2 =	vld [tilespmem:s25+$0x280]  }
0x7b: {  	s15 =	sand.u32 $0x1C00, s22;
	v9 =	vld [tilespmem:s26+$0x300];
	s14 =	sand.u32 $0x70, s6  }
0x7c: {  	s5 =	sadd.s32 s15, s18;
	v10 =	vld [tilespmem:s28+$0x200];
	s24 =	sor.u32 s14, s15  }
0x7d: {  	s7 =	sadd.s32 s14, s5;
	v8 =	vld [tilespmem:s24+$0x11000];
	v4 =	vadd.f32 v7, v4  }
0x7e: {  	v3 =	vadd.f32 v3, v5;
	v5 =	vld [tilespmem:s7+$0x0]  }
0x7f: {  	v7 =	vld [tilespmem:s30+$0x100];
	[tilespmem:s30+$0x80] =	vst v4;
	v2 =	vadd.f32 v2, v6  }
0x80: {  	[tilespmem:s28+$0x180] =	vst v3;
	v4 =	vld [tilespmem:s21+$0x100]  }
0x81: {  	s5 =	simm.s32 $0x200;
	s14 =	simm.s32 $0x40;
	v6 =	vld [tilespmem:s2+$0x200];
	[tilespmem:s26+$0x280] =	vst v2  }
0x82: {  	s17 =	sand.u32 $0x70, s14;
	s31 =	sand.u32 $0x1C00, s5;
	v2 =	vld [tilespmem:s25+$0x300]  }
0x83: {  	v11 =	vld [tilespmem:s30+$0x180];
	s19 =	sor.u32 s17, s31;
	v5 =	vadd.f32 v5, v8  }
0x84: {  	v3 =	vld [tilespmem:s19+$0x11000]  }
0x85: {  	s15 =	sadd.s32 $0x11000, s24;
	v8 =	vld [tilespmem:s28+$0x280];
	[tilespmem:s24+$0x11000] =	vst v5;
	v4 =	vadd.f32 v4, v7  }
0x86: {  	v5 =	vld [tilespmem:s15+$0x80];
	v6 =	vadd.f32 v6, v10  }
0x87: {  	v7 =	vld [tilespmem:s7+$0x80];
	[tilespmem:s30+$0x100] =	vst v4;
	v2 =	vadd.f32 v2, v9  }
0x88: {  	s16 =	sor.u32 s16, s16;
	[tilespmem:s28+$0x200] =	vst v6;
	v4 =	vld [tilespmem:s21+$0x180]  }
0x89: {  	v6 =	vld [tilespmem:s2+$0x280];
	[tilespmem:s26+$0x300] =	vst v2;
	s26 =	sor.u32 $0x380, s16  }
0x8a: {  	v10 =	vld [tilespmem:s26+$0x11000]  }
0x8b: {  	v12 =	vld [tilespmem:s25+$0x380]  }
0x8c: {  	v2 =	vld [tilespmem:s28+$0x300]  }
0x8d: {  	s31 =	sadd.s32 s31, s18;
	v13 =	vadd.f32 v7, v5;
	v5 =	vld [tilespmem:s30+$0x200]  }
0x8e: {  	s16 =	sadd.s32 s17, s31;
	v7 =	vld [tilespmem:s15+$0x100];
	v4 =	vadd.f32 v4, v11  }
0x8f: {  	v9 =	vld [tilespmem:s16+$0x0];
	[tilespmem:s15+$0x80] =	vst v13;
	v6 =	vadd.f32 v6, v8  }
0x90: {  	s0 =	simm.s32 $0x280;
	s25 =	simm.s32 $0x50;
	v8 =	vld [tilespmem:s7+$0x100];
	[tilespmem:s30+$0x180] =	vst v4;
	v4 =	vadd.f32 v12, v10  }
.LBB2_3:
0x91: {  	s24 =	sand.u32 $0x70, s25;
	s31 =	sand.u32 $0x1C00, s0;
	p0 =	sne.s32 s25, $0x3F0;
	v10 =	vld [tilespmem:s21+$0x200];
	[tilespmem:s28+$0x280] =	vst v6  }
0x92: {  	s8 =	sor.u32 s24, s31;
	v6 =	vld [tilespmem:s2+$0x300];
	[tilespmem:s26+$0x11000] =	vst v4  }
0x93: {  	v4 =	vld [tilespmem:s8+$0x11000]  }
0x94: {  	v3 =	vadd.f32 v9, v3;
	v11 =	vld [tilespmem:s30+$0x280]  }
0x95: {  	s9 =	sadd.s32 $0x11000, s19;
	v7 =	vadd.f32 v8, v7;
	v8 =	vld [tilespmem:s15+$0x180]  }
0x96: {  	[tilespmem:s19+$0x11000] =	vst v3;
	v9 =	vld [tilespmem:s9+$0x80];
	v10 =	vadd.f32 v10, v5;
	s19 =	smov.u32 s8  }
0x97: {  	v5 =	vld [tilespmem:s16+$0x80];
	[tilespmem:s15+$0x100] =	vst v7;
	v2 =	vadd.f32 v6, v2  }
0x98: {  	s8 =	sor.u32 s3, s23;
	s3 =	smov.u32 s29;
	s29 =	smov.u32 s22;
	v6 =	vld [tilespmem:s7+$0x180];
	[tilespmem:s30+$0x200] =	vst v10;
	v3 =	vmov v4  }
0x99: {  	s26 =	sor.u32 $0x380, s8;
	v4 =	vld [tilespmem:s21+$0x280];
	[tilespmem:s28+$0x300] =	vst v2;
	s28 =	smov.u32 s30;
	s30 =	smov.u32 s15  }
0x9a: {  	s22 =	smov.u32 s5;
	s5 =	smov.u32 s0;
	s15 =	smov.u32 s9;
	v10 =	vld [tilespmem:s26+$0x11000]  }
0x9b: {  	v12 =	vld [tilespmem:s2+$0x380];
	s2 =	smov.u32 s21;
	s21 =	smov.u32 s7;
	s7 =	smov.u32 s16  }
.Ltmp2:
0x9c: {  	s23 =	smov.u32 s20;
	s20 =	smov.u32 s6;
	v2 =	vld [tilespmem:s28+$0x300];
	(pc) =	sbr.rel @p0 .LBB2_3-.Ltmp2, $4  }
0x9d: {  	s6 =	smov.u32 s14;
	s14 =	smov.u32 s25;
	s8 =	sadd.s32 s31, s18;
	v13 =	vadd.f32 v5, v9;
	v5 =	vld [tilespmem:s30+$0x200]  }
0x9e: {  	s16 =	sadd.s32 s24, s8;
	v14 =	vadd.f32 v6, v8;
	v7 =	vld [tilespmem:s15+$0x100]  }
0x9f: {  	v6 =	vadd.f32 v4, v11;
	v9 =	vld [tilespmem:s16+$0x0];
	[tilespmem:s15+$0x80] =	vst v13  }
0xa0: {  	s0 =	sadd.s32 $0x80, s0;
	s25 =	sadd.s32 $0x10, s25;
	v8 =	vld [tilespmem:s7+$0x100];
	[tilespmem:s30+$0x180] =	vst v14;
	v4 =	vadd.f32 v12, v10  }
0xa1: {  	_ =	sdelay $0x2  }
0xa2: {  	v3 =	vadd.f32 v9, v3;
	_ =	sdelay $0x1  }
0xa3: {  	s0 =	sadd.s32 $0x11000, s19;
	[tilespmem:s19+$0x11000] =	vst v3  }
0xa4: {  	v3 =	vld [tilespmem:s0+$0x80]  }
0xa5: {  	v9 =	vld [tilespmem:s16+$0x80];
	_ =	sdelay $0x4  }
0xa6: {  	v3 =	vadd.f32 v9, v3;
	_ =	sdelay $0x1  }
0xa7: {  	v9 =	vld [tilespmem:s0+$0x100];
	[tilespmem:s0+$0x80] =	vst v3  }
0xa8: {  	v3 =	vld [tilespmem:s16+$0x100];
	_ =	sdelay $0x1  }
0xa9: {  	v7 =	vadd.f32 v8, v7;
	_ =	sdelay $0x1  }
0xaa: {  	v8 =	vld [tilespmem:s15+$0x180];
	[tilespmem:s15+$0x100] =	vst v7  }
0xab: {  	v7 =	vld [tilespmem:s7+$0x180];
	v3 =	vadd.f32 v3, v9;
	_ =	sdelay $0x1  }
0xac: {  	v9 =	vld [tilespmem:s0+$0x180];
	[tilespmem:s0+$0x100] =	vst v3  }
0xad: {  	v3 =	vld [tilespmem:s16+$0x180];
	_ =	sdelay $0x1  }
0xae: {  	v7 =	vadd.f32 v7, v8  }
0xaf: {  	v10 =	vld [tilespmem:s21+$0x200]  }
0xb0: {  	v8 =	vld [tilespmem:s15+$0x200];
	[tilespmem:s15+$0x180] =	vst v7  }
0xb1: {  	v7 =	vld [tilespmem:s7+$0x200];
	v3 =	vadd.f32 v3, v9;
	_ =	sdelay $0x1  }
0xb2: {  	v9 =	vld [tilespmem:s0+$0x200];
	[tilespmem:s0+$0x180] =	vst v3  }
0xb3: {  	v3 =	vadd.f32 v10, v5;
	v5 =	vld [tilespmem:s16+$0x200];
	_ =	sdelay $0x1  }
0xb4: {  	v7 =	vadd.f32 v7, v8;
	v10 =	vld [tilespmem:s30+$0x280];
	[tilespmem:s30+$0x200] =	vst v3  }
0xb5: {  	v3 =	vld [tilespmem:s21+$0x280]  }
0xb6: {  	v8 =	vld [tilespmem:s15+$0x280];
	[tilespmem:s15+$0x200] =	vst v7  }
0xb7: {  	v7 =	vld [tilespmem:s7+$0x280];
	v5 =	vadd.f32 v5, v9;
	_ =	sdelay $0x1  }
0xb8: {  	v9 =	vld [tilespmem:s0+$0x280];
	[tilespmem:s0+$0x200] =	vst v5  }
0xb9: {  	[tilespmem:s28+$0x280] =	vst v6;
	v3 =	vadd.f32 v3, v10;
	v5 =	vld [tilespmem:s16+$0x280]  }
0xba: {  	v10 =	vld [tilespmem:s2+$0x300]  }
0xbb: {  	v6 =	vld [tilespmem:s30+$0x300];
	v7 =	vadd.f32 v7, v8;
	[tilespmem:s30+$0x280] =	vst v3  }
0xbc: {  	v3 =	vld [tilespmem:s21+$0x300]  }
0xbd: {  	v8 =	vld [tilespmem:s15+$0x300];
	[tilespmem:s15+$0x280] =	vst v7  }
0xbe: {  	v7 =	vld [tilespmem:s7+$0x300];
	v5 =	vadd.f32 v5, v9  }
0xbf: {  	v2 =	vadd.f32 v10, v2  }
0xc0: {  	s3 =	sor.u32 s3, s23;
	v9 =	vld [tilespmem:s0+$0x300];
	[tilespmem:s0+$0x280] =	vst v5  }
0xc1: {  	s3 =	sor.u32 $0x380, s3;
	[tilespmem:s28+$0x300] =	vst v2;
	v2 =	vadd.f32 v3, v6;
	v5 =	vld [tilespmem:s16+$0x300]  }
0xc2: {  	s8 =	sor.u32 s29, s20;
	v3 =	vld [tilespmem:s3+$0x11000]  }
0xc3: {  	s20 =	sor.u32 $0x380, s8;
	v6 =	vld [tilespmem:s2+$0x380];
	[tilespmem:s30+$0x300] =	vst v2;
	v2 =	vadd.f32 v7, v8  }
0xc4: {  	s6 =	sor.u32 s22, s6;
	v7 =	vld [tilespmem:s20+$0x11000]  }
0xc5: {  	s6 =	sor.u32 $0x380, s6;
	v8 =	vld [tilespmem:s21+$0x380];
	[tilespmem:s15+$0x300] =	vst v2  }
0xc6: {  	v2 =	vadd.f32 v5, v9;
	v5 =	vld [tilespmem:s6+$0x11000]  }
0xc7: {  	s5 =	sor.u32 s5, s14;
	v9 =	vld [tilespmem:s7+$0x380]  }
0xc8: {  	s21 =	sor.u32 $0x380, s5;
	[tilespmem:s0+$0x300] =	vst v2  }
0xc9: {  	v2 =	vld [tilespmem:s21+$0x11000]  }
0xca: {  	v3 =	vadd.f32 v6, v3;
	v10 =	vld [tilespmem:s16+$0x380]  }
0xcb: {  	[tilespmem:s26+$0x11000] =	vst v4;
	v4 =	vadd.f32 v8, v7  }
0xcc: {  	[tilespmem:s3+$0x11000] =	vst v3;
	v3 =	vadd.f32 v9, v5  }
0xcd: {  	[tilespmem:s20+$0x11000] =	vst v4  }
0xce: {  	s23 =	sshll.u32 s13, $0x2;
	[tilespmem:s6+$0x11000] =	vst v3  }
0xcf: {  	s22 =	sshll.u32 s13, $0xA;
	s0 =	sadd.s32 $0xFFFFFFFC, s23;
	v2 =	vadd.f32 v10, v2;
	s1 =	rddreg [dreg:$0x5]  }
0xd0: {  	s24 =	rddreg [dreg:$0x3];
	p0 =	sgt.u32 s0, $0x1B;
	s2 =	sadd.s32 s1, s22  }
0xd1: {  	s26 =	simm.s32 $0x11000;
	s0 =	simm.s32 @!p0 $0x7;
	[tilespmem:s21+$0x11000] =	vst v2;
	s25 =	sadd.s32 s24, s2  }
0xd2: {  	[hbm4b:s25+s4] =	stream.linear.scatter [tilespmem:s26], [sflag:$0x5], $0x2000, $0x38;
	[tilespmem:$0x19000] =	vst v63  }
0xd3: {  	_ =	swait.ge @!p0 [sflag:s0], $0x2000  }
0xd4: {  	s1 =	sshll.u32 s13, $0x7;
	[sflag:s0] =	ssyncset.done @!p0 $0x0  }
0xd5: {  	s3 =	sand.u32 $0x3FFFFF80, s1;
	[sflag:s0] =	ssyncadd.s32 @!p0 $0xFFFFE000  }
0xd6: {  	v2 =	vld.msk [tilespmem:s3+$0x800], $0xff;
	_ =	sdelay $0x4  }
0xd7: {  	v3 =	vshll.u32 v2, $0x3  }
0xd8: {  	v2 =	vand.u32 $0x7, v2;
	v3 =	vand.u32 $0xFFFFFFC0, v3  }
0xd9: {  	v2 =	vor.u32 v2, v3  }
0xda: {  	v2 =	vperm.xlane v2, v0;
	_ =	sdelay $0x1  }
0xdb: {  	v2 =	vadd.s32 v1, v2;
	_ =	sdelay $0x3  }
0xdc: {  	s19 =	simm.s32 $0x0;
	s5 =	simm.s32 $0x15000;
	s0 =	rddreg [dreg:$0x1]  }
0xdd: {  	[tilespmem:s5], [sflag:$0x3] =	stream.indirect_vreg.gather [hbm4b:s0+s19], $0x80, v2, vm0, $0xb8;
	[tilespmem:$0x19000] =	vst v63  }
0xde: {  	s6 =	simm.s32 $0x15800  }
0xdf: {  	[tilespmem:s6], [sflag:$0x3] =	stream.indirect_vreg.gather [hbm4b:s10+s19], $0x80, v2, vm0, $0xb8;
	[tilespmem:$0x19000] =	vst v63  }
0xe0: {  	s7 =	simm.s32 $0x16000  }
0xe1: {  	[tilespmem:s7], [sflag:$0x3] =	stream.indirect_vreg.gather [hbm4b:s11+s19], $0x80, v2, vm0, $0xb8;
	[tilespmem:$0x19000] =	vst v63  }
0xe2: {  	s9 =	simm.s32 $0x2;
	s8 =	simm.s32 $0x16800  }
0xe3: {  	[tilespmem:s8], [sflag:$0x3] =	stream.indirect_vreg.gather [hbm4b:s12+s19], $0x80, v2, vm0, $0xb8;
	[tilespmem:$0x19000] =	vst v63  }
0xe4: {  	_ =	swait.ge [sflag:s9], $0x2000  }
0xe5: {  	s14 =	sand.u32 $0x70, s19;
	s15 =	sand.u32 $0x1C00, s19;
	[sflag:s9] =	ssyncset.done $0x0  }
0xe6: {  	s16 =	sor.u32 s14, s15;
	s5 =	sadd.s32 s15, s18;
	[sflag:s9] =	ssyncadd.s32 $0xFFFFE000  }
0xe7: {  	s26 =	sadd.s32 s14, s5;
	v2 =	vld [tilespmem:s16+$0x13000]  }
0xe8: {  	v3 =	vld [tilespmem:s26+$0x0];
	_ =	sdelay $0x4  }
0xe9: {  	v2 =	vadd.f32 v3, v2;
	_ =	sdelay $0x1  }
0xea: {  	s0 =	sadd.s32 $0x13000, s16;
	[tilespmem:s16+$0x13000] =	vst v2  }
0xeb: {  	v2 =	vld [tilespmem:s0+$0x80]  }
0xec: {  	v3 =	vld [tilespmem:s26+$0x80];
	_ =	sdelay $0x1  }
0xed: {  	s29 =	simm.s32 $0x80;
	s31 =	simm.s32 $0x10  }
0xee: {  	s17 =	sand.u32 $0x70, s31;
	s20 =	sand.u32 $0x1C00, s29  }
0xef: {  	s21 =	sor.u32 s17, s20;
	s6 =	sadd.s32 s20, s18  }
0xf0: {  	s28 =	sadd.s32 s17, s6;
	v4 =	vld [tilespmem:s21+$0x13000];
	v2 =	vadd.f32 v3, v2  }
0xf1: {  	v3 =	vld [tilespmem:s28+$0x0]  }
0xf2: {  	v5 =	vld [tilespmem:s0+$0x100];
	[tilespmem:s0+$0x80] =	vst v2  }
0xf3: {  	v2 =	vld [tilespmem:s26+$0x100];
	_ =	sdelay $0x2  }
0xf4: {  	v3 =	vadd.f32 v3, v4;
	_ =	sdelay $0x1  }
0xf5: {  	s30 =	sadd.s32 $0x13000, s21;
	v4 =	vld [tilespmem:s0+$0x180];
	[tilespmem:s21+$0x13000] =	vst v3;
	v2 =	vadd.f32 v2, v5  }
0xf6: {  	v3 =	vld [tilespmem:s30+$0x80]  }
0xf7: {  	v5 =	vld [tilespmem:s28+$0x80];
	[tilespmem:s0+$0x100] =	vst v2  }
0xf8: {  	v2 =	vld [tilespmem:s26+$0x180]  }
0xf9: {  	s20 =	simm.s32 $0x100;
	s21 =	simm.s32 $0x20  }
0xfa: {  	s23 =	sand.u32 $0x1C00, s20;
	s22 =	sand.u32 $0x70, s21  }
0xfb: {  	s6 =	sadd.s32 s23, s18;
	v7 =	vld [tilespmem:s0+$0x200];
	s24 =	sor.u32 s22, s23  }
0xfc: {  	s23 =	sadd.s32 s22, s6;
	v6 =	vld [tilespmem:s24+$0x13000];
	v3 =	vadd.f32 v5, v3  }
0xfd: {  	v2 =	vadd.f32 v2, v4;
	v4 =	vld [tilespmem:s23+$0x0]  }
0xfe: {  	v5 =	vld [tilespmem:s30+$0x100];
	[tilespmem:s30+$0x80] =	vst v3  }
0xff: {  	v3 =	vld [tilespmem:s28+$0x100];
	[tilespmem:s0+$0x180] =	vst v2  }
0x100: {  	v2 =	vld [tilespmem:s26+$0x200];
	_ =	sdelay $0x1  }
0x101: {  	v4 =	vadd.f32 v4, v6  }
0x102: {  	v6 =	vld [tilespmem:s0+$0x280]  }
0x103: {  	s6 =	sadd.s32 $0x13000, s24;
	v3 =	vadd.f32 v3, v5;
	v5 =	vld [tilespmem:s30+$0x180];
	[tilespmem:s24+$0x13000] =	vst v4  }
0x104: {  	v4 =	vld [tilespmem:s6+$0x80];
	v2 =	vadd.f32 v2, v7  }
0x105: {  	s5 =	simm.s32 $0x180;
	s7 =	simm.s32 $0x30;
	[tilespmem:s30+$0x100] =	vst v3;
	v7 =	vld [tilespmem:s23+$0x80]  }
0x106: {  	s25 =	sand.u32 $0x70, s7;
	s9 =	sand.u32 $0x1C00, s5;
	v3 =	vld [tilespmem:s28+$0x180];
	[tilespmem:s0+$0x200] =	vst v2  }
0x107: {  	s1 =	sor.u32 s25, s9;
	v2 =	vld [tilespmem:s26+$0x280]  }
0x108: {  	v8 =	vld [tilespmem:s1+$0x13000]  }
0x109: {  	s9 =	sadd.s32 s9, s18;
	v9 =	vld [tilespmem:s0+$0x300]  }
0x10a: {  	v10 =	vld [tilespmem:s30+$0x200];
	s22 =	sadd.s32 s25, s9;
	v4 =	vadd.f32 v7, v4  }
0x10b: {  	v3 =	vadd.f32 v3, v5;
	v5 =	vld [tilespmem:s22+$0x0]  }
0x10c: {  	v7 =	vld [tilespmem:s6+$0x100];
	[tilespmem:s6+$0x80] =	vst v4;
	v2 =	vadd.f32 v2, v6  }
0x10d: {  	[tilespmem:s30+$0x180] =	vst v3;
	v4 =	vld [tilespmem:s23+$0x100]  }
0x10e: {  	s15 =	simm.s32 $0x40;
	s14 =	simm.s32 $0x200;
	v6 =	vld [tilespmem:s28+$0x200];
	[tilespmem:s0+$0x280] =	vst v2  }
0x10f: {  	s17 =	sand.u32 $0x70, s15;
	s24 =	sand.u32 $0x1C00, s14;
	v2 =	vld [tilespmem:s26+$0x300]  }
0x110: {  	s25 =	sor.u32 s17, s24;
	v11 =	vld [tilespmem:s6+$0x180];
	v5 =	vadd.f32 v5, v8  }
0x111: {  	v3 =	vld [tilespmem:s25+$0x13000]  }
0x112: {  	s16 =	sadd.s32 $0x13000, s1;
	v8 =	vld [tilespmem:s30+$0x280];
	[tilespmem:s1+$0x13000] =	vst v5;
	v4 =	vadd.f32 v4, v7  }
0x113: {  	v5 =	vld [tilespmem:s16+$0x80];
	v6 =	vadd.f32 v6, v10  }
0x114: {  	v7 =	vld [tilespmem:s22+$0x80];
	[tilespmem:s6+$0x100] =	vst v4;
	v2 =	vadd.f32 v2, v9  }
0x115: {  	s19 =	sor.u32 s19, s19;
	[tilespmem:s30+$0x200] =	vst v6;
	v4 =	vld [tilespmem:s23+$0x180]  }
0x116: {  	s19 =	sor.u32 $0x380, s19;
	v6 =	vld [tilespmem:s28+$0x280];
	[tilespmem:s0+$0x300] =	vst v2  }
0x117: {  	v10 =	vld [tilespmem:s19+$0x13000]  }
0x118: {  	v12 =	vld [tilespmem:s26+$0x380]  }
0x119: {  	v2 =	vld [tilespmem:s30+$0x300]  }
0x11a: {  	v13 =	vadd.f32 v7, v5;
	v5 =	vld [tilespmem:s6+$0x200];
	s26 =	sadd.s32 s24, s18  }
0x11b: {  	v7 =	vld [tilespmem:s16+$0x100];
	s26 =	sadd.s32 s17, s26;
	v4 =	vadd.f32 v4, v11  }
0x11c: {  	[tilespmem:s16+$0x80] =	vst v13;
	v9 =	vld [tilespmem:s26+$0x0];
	v6 =	vadd.f32 v6, v8  }
0x11d: {  	s0 =	simm.s32 $0x280;
	s24 =	simm.s32 $0x50;
	v8 =	vld [tilespmem:s22+$0x100];
	[tilespmem:s6+$0x180] =	vst v4;
	v4 =	vadd.f32 v12, v10  }
.LBB2_5:
0x11e: {  	s8 =	sand.u32 $0x70, s24;
	s9 =	sand.u32 $0x1C00, s0;
	p0 =	sne.s32 s24, $0x3F0;
	v10 =	vld [tilespmem:s23+$0x200];
	[tilespmem:s30+$0x280] =	vst v6  }
0x11f: {  	s17 =	sor.u32 s8, s9;
	v6 =	vld [tilespmem:s28+$0x300];
	[tilespmem:s19+$0x13000] =	vst v4  }
0x120: {  	v4 =	vld [tilespmem:s17+$0x13000]  }
0x121: {  	v3 =	vadd.f32 v9, v3;
	v11 =	vld [tilespmem:s6+$0x280]  }
0x122: {  	s1 =	sadd.s32 $0x13000, s25;
	v7 =	vadd.f32 v8, v7;
	v8 =	vld [tilespmem:s16+$0x180]  }
0x123: {  	[tilespmem:s25+$0x13000] =	vst v3;
	v9 =	vld [tilespmem:s1+$0x80];
	v10 =	vadd.f32 v10, v5;
	s25 =	smov.u32 s17  }
0x124: {  	v5 =	vld [tilespmem:s26+$0x80];
	[tilespmem:s16+$0x100] =	vst v7;
	v2 =	vadd.f32 v6, v2  }
0x125: {  	s17 =	sor.u32 s29, s31;
	s29 =	smov.u32 s20;
	s20 =	smov.u32 s5;
	v6 =	vld [tilespmem:s22+$0x180];
	[tilespmem:s6+$0x200] =	vst v10;
	v3 =	vmov v4  }
0x126: {  	s19 =	sor.u32 $0x380, s17;
	v4 =	vld [tilespmem:s23+$0x280];
	[tilespmem:s30+$0x300] =	vst v2;
	s30 =	smov.u32 s6;
	s6 =	smov.u32 s16  }
0x127: {  	s5 =	smov.u32 s14;
	s14 =	smov.u32 s0;
	s16 =	smov.u32 s1;
	v10 =	vld [tilespmem:s19+$0x13000]  }
0x128: {  	v12 =	vld [tilespmem:s28+$0x380];
	s28 =	smov.u32 s23;
	s23 =	smov.u32 s22;
	s22 =	smov.u32 s26  }
.Ltmp3:
0x129: {  	s31 =	smov.u32 s21;
	s21 =	smov.u32 s7;
	v2 =	vld [tilespmem:s30+$0x300];
	(pc) =	sbr.rel @p0 .LBB2_5-.Ltmp3, $4  }
0x12a: {  	s7 =	smov.u32 s15;
	s15 =	smov.u32 s24;
	s1 =	sadd.s32 s9, s18;
	v13 =	vadd.f32 v5, v9;
	v5 =	vld [tilespmem:s6+$0x200]  }
0x12b: {  	s26 =	sadd.s32 s8, s1;
	v14 =	vadd.f32 v6, v8;
	v7 =	vld [tilespmem:s16+$0x100]  }
0x12c: {  	v6 =	vadd.f32 v4, v11;
	v9 =	vld [tilespmem:s26+$0x0];
	[tilespmem:s16+$0x80] =	vst v13  }
0x12d: {  	s0 =	sadd.s32 $0x80, s0;
	s24 =	sadd.s32 $0x10, s24;
	v8 =	vld [tilespmem:s22+$0x100];
	[tilespmem:s6+$0x180] =	vst v14;
	v4 =	vadd.f32 v12, v10  }
0x12e: {  	_ =	sdelay $0x2  }
0x12f: {  	v3 =	vadd.f32 v9, v3;
	_ =	sdelay $0x1  }
0x130: {  	s0 =	sadd.s32 $0x13000, s25;
	[tilespmem:s25+$0x13000] =	vst v3  }
0x131: {  	v3 =	vld [tilespmem:s0+$0x80]  }
0x132: {  	v9 =	vld [tilespmem:s26+$0x80];
	_ =	sdelay $0x4  }
0x133: {  	v3 =	vadd.f32 v9, v3;
	_ =	sdelay $0x1  }
0x134: {  	v9 =	vld [tilespmem:s0+$0x100];
	[tilespmem:s0+$0x80] =	vst v3  }
0x135: {  	v3 =	vld [tilespmem:s26+$0x100];
	_ =	sdelay $0x2  }
0x136: {  	v7 =	vadd.f32 v8, v7;
	_ =	sdelay $0x1  }
0x137: {  	v8 =	vld [tilespmem:s16+$0x180];
	[tilespmem:s16+$0x100] =	vst v7;
	v3 =	vadd.f32 v3, v9  }
0x138: {  	v7 =	vld [tilespmem:s22+$0x180]  }
0x139: {  	v9 =	vld [tilespmem:s0+$0x180];
	[tilespmem:s0+$0x100] =	vst v3  }
0x13a: {  	v3 =	vld [tilespmem:s26+$0x180];
	_ =	sdelay $0x2  }
0x13b: {  	v10 =	vld [tilespmem:s23+$0x200];
	v7 =	vadd.f32 v7, v8;
	_ =	sdelay $0x1  }
0x13c: {  	v8 =	vld [tilespmem:s16+$0x200];
	[tilespmem:s16+$0x180] =	vst v7;
	v3 =	vadd.f32 v3, v9  }
0x13d: {  	v7 =	vld [tilespmem:s22+$0x200]  }
0x13e: {  	v9 =	vld [tilespmem:s0+$0x200];
	[tilespmem:s0+$0x180] =	vst v3  }
0x13f: {  	v3 =	vadd.f32 v10, v5;
	v5 =	vld [tilespmem:s26+$0x200];
	_ =	sdelay $0x2  }
0x140: {  	v7 =	vadd.f32 v7, v8;
	v10 =	vld [tilespmem:s6+$0x280];
	[tilespmem:s6+$0x200] =	vst v3  }
0x141: {  	v3 =	vld [tilespmem:s23+$0x280]  }
0x142: {  	v8 =	vld [tilespmem:s16+$0x280];
	[tilespmem:s16+$0x200] =	vst v7;
	v5 =	vadd.f32 v5, v9  }
0x143: {  	v7 =	vld [tilespmem:s22+$0x280]  }
0x144: {  	v9 =	vld [tilespmem:s0+$0x280];
	[tilespmem:s0+$0x200] =	vst v5  }
0x145: {  	v5 =	vld [tilespmem:s26+$0x280]  }
0x146: {  	[tilespmem:s30+$0x280] =	vst v6;
	v3 =	vadd.f32 v3, v10  }
0x147: {  	v10 =	vld [tilespmem:s28+$0x300]  }
0x148: {  	v6 =	vld [tilespmem:s6+$0x300];
	v7 =	vadd.f32 v7, v8;
	[tilespmem:s6+$0x280] =	vst v3  }
0x149: {  	v3 =	vld [tilespmem:s23+$0x300]  }
0x14a: {  	v8 =	vld [tilespmem:s16+$0x300];
	[tilespmem:s16+$0x280] =	vst v7;
	v5 =	vadd.f32 v5, v9  }
0x14b: {  	v7 =	vld [tilespmem:s22+$0x300]  }
0x14c: {  	v2 =	vadd.f32 v10, v2;
	v9 =	vld [tilespmem:s0+$0x300];
	[tilespmem:s0+$0x280] =	vst v5  }
0x14d: {  	s1 =	sor.u32 s29, s31;
	v5 =	vld [tilespmem:s26+$0x300]  }
0x14e: {  	s1 =	sor.u32 $0x380, s1;
	[tilespmem:s30+$0x300] =	vst v2;
	v2 =	vadd.f32 v3, v6  }
0x14f: {  	s8 =	sor.u32 s20, s21;
	v3 =	vld [tilespmem:s1+$0x13000]  }
0x150: {  	s25 =	sor.u32 $0x380, s8;
	v6 =	vld [tilespmem:s28+$0x380];
	[tilespmem:s6+$0x300] =	vst v2;
	v2 =	vadd.f32 v7, v8  }
0x151: {  	s5 =	sor.u32 s5, s7;
	v7 =	vld [tilespmem:s25+$0x13000]  }
0x152: {  	s5 =	sor.u32 $0x380, s5;
	v8 =	vld [tilespmem:s23+$0x380];
	[tilespmem:s16+$0x300] =	vst v2;
	v2 =	vadd.f32 v5, v9  }
0x153: {  	s8 =	sor.u32 s14, s15;
	v5 =	vld [tilespmem:s5+$0x13000]  }
0x154: {  	s9 =	sor.u32 $0x380, s8;
	v9 =	vld [tilespmem:s22+$0x380];
	[tilespmem:s0+$0x300] =	vst v2  }
0x155: {  	v2 =	vld [tilespmem:s9+$0x13000]  }
0x156: {  	v10 =	vld [tilespmem:s26+$0x380];
	_ =	sdelay $0x1  }
0x157: {  	v3 =	vadd.f32 v6, v3  }
0x158: {  	[tilespmem:s19+$0x13000] =	vst v4;
	v4 =	vadd.f32 v8, v7  }
0x159: {  	[tilespmem:s1+$0x13000] =	vst v3;
	v3 =	vadd.f32 v9, v5  }
0x15a: {  	[tilespmem:s25+$0x13000] =	vst v4;
	v2 =	vadd.f32 v10, v2  }
0x15b: {  	[tilespmem:s5+$0x13000] =	vst v3  }
0x15c: {  	[tilespmem:s9+$0x13000] =	vst v2  }
0x15d: {  	s0 =	rddreg [dreg:$0xb]  }
0x15e: {  	p0 =	seq.s32 s13, $0x0;
	s14 =	simm.s32 $0x13000;
	s0 =	sadd.s32 s2, s0  }
0x15f: {  	[hbm4b:s0+s4] =	stream.linear.scatter [tilespmem:s14], [sflag:$0x6], $0x2000, $0x38;
	[tilespmem:$0x19000] =	vst v63  }
0x160: {  	s0 =	simm.s32 @!p0 $0x8  }
0x161: {  	_ =	swait.ge @!p0 [sflag:s0], $0x2000  }
0x162: {  	[sflag:s0] =	ssyncset.done @!p0 $0x0  }
0x163: {  	[sflag:s0] =	ssyncadd.s32 @!p0 $0xFFFFE000  }
0x164: {  	v2 =	vld.msk [tilespmem:s3+$0xC00], $0xff;
	_ =	sdelay $0x4  }
0x165: {  	v3 =	vshll.u32 v2, $0x3  }
0x166: {  	v2 =	vand.u32 $0x7, v2;
	v3 =	vand.u32 $0xFFFFFFC0, v3  }
0x167: {  	v2 =	vor.u32 v2, v3  }
0x168: {  	v2 =	vperm.xlane v2, v0;
	_ =	sdelay $0x1  }
0x169: {  	v2 =	vadd.s32 v1, v2;
	_ =	sdelay $0x3  }
0x16a: {  	s19 =	simm.s32 $0x0;
	s15 =	simm.s32 $0x17000;
	s0 =	rddreg [dreg:$0x1]  }
0x16b: {  	[tilespmem:s15], [sflag:$0x4] =	stream.indirect_vreg.gather [hbm4b:s0+s19], $0x80, v2, vm0, $0xb8;
	[tilespmem:$0x19000] =	vst v63  }
0x16c: {  	s16 =	simm.s32 $0x17800  }
0x16d: {  	[tilespmem:s16], [sflag:$0x4] =	stream.indirect_vreg.gather [hbm4b:s10+s19], $0x80, v2, vm0, $0xb8;
	[tilespmem:$0x19000] =	vst v63  }
0x16e: {  	s17 =	simm.s32 $0x18000  }
0x16f: {  	[tilespmem:s17], [sflag:$0x4] =	stream.indirect_vreg.gather [hbm4b:s11+s19], $0x80, v2, vm0, $0xb8;
	[tilespmem:$0x19000] =	vst v63  }
0x170: {  	s20 =	simm.s32 $0x18800;
	s21 =	simm.s32 $0x3  }
0x171: {  	[tilespmem:s20], [sflag:$0x4] =	stream.indirect_vreg.gather [hbm4b:s12+s19], $0x80, v2, vm0, $0xb8;
	[tilespmem:$0x19000] =	vst v63  }
0x172: {  	_ =	swait.ge [sflag:s21], $0x2000  }
0x173: {  	s23 =	sand.u32 $0x1C00, s19;
	s22 =	sand.u32 $0x70, s19;
	[sflag:s21] =	ssyncset.done $0x0  }
0x174: {  	s24 =	sor.u32 s22, s23;
	s1 =	sadd.s32 s23, s18;
	[sflag:s21] =	ssyncadd.s32 $0xFFFFE000  }
0x175: {  	s26 =	sadd.s32 s22, s1;
	v2 =	vld [tilespmem:s24+$0x15000]  }
0x176: {  	v3 =	vld [tilespmem:s26+$0x0];
	_ =	sdelay $0x4  }
0x177: {  	v2 =	vadd.f32 v3, v2;
	_ =	sdelay $0x1  }
0x178: {  	s0 =	sadd.s32 $0x15000, s24;
	[tilespmem:s24+$0x15000] =	vst v2  }
0x179: {  	v2 =	vld [tilespmem:s0+$0x80]  }
0x17a: {  	v3 =	vld [tilespmem:s26+$0x80];
	_ =	sdelay $0x1  }
0x17b: {  	s29 =	simm.s32 $0x80;
	s31 =	simm.s32 $0x10  }
0x17c: {  	s6 =	sand.u32 $0x1C00, s29;
	s25 =	sand.u32 $0x70, s31  }
0x17d: {  	s7 =	sor.u32 s25, s6;
	s5 =	sadd.s32 s6, s18  }
0x17e: {  	s28 =	sadd.s32 s25, s5;
	v4 =	vld [tilespmem:s7+$0x15000];
	v2 =	vadd.f32 v3, v2  }
0x17f: {  	v3 =	vld [tilespmem:s28+$0x0]  }
0x180: {  	v5 =	vld [tilespmem:s0+$0x100];
	[tilespmem:s0+$0x80] =	vst v2  }
0x181: {  	v2 =	vld [tilespmem:s26+$0x100];
	_ =	sdelay $0x2  }
0x182: {  	v3 =	vadd.f32 v3, v4;
	_ =	sdelay $0x1  }
0x183: {  	s30 =	sadd.s32 $0x15000, s7;
	v4 =	vld [tilespmem:s0+$0x180];
	[tilespmem:s7+$0x15000] =	vst v3;
	v2 =	vadd.f32 v2, v5  }
0x184: {  	v3 =	vld [tilespmem:s30+$0x80]  }
0x185: {  	v5 =	vld [tilespmem:s28+$0x80];
	[tilespmem:s0+$0x100] =	vst v2  }
0x186: {  	s20 =	simm.s32 $0x100;
	s21 =	simm.s32 $0x20;
	v2 =	vld [tilespmem:s26+$0x180]  }
0x187: {  	s9 =	sand.u32 $0x1C00, s20;
	s8 =	sand.u32 $0x70, s21  }
0x188: {  	s14 =	sor.u32 s8, s9  }
0x189: {  	s5 =	sadd.s32 s9, s18;
	v6 =	vld [tilespmem:s14+$0x15000]  }
0x18a: {  	s23 =	sadd.s32 s8, s5;
	v7 =	vld [tilespmem:s0+$0x200];
	v3 =	vadd.f32 v5, v3  }
0x18b: {  	v2 =	vadd.f32 v2, v4;
	v4 =	vld [tilespmem:s23+$0x0]  }
0x18c: {  	v5 =	vld [tilespmem:s30+$0x100];
	[tilespmem:s30+$0x80] =	vst v3  }
0x18d: {  	v3 =	vld [tilespmem:s28+$0x100];
	[tilespmem:s0+$0x180] =	vst v2  }
0x18e: {  	v2 =	vld [tilespmem:s26+$0x200];
	_ =	sdelay $0x1  }
0x18f: {  	v4 =	vadd.f32 v4, v6  }
0x190: {  	v6 =	vld [tilespmem:s0+$0x280]  }
0x191: {  	s6 =	sadd.s32 $0x15000, s14;
	v3 =	vadd.f32 v3, v5;
	v5 =	vld [tilespmem:s30+$0x180];
	[tilespmem:s14+$0x15000] =	vst v4  }
0x192: {  	v4 =	vld [tilespmem:s6+$0x80];
	v2 =	vadd.f32 v2, v7  }
0x193: {  	[tilespmem:s30+$0x100] =	vst v3;
	v7 =	vld [tilespmem:s23+$0x80]  }
0x194: {  	v3 =	vld [tilespmem:s28+$0x180];
	[tilespmem:s0+$0x200] =	vst v2  }
0x195: {  	s5 =	simm.s32 $0x180;
	s7 =	simm.s32 $0x30;
	v2 =	vld [tilespmem:s26+$0x280]  }
0x196: {  	s16 =	sand.u32 $0x1C00, s5;
	v9 =	vld [tilespmem:s0+$0x300];
	s15 =	sand.u32 $0x70, s7  }
0x197: {  	s8 =	sadd.s32 s16, s18;
	v10 =	vld [tilespmem:s30+$0x200];
	s9 =	sor.u32 s15, s16  }
0x198: {  	s22 =	sadd.s32 s15, s8;
	v8 =	vld [tilespmem:s9+$0x15000];
	v4 =	vadd.f32 v7, v4  }
0x199: {  	v3 =	vadd.f32 v3, v5;
	v5 =	vld [tilespmem:s22+$0x0]  }
0x19a: {  	v7 =	vld [tilespmem:s6+$0x100];
	[tilespmem:s6+$0x80] =	vst v4;
	v2 =	vadd.f32 v2, v6  }
0x19b: {  	[tilespmem:s30+$0x180] =	vst v3;
	v4 =	vld [tilespmem:s23+$0x100]  }
0x19c: {  	s15 =	simm.s32 $0x40;
	s14 =	simm.s32 $0x200;
	v6 =	vld [tilespmem:s28+$0x200];
	[tilespmem:s0+$0x280] =	vst v2  }
0x19d: {  	s1 =	sand.u32 $0x70, s15;
	s17 =	sand.u32 $0x1C00, s14;
	v2 =	vld [tilespmem:s26+$0x300]  }
0x19e: {  	v11 =	vld [tilespmem:s6+$0x180];
	s25 =	sor.u32 s1, s17;
	v5 =	vadd.f32 v5, v8  }
0x19f: {  	v3 =	vld [tilespmem:s25+$0x15000]  }
0x1a0: {  	s16 =	sadd.s32 $0x15000, s9;
	v8 =	vld [tilespmem:s30+$0x280];
	[tilespmem:s9+$0x15000] =	vst v5;
	v4 =	vadd.f32 v4, v7  }
0x1a1: {  	v5 =	vld [tilespmem:s16+$0x80];
	v6 =	vadd.f32 v6, v10  }
0x1a2: {  	v7 =	vld [tilespmem:s22+$0x80];
	[tilespmem:s6+$0x100] =	vst v4;
	v2 =	vadd.f32 v2, v9  }
0x1a3: {  	s24 =	sor.u32 s19, s19;
	[tilespmem:s30+$0x200] =	vst v6;
	v4 =	vld [tilespmem:s23+$0x180]  }
0x1a4: {  	s19 =	sor.u32 $0x380, s24;
	v6 =	vld [tilespmem:s28+$0x280];
	[tilespmem:s0+$0x300] =	vst v2  }
0x1a5: {  	v10 =	vld [tilespmem:s19+$0x15000]  }
0x1a6: {  	v12 =	vld [tilespmem:s26+$0x380]  }
0x1a7: {  	v2 =	vld [tilespmem:s30+$0x300]  }
0x1a8: {  	v13 =	vadd.f32 v7, v5;
	v5 =	vld [tilespmem:s6+$0x200];
	s26 =	sadd.s32 s17, s18  }
0x1a9: {  	v7 =	vld [tilespmem:s16+$0x100];
	s26 =	sadd.s32 s1, s26;
	v4 =	vadd.f32 v4, v11  }
0x1aa: {  	[tilespmem:s16+$0x80] =	vst v13;
	v9 =	vld [tilespmem:s26+$0x0];
	v6 =	vadd.f32 v6, v8  }
0x1ab: {  	s24 =	simm.s32 $0x50;
	s0 =	simm.s32 $0x280;
	v8 =	vld [tilespmem:s22+$0x100];
	[tilespmem:s6+$0x180] =	vst v4;
	v4 =	vadd.f32 v12, v10  }
.LBB2_7:
0x1ac: {  	s1 =	sand.u32 $0x70, s24;
	s8 =	sand.u32 $0x1C00, s0;
	p0 =	sne.s32 s24, $0x3F0;
	v10 =	vld [tilespmem:s23+$0x200];
	[tilespmem:s30+$0x280] =	vst v6  }
0x1ad: {  	s9 =	sor.u32 s1, s8;
	v6 =	vld [tilespmem:s28+$0x300];
	[tilespmem:s19+$0x15000] =	vst v4  }
0x1ae: {  	v4 =	vld [tilespmem:s9+$0x15000]  }
0x1af: {  	v3 =	vadd.f32 v9, v3;
	v11 =	vld [tilespmem:s6+$0x280]  }
0x1b0: {  	s17 =	sadd.s32 $0x15000, s25;
	v7 =	vadd.f32 v8, v7;
	v8 =	vld [tilespmem:s16+$0x180]  }
0x1b1: {  	[tilespmem:s25+$0x15000] =	vst v3;
	v9 =	vld [tilespmem:s17+$0x80];
	v10 =	vadd.f32 v10, v5;
	s25 =	smov.u32 s9  }
0x1b2: {  	v5 =	vld [tilespmem:s26+$0x80];
	[tilespmem:s16+$0x100] =	vst v7;
	v2 =	vadd.f32 v6, v2  }
0x1b3: {  	s9 =	sor.u32 s29, s31;
	s29 =	smov.u32 s20;
	s20 =	smov.u32 s5;
	v6 =	vld [tilespmem:s22+$0x180];
	[tilespmem:s6+$0x200] =	vst v10;
	v3 =	vmov v4  }
0x1b4: {  	s19 =	sor.u32 $0x380, s9;
	v4 =	vld [tilespmem:s23+$0x280];
	[tilespmem:s30+$0x300] =	vst v2;
	s30 =	smov.u32 s6;
	s6 =	smov.u32 s16  }
0x1b5: {  	s5 =	smov.u32 s14;
	s14 =	smov.u32 s0;
	s16 =	smov.u32 s17;
	v10 =	vld [tilespmem:s19+$0x15000]  }
0x1b6: {  	v12 =	vld [tilespmem:s28+$0x380];
	s28 =	smov.u32 s23;
	s23 =	smov.u32 s22;
	s22 =	smov.u32 s26  }
.Ltmp4:
0x1b7: {  	s31 =	smov.u32 s21;
	s21 =	smov.u32 s7;
	v2 =	vld [tilespmem:s30+$0x300];
	(pc) =	sbr.rel @p0 .LBB2_7-.Ltmp4, $4  }
0x1b8: {  	s8 =	sadd.s32 s8, s18;
	s7 =	smov.u32 s15;
	s15 =	smov.u32 s24;
	v13 =	vadd.f32 v5, v9;
	v5 =	vld [tilespmem:s6+$0x200]  }
0x1b9: {  	s26 =	sadd.s32 s1, s8;
	v14 =	vadd.f32 v6, v8;
	v7 =	vld [tilespmem:s16+$0x100]  }
0x1ba: {  	v6 =	vadd.f32 v4, v11;
	v9 =	vld [tilespmem:s26+$0x0];
	[tilespmem:s16+$0x80] =	vst v13  }
0x1bb: {  	s0 =	sadd.s32 $0x80, s0;
	s24 =	sadd.s32 $0x10, s24;
	v8 =	vld [tilespmem:s22+$0x100];
	[tilespmem:s6+$0x180] =	vst v14;
	v4 =	vadd.f32 v12, v10  }
0x1bc: {  	_ =	sdelay $0x2  }
0x1bd: {  	v3 =	vadd.f32 v9, v3;
	_ =	sdelay $0x1  }
0x1be: {  	s0 =	sadd.s32 $0x15000, s25;
	[tilespmem:s25+$0x15000] =	vst v3  }
0x1bf: {  	v3 =	vld [tilespmem:s0+$0x80]  }
0x1c0: {  	v9 =	vld [tilespmem:s26+$0x80];
	_ =	sdelay $0x4  }
0x1c1: {  	v3 =	vadd.f32 v9, v3;
	_ =	sdelay $0x1  }
0x1c2: {  	v9 =	vld [tilespmem:s0+$0x100];
	[tilespmem:s0+$0x80] =	vst v3  }
0x1c3: {  	v3 =	vld [tilespmem:s26+$0x100];
	_ =	sdelay $0x2  }
0x1c4: {  	v7 =	vadd.f32 v8, v7;
	_ =	sdelay $0x1  }
0x1c5: {  	v8 =	vld [tilespmem:s16+$0x180];
	[tilespmem:s16+$0x100] =	vst v7;
	v3 =	vadd.f32 v3, v9  }
0x1c6: {  	v7 =	vld [tilespmem:s22+$0x180]  }
0x1c7: {  	v9 =	vld [tilespmem:s0+$0x180];
	[tilespmem:s0+$0x100] =	vst v3  }
0x1c8: {  	v3 =	vld [tilespmem:s26+$0x180];
	_ =	sdelay $0x2  }
0x1c9: {  	v10 =	vld [tilespmem:s23+$0x200];
	v7 =	vadd.f32 v7, v8;
	_ =	sdelay $0x1  }
0x1ca: {  	v8 =	vld [tilespmem:s16+$0x200];
	[tilespmem:s16+$0x180] =	vst v7;
	v3 =	vadd.f32 v3, v9  }
0x1cb: {  	v7 =	vld [tilespmem:s22+$0x200]  }
0x1cc: {  	v9 =	vld [tilespmem:s0+$0x200];
	[tilespmem:s0+$0x180] =	vst v3  }
0x1cd: {  	v3 =	vadd.f32 v10, v5;
	v5 =	vld [tilespmem:s26+$0x200];
	_ =	sdelay $0x2  }
0x1ce: {  	v7 =	vadd.f32 v7, v8;
	v10 =	vld [tilespmem:s6+$0x280];
	[tilespmem:s6+$0x200] =	vst v3  }
0x1cf: {  	v3 =	vld [tilespmem:s23+$0x280]  }
0x1d0: {  	v8 =	vld [tilespmem:s16+$0x280];
	[tilespmem:s16+$0x200] =	vst v7;
	v5 =	vadd.f32 v5, v9  }
0x1d1: {  	v7 =	vld [tilespmem:s22+$0x280]  }
0x1d2: {  	v9 =	vld [tilespmem:s0+$0x280];
	[tilespmem:s0+$0x200] =	vst v5  }
0x1d3: {  	v5 =	vld [tilespmem:s26+$0x280]  }
0x1d4: {  	[tilespmem:s30+$0x280] =	vst v6;
	v3 =	vadd.f32 v3, v10  }
0x1d5: {  	v10 =	vld [tilespmem:s28+$0x300]  }
0x1d6: {  	v6 =	vld [tilespmem:s6+$0x300];
	v7 =	vadd.f32 v7, v8;
	[tilespmem:s6+$0x280] =	vst v3  }
0x1d7: {  	v3 =	vld [tilespmem:s23+$0x300]  }
0x1d8: {  	v8 =	vld [tilespmem:s16+$0x300];
	[tilespmem:s16+$0x280] =	vst v7;
	v5 =	vadd.f32 v5, v9  }
0x1d9: {  	v7 =	vld [tilespmem:s22+$0x300]  }
0x1da: {  	v2 =	vadd.f32 v10, v2;
	v9 =	vld [tilespmem:s0+$0x300];
	[tilespmem:s0+$0x280] =	vst v5  }
0x1db: {  	s1 =	sor.u32 s29, s31;
	v5 =	vld [tilespmem:s26+$0x300]  }
0x1dc: {  	s1 =	sor.u32 $0x380, s1;
	[tilespmem:s30+$0x300] =	vst v2;
	v2 =	vadd.f32 v3, v6  }
0x1dd: {  	s8 =	sor.u32 s20, s21;
	v3 =	vld [tilespmem:s1+$0x15000]  }
0x1de: {  	s9 =	sor.u32 $0x380, s8;
	v6 =	vld [tilespmem:s28+$0x380];
	[tilespmem:s6+$0x300] =	vst v2;
	v2 =	vadd.f32 v7, v8  }
0x1df: {  	s5 =	sor.u32 s5, s7;
	v7 =	vld [tilespmem:s9+$0x15000]  }
0x1e0: {  	s5 =	sor.u32 $0x380, s5;
	v8 =	vld [tilespmem:s23+$0x380];
	[tilespmem:s16+$0x300] =	vst v2;
	v2 =	vadd.f32 v5, v9  }
0x1e1: {  	s16 =	sor.u32 s14, s15;
	v5 =	vld [tilespmem:s5+$0x15000]  }
0x1e2: {  	s17 =	sor.u32 $0x380, s16;
	v9 =	vld [tilespmem:s22+$0x380];
	[tilespmem:s0+$0x300] =	vst v2  }
0x1e3: {  	v2 =	vld [tilespmem:s17+$0x15000]  }
0x1e4: {  	v10 =	vld [tilespmem:s26+$0x380];
	_ =	sdelay $0x1  }
0x1e5: {  	v3 =	vadd.f32 v6, v3  }
0x1e6: {  	[tilespmem:s19+$0x15000] =	vst v4;
	v4 =	vadd.f32 v8, v7  }
0x1e7: {  	[tilespmem:s1+$0x15000] =	vst v3;
	v3 =	vadd.f32 v9, v5  }
0x1e8: {  	[tilespmem:s9+$0x15000] =	vst v4;
	v2 =	vadd.f32 v10, v2  }
0x1e9: {  	[tilespmem:s5+$0x15000] =	vst v3  }
0x1ea: {  	[tilespmem:s17+$0x15000] =	vst v2  }
0x1eb: {  	s0 =	rddreg [dreg:$0xc]  }
0x1ec: {  	s20 =	simm.s32 $0x15000;
	p0 =	seq.s32 s13, $0x7;
	s0 =	sadd.s32 s2, s0  }
0x1ed: {  	[hbm4b:s0+s4] =	stream.linear.scatter [tilespmem:s20], [sflag:$0x7], $0x2000, $0x38;
	[tilespmem:$0x19000] =	vst v63  }
0x1ee: {  	s0 =	simm.s32 @!p0 $0x5  }
0x1ef: {  	_ =	swait.ge @!p0 [sflag:s0], $0x2000  }
0x1f0: {  	[sflag:s0] =	ssyncset.done @!p0 $0x0  }
0x1f1: {  	[sflag:s0] =	ssyncadd.s32 @!p0 $0xFFFFE000  }
0x1f2: {  	v2 =	vld.msk @!p0 [tilespmem:s3+$0x80], $0xff;
	_ =	sdelay $0x4  }
0x1f3: {  	v3 =	vshll.u32 @!p0 v2, $0x3  }
0x1f4: {  	v4 =	vlaneseq.u32 @!p0;
	v2 =	vand.u32 @!p0 $0x7, v2;
	v3 =	vand.u32 @!p0 $0xFFFFFFC0, v3  }
0x1f5: {  	v2 =	vor.u32 @!p0 v2, v3;
	v3 =	vand.u32 @!p0 $0x7, v4;
	v4 =	vshrl.u32 @!p0 v4, $0x3  }
0x1f6: {  	v2 =	vperm.xlane @!p0 v2, v3;
	v3 =	vmul.u32 @!p0 $0x8, v4;
	_ =	sdelay $0x1  }
0x1f7: {  	v2 =	vadd.s32 @!p0 v3, v2;
	_ =	sdelay $0x3  }
0x1f8: {  	vm1 =	vmmov @!p0 $0xffff;
	s1 =	simm.s32 @!p0 $0x11000;
	s0 =	simm.s32 @!p0 $0x0;
	s5 =	rddreg [dreg:$0x1]  }
0x1f9: {  	[tilespmem:s1], [sflag:$0x1] =	stream.indirect_vreg.gather @!p0 [hbm4b:s5+s0], $0x80, v2, vm1, $0xb8;
	[tilespmem:$0x19000] =	vst v63  }
0x1fa: {  	s1 =	simm.s32 @!p0 $0x11800  }
0x1fb: {  	[tilespmem:s1], [sflag:$0x1] =	stream.indirect_vreg.gather @!p0 [hbm4b:s10+s0], $0x80, v2, vm1, $0xb8;
	[tilespmem:$0x19000] =	vst v63  }
0x1fc: {  	s1 =	simm.s32 @!p0 $0x12000  }
0x1fd: {  	[tilespmem:s1], [sflag:$0x1] =	stream.indirect_vreg.gather @!p0 [hbm4b:s11+s0], $0x80, v2, vm1, $0xb8;
	[tilespmem:$0x19000] =	vst v63  }
0x1fe: {  	s21 =	simm.s32 $0x4;
	s1 =	simm.s32 @!p0 $0x12800  }
0x1ff: {  	[tilespmem:s1], [sflag:$0x1] =	stream.indirect_vreg.gather @!p0 [hbm4b:s12+s0], $0x80, v2, vm1, $0xb8;
	[tilespmem:$0x19000] =	vst v63  }
0x200: {  	s19 =	simm.s32 $0x0;
	_ =	swait.ge [sflag:s21], $0x2000  }
0x201: {  	s23 =	sand.u32 $0x1C00, s19;
	s22 =	sand.u32 $0x70, s19;
	[sflag:s21] =	ssyncset.done $0x0  }
0x202: {  	s24 =	sor.u32 s22, s23;
	s1 =	sadd.s32 s23, s18;
	[sflag:s21] =	ssyncadd.s32 $0xFFFFE000  }
0x203: {  	s26 =	sadd.s32 s22, s1;
	v2 =	vld [tilespmem:s24+$0x17000]  }
0x204: {  	v3 =	vld [tilespmem:s26+$0x0];
	_ =	sdelay $0x4  }
0x205: {  	v2 =	vadd.f32 v3, v2;
	_ =	sdelay $0x1  }
0x206: {  	s0 =	sadd.s32 $0x17000, s24;
	[tilespmem:s24+$0x17000] =	vst v2  }
0x207: {  	v2 =	vld [tilespmem:s0+$0x80]  }
0x208: {  	v3 =	vld [tilespmem:s26+$0x80];
	_ =	sdelay $0x1  }
0x209: {  	s29 =	simm.s32 $0x80;
	s31 =	simm.s32 $0x10  }
0x20a: {  	s25 =	sand.u32 $0x70, s31;
	s6 =	sand.u32 $0x1C00, s29  }
0x20b: {  	s7 =	sor.u32 s25, s6;
	s5 =	sadd.s32 s6, s18  }
0x20c: {  	s28 =	sadd.s32 s25, s5;
	v4 =	vld [tilespmem:s7+$0x17000];
	v2 =	vadd.f32 v3, v2  }
0x20d: {  	v3 =	vld [tilespmem:s28+$0x0]  }
0x20e: {  	v5 =	vld [tilespmem:s0+$0x100];
	[tilespmem:s0+$0x80] =	vst v2  }
0x20f: {  	v2 =	vld [tilespmem:s26+$0x100];
	_ =	sdelay $0x2  }
0x210: {  	v3 =	vadd.f32 v3, v4;
	_ =	sdelay $0x1  }
0x211: {  	s30 =	sadd.s32 $0x17000, s7;
	v4 =	vld [tilespmem:s0+$0x180];
	[tilespmem:s7+$0x17000] =	vst v3;
	v2 =	vadd.f32 v2, v5  }
0x212: {  	v3 =	vld [tilespmem:s30+$0x80]  }
0x213: {  	v5 =	vld [tilespmem:s28+$0x80];
	[tilespmem:s0+$0x100] =	vst v2  }
0x214: {  	s20 =	simm.s32 $0x100;
	s21 =	simm.s32 $0x20;
	v2 =	vld [tilespmem:s26+$0x180]  }
0x215: {  	s9 =	sand.u32 $0x1C00, s20;
	s8 =	sand.u32 $0x70, s21  }
0x216: {  	s14 =	sor.u32 s8, s9  }
0x217: {  	s5 =	sadd.s32 s9, s18;
	v6 =	vld [tilespmem:s14+$0x17000]  }
0x218: {  	s23 =	sadd.s32 s8, s5;
	v7 =	vld [tilespmem:s0+$0x200];
	v3 =	vadd.f32 v5, v3  }
0x219: {  	v2 =	vadd.f32 v2, v4;
	v4 =	vld [tilespmem:s23+$0x0]  }
0x21a: {  	v5 =	vld [tilespmem:s30+$0x100];
	[tilespmem:s30+$0x80] =	vst v3  }
0x21b: {  	v3 =	vld [tilespmem:s28+$0x100];
	[tilespmem:s0+$0x180] =	vst v2  }
0x21c: {  	v2 =	vld [tilespmem:s26+$0x200];
	_ =	sdelay $0x1  }
0x21d: {  	v4 =	vadd.f32 v4, v6  }
0x21e: {  	v6 =	vld [tilespmem:s0+$0x280]  }
0x21f: {  	s6 =	sadd.s32 $0x17000, s14;
	v3 =	vadd.f32 v3, v5;
	v5 =	vld [tilespmem:s30+$0x180];
	[tilespmem:s14+$0x17000] =	vst v4  }
0x220: {  	v4 =	vld [tilespmem:s6+$0x80];
	v2 =	vadd.f32 v2, v7  }
0x221: {  	[tilespmem:s30+$0x100] =	vst v3;
	v7 =	vld [tilespmem:s23+$0x80]  }
0x222: {  	v3 =	vld [tilespmem:s28+$0x180];
	[tilespmem:s0+$0x200] =	vst v2  }
0x223: {  	s5 =	simm.s32 $0x180;
	s7 =	simm.s32 $0x30;
	v2 =	vld [tilespmem:s26+$0x280]  }
0x224: {  	s16 =	sand.u32 $0x1C00, s5;
	v9 =	vld [tilespmem:s0+$0x300];
	s15 =	sand.u32 $0x70, s7  }
0x225: {  	s8 =	sadd.s32 s16, s18;
	v10 =	vld [tilespmem:s30+$0x200];
	s9 =	sor.u32 s15, s16  }
0x226: {  	s22 =	sadd.s32 s15, s8;
	v8 =	vld [tilespmem:s9+$0x17000];
	v4 =	vadd.f32 v7, v4  }
0x227: {  	v3 =	vadd.f32 v3, v5;
	v5 =	vld [tilespmem:s22+$0x0]  }
0x228: {  	v7 =	vld [tilespmem:s6+$0x100];
	[tilespmem:s6+$0x80] =	vst v4;
	v2 =	vadd.f32 v2, v6  }
0x229: {  	[tilespmem:s30+$0x180] =	vst v3;
	v4 =	vld [tilespmem:s23+$0x100]  }
0x22a: {  	s15 =	simm.s32 $0x40;
	s14 =	simm.s32 $0x200;
	v6 =	vld [tilespmem:s28+$0x200];
	[tilespmem:s0+$0x280] =	vst v2  }
0x22b: {  	s1 =	sand.u32 $0x70, s15;
	s17 =	sand.u32 $0x1C00, s14;
	v2 =	vld [tilespmem:s26+$0x300]  }
0x22c: {  	v11 =	vld [tilespmem:s6+$0x180];
	s25 =	sor.u32 s1, s17;
	v5 =	vadd.f32 v5, v8  }
0x22d: {  	v3 =	vld [tilespmem:s25+$0x17000]  }
0x22e: {  	s16 =	sadd.s32 $0x17000, s9;
	v8 =	vld [tilespmem:s30+$0x280];
	[tilespmem:s9+$0x17000] =	vst v5;
	v4 =	vadd.f32 v4, v7  }
0x22f: {  	v5 =	vld [tilespmem:s16+$0x80];
	v6 =	vadd.f32 v6, v10  }
0x230: {  	v7 =	vld [tilespmem:s22+$0x80];
	[tilespmem:s6+$0x100] =	vst v4;
	v2 =	vadd.f32 v2, v9  }
0x231: {  	s24 =	sor.u32 s19, s19;
	[tilespmem:s30+$0x200] =	vst v6;
	v4 =	vld [tilespmem:s23+$0x180]  }
0x232: {  	s19 =	sor.u32 $0x380, s24;
	v6 =	vld [tilespmem:s28+$0x280];
	[tilespmem:s0+$0x300] =	vst v2  }
0x233: {  	v10 =	vld [tilespmem:s19+$0x17000]  }
0x234: {  	v12 =	vld [tilespmem:s26+$0x380]  }
0x235: {  	v2 =	vld [tilespmem:s30+$0x300]  }
0x236: {  	v13 =	vadd.f32 v7, v5;
	v5 =	vld [tilespmem:s6+$0x200];
	s26 =	sadd.s32 s17, s18  }
0x237: {  	v7 =	vld [tilespmem:s16+$0x100];
	s26 =	sadd.s32 s1, s26;
	v4 =	vadd.f32 v4, v11  }
0x238: {  	[tilespmem:s16+$0x80] =	vst v13;
	v9 =	vld [tilespmem:s26+$0x0];
	v6 =	vadd.f32 v6, v8  }
0x239: {  	s24 =	simm.s32 $0x50;
	s0 =	simm.s32 $0x280;
	v8 =	vld [tilespmem:s22+$0x100];
	[tilespmem:s6+$0x180] =	vst v4;
	v4 =	vadd.f32 v12, v10  }
.LBB2_9:
0x23a: {  	s1 =	sand.u32 $0x70, s24;
	s8 =	sand.u32 $0x1C00, s0;
	p1 =	sne.s32 s24, $0x3F0;
	v10 =	vld [tilespmem:s23+$0x200];
	[tilespmem:s30+$0x280] =	vst v6  }
0x23b: {  	s9 =	sor.u32 s1, s8;
	v6 =	vld [tilespmem:s28+$0x300];
	[tilespmem:s19+$0x17000] =	vst v4  }
0x23c: {  	v4 =	vld [tilespmem:s9+$0x17000]  }
0x23d: {  	v3 =	vadd.f32 v9, v3;
	v11 =	vld [tilespmem:s6+$0x280]  }
0x23e: {  	s17 =	sadd.s32 $0x17000, s25;
	v7 =	vadd.f32 v8, v7;
	v8 =	vld [tilespmem:s16+$0x180]  }
0x23f: {  	[tilespmem:s25+$0x17000] =	vst v3;
	v9 =	vld [tilespmem:s17+$0x80];
	v10 =	vadd.f32 v10, v5;
	s25 =	smov.u32 s9  }
0x240: {  	v5 =	vld [tilespmem:s26+$0x80];
	[tilespmem:s16+$0x100] =	vst v7;
	v2 =	vadd.f32 v6, v2  }
0x241: {  	s9 =	sor.u32 s29, s31;
	s29 =	smov.u32 s20;
	s20 =	smov.u32 s5;
	v6 =	vld [tilespmem:s22+$0x180];
	[tilespmem:s6+$0x200] =	vst v10;
	v3 =	vmov v4  }
0x242: {  	s19 =	sor.u32 $0x380, s9;
	v4 =	vld [tilespmem:s23+$0x280];
	[tilespmem:s30+$0x300] =	vst v2;
	s30 =	smov.u32 s6;
	s6 =	smov.u32 s16  }
0x243: {  	s5 =	smov.u32 s14;
	s14 =	smov.u32 s0;
	s16 =	smov.u32 s17;
	v10 =	vld [tilespmem:s19+$0x17000]  }
0x244: {  	v12 =	vld [tilespmem:s28+$0x380];
	s28 =	smov.u32 s23;
	s23 =	smov.u32 s22;
	s22 =	smov.u32 s26  }
.Ltmp5:
0x245: {  	s31 =	smov.u32 s21;
	s21 =	smov.u32 s7;
	v2 =	vld [tilespmem:s30+$0x300];
	(pc) =	sbr.rel @p1 .LBB2_9-.Ltmp5, $4  }
0x246: {  	s8 =	sadd.s32 s8, s18;
	s7 =	smov.u32 s15;
	s15 =	smov.u32 s24;
	v13 =	vadd.f32 v5, v9;
	v5 =	vld [tilespmem:s6+$0x200]  }
0x247: {  	s26 =	sadd.s32 s1, s8;
	v14 =	vadd.f32 v6, v8;
	v7 =	vld [tilespmem:s16+$0x100]  }
0x248: {  	v6 =	vadd.f32 v4, v11;
	v9 =	vld [tilespmem:s26+$0x0];
	[tilespmem:s16+$0x80] =	vst v13  }
0x249: {  	s0 =	sadd.s32 $0x80, s0;
	s24 =	sadd.s32 $0x10, s24;
	v8 =	vld [tilespmem:s22+$0x100];
	[tilespmem:s6+$0x180] =	vst v14;
	v4 =	vadd.f32 v12, v10  }
0x24a: {  	_ =	sdelay $0x2  }
0x24b: {  	v3 =	vadd.f32 v9, v3;
	_ =	sdelay $0x1  }
0x24c: {  	s0 =	sadd.s32 $0x17000, s25;
	[tilespmem:s25+$0x17000] =	vst v3  }
0x24d: {  	v3 =	vld [tilespmem:s0+$0x80]  }
0x24e: {  	v43 =	vld [tilespmem:s26+$0x80];
	_ =	sdelay $0x4  }
0x24f: {  	v3 =	vadd.f32 v43, v3;
	_ =	sdelay $0x1  }
0x250: {  	v44 =	vld [tilespmem:s0+$0x100];
	[tilespmem:s0+$0x80] =	vst v3  }
0x251: {  	v3 =	vld [tilespmem:s26+$0x100];
	_ =	sdelay $0x2  }
0x252: {  	v7 =	vadd.f32 v8, v7;
	_ =	sdelay $0x1  }
0x253: {  	v45 =	vld [tilespmem:s16+$0x180];
	[tilespmem:s16+$0x100] =	vst v7;
	v3 =	vadd.f32 v3, v44  }
0x254: {  	v7 =	vld [tilespmem:s22+$0x180]  }
0x255: {  	v46 =	vld [tilespmem:s0+$0x180];
	[tilespmem:s0+$0x100] =	vst v3  }
0x256: {  	v3 =	vld [tilespmem:s26+$0x180];
	_ =	sdelay $0x2  }
0x257: {  	v7 =	vadd.f32 v7, v45  }
0x258: {  	v10 =	vld [tilespmem:s23+$0x200]  }
0x259: {  	v47 =	vld [tilespmem:s16+$0x200];
	[tilespmem:s16+$0x180] =	vst v7;
	v3 =	vadd.f32 v3, v46  }
0x25a: {  	v7 =	vld [tilespmem:s22+$0x200]  }
0x25b: {  	v48 =	vld [tilespmem:s0+$0x200];
	[tilespmem:s0+$0x180] =	vst v3  }
0x25c: {  	v49 =	vld [tilespmem:s26+$0x200]  }
0x25d: {  	v3 =	vadd.f32 v10, v5;
	_ =	sdelay $0x1  }
0x25e: {  	v50 =	vld [tilespmem:s6+$0x280];
	v7 =	vadd.f32 v7, v47;
	[tilespmem:s6+$0x200] =	vst v3  }
0x25f: {  	v3 =	vld [tilespmem:s23+$0x280]  }
0x260: {  	v51 =	vld [tilespmem:s16+$0x280];
	[tilespmem:s16+$0x200] =	vst v7;
	v5 =	vadd.f32 v49, v48  }
0x261: {  	v7 =	vld [tilespmem:s22+$0x280]  }
0x262: {  	v52 =	vld [tilespmem:s0+$0x280];
	[tilespmem:s0+$0x200] =	vst v5  }
0x263: {  	v5 =	vld [tilespmem:s26+$0x280]  }
0x264: {  	[tilespmem:s30+$0x280] =	vst v6;
	v3 =	vadd.f32 v3, v50  }
0x265: {  	v54 =	vld [tilespmem:s28+$0x300]  }
0x266: {  	v53 =	vld [tilespmem:s6+$0x300];
	v7 =	vadd.f32 v7, v51;
	[tilespmem:s6+$0x280] =	vst v3  }
0x267: {  	v3 =	vld [tilespmem:s23+$0x300]  }
0x268: {  	v55 =	vld [tilespmem:s16+$0x300];
	[tilespmem:s16+$0x280] =	vst v7;
	v5 =	vadd.f32 v5, v52  }
0x269: {  	v7 =	vld [tilespmem:s22+$0x300]  }
0x26a: {  	v2 =	vadd.f32 v54, v2;
	v56 =	vld [tilespmem:s0+$0x300];
	[tilespmem:s0+$0x280] =	vst v5  }
0x26b: {  	v5 =	vld [tilespmem:s26+$0x300]  }
0x26c: {  	s1 =	sor.u32 s29, s31;
	[tilespmem:s30+$0x300] =	vst v2;
	v2 =	vadd.f32 v3, v53  }
0x26d: {  	s8 =	sor.u32 s20, s21;
	s1 =	sor.u32 $0x380, s1;
	v57 =	vld [tilespmem:s28+$0x380]  }
0x26e: {  	s28 =	sor.u32 $0x380, s8;
	v3 =	vld [tilespmem:s1+$0x17000];
	[tilespmem:s6+$0x300] =	vst v2;
	v2 =	vadd.f32 v7, v55  }
0x26f: {  	s5 =	sor.u32 s5, s7;
	v58 =	vld [tilespmem:s28+$0x17000]  }
0x270: {  	s5 =	sor.u32 $0x380, s5;
	v59 =	vld [tilespmem:s23+$0x380];
	[tilespmem:s16+$0x300] =	vst v2;
	v2 =	vadd.f32 v5, v56  }
0x271: {  	s29 =	sor.u32 s14, s15;
	v60 =	vld [tilespmem:s5+$0x17000]  }
0x272: {  	s30 =	sor.u32 $0x380, s29;
	v61 =	vld [tilespmem:s22+$0x380];
	[tilespmem:s0+$0x300] =	vst v2  }
0x273: {  	v2 =	vld [tilespmem:s30+$0x17000]  }
0x274: {  	v62 =	vld [tilespmem:s26+$0x380];
	_ =	sdelay $0x1  }
0x275: {  	v3 =	vadd.f32 v57, v3  }
0x276: {  	[tilespmem:s19+$0x17000] =	vst v4;
	v63 =	vadd.f32 v59, v58  }
0x277: {  	[tilespmem:s1+$0x17000] =	vst v3;
	v3 =	vadd.f32 v61, v60  }
0x278: {  	[tilespmem:s28+$0x17000] =	vst v63;
	v2 =	vadd.f32 v62, v2  }
.Ltmp6:
0x279: {  	[tilespmem:s5+$0x17000] =	vst v3;
	(pc) =	sbr.rel @p0 .LBB2_12-.Ltmp6, $4  }
0x27a: {  	[tilespmem:s30+$0x17000] =	vst v2  }
0x27b: {  	s0 =	rddreg [dreg:$0xd]  }
0x27c: {  	s31 =	simm.s32 $0x17000;
	s0 =	sadd.s32 s2, s0  }
0x27d: {  	[hbm4b:s0+s4] =	stream.linear.scatter [tilespmem:s31], [sflag:$0x8], $0x2000, $0x38;
	[tilespmem:$0x19000] =	vst v63  }
0x27e: {  	s0 =	simm.s32 $0x6  }
0x27f: {  	_ =	swait.ge [sflag:s0], $0x2000  }
0x280: {  	[sflag:s0] =	ssyncset.done $0x0  }
0x281: {  	[sflag:s0] =	ssyncadd.s32 $0xFFFFE000  }
0x282: {  	v2 =	vld.msk [tilespmem:s3+$0x480], $0xff;
	_ =	sdelay $0x4  }
0x283: {  	v3 =	vshll.u32 v2, $0x3  }
0x284: {  	v2 =	vand.u32 $0x7, v2;
	v3 =	vand.u32 $0xFFFFFFC0, v3  }
0x285: {  	v2 =	vor.u32 v2, v3  }
0x286: {  	v2 =	vperm.xlane v2, v0;
	_ =	sdelay $0x1  }
0x287: {  	v2 =	vadd.s32 v1, v2;
	_ =	sdelay $0x3  }
0x288: {  	s1 =	simm.s32 $0x13000;
	s0 =	rddreg [dreg:$0x1]  }
0x289: {  	[tilespmem:s1], [sflag:$0x2] =	stream.indirect_vreg.gather [hbm4b:s0+s4], $0x80, v2, vm0, $0xb8;
	[tilespmem:$0x19000] =	vst v63  }
0x28a: {  	s29 =	simm.s32 $0x13800  }
0x28b: {  	[tilespmem:s29], [sflag:$0x2] =	stream.indirect_vreg.gather [hbm4b:s10+s4], $0x80, v2, vm0, $0xb8;
	[tilespmem:$0x19000] =	vst v63  }
.Ltmp7:
0x28c: {  	_ = 	snop;
	(pc) =	sbr.rel .LBB2_2-.Ltmp7, $4  }
0x28d: {  	s30 =	simm.s32 $0x14000  }
0x28e: {  	[tilespmem:s30], [sflag:$0x2] =	stream.indirect_vreg.gather [hbm4b:s11+s4], $0x80, v2, vm0, $0xb8;
	[tilespmem:$0x19000] =	vst v63  }
0x28f: {  	s31 =	simm.s32 $0x14800;
	s13 =	sadd.s32 $0x1, s13  }
0x290: {  	[tilespmem:s31], [sflag:$0x2] =	stream.indirect_vreg.gather [hbm4b:s12+s4], $0x80, v2, vm0, $0xb8;
	[tilespmem:$0x19000] =	vst v63  }
.LBB2_13:
0x291: {  	_ =	sfence.sel $0x180000  }
0x292: {  	[bflag:$0x0] =	sbarrier.arrive $0xFFFF  }
0x293: {  	_ =	strace $0x90000047  }
0x294: {  	s0 =	stileid.u32;
	[bflag:$0x2] =	sbarrier.arrive $0xFFFF  }
0x295: {  	p0 =	sne.s32 s0, $0x0;
	s0 =	rddreg [dreg:$0x4]  }
0x296: {  	s0 =	sadd.s32 @!p0 $0x100000, s0  }
0x297: {  	[sflag:s0] =	ssyncadd.tile.s32 @!p0 $0x1;
	_ =	shalt  }
.Lfunc_end2:
_tile_overlayer_lowered:
.L_overlay_start_2:
0x298: {  	(tag) =	ssettag $0x2  }
0x299: {  	s0 =	rddreg [dreg:$0x0];
	s2 =	stileid.u32  }
0x29a: {  	s1 =	rddreg [dreg:$0x1];
	p0 =	sne.s32 s2, $0x0  }
0x29b: {  	s3 =	rddreg [dreg:$0x2];
	[bflag:$0x3] =	sbarrier.arrive $0xFFFF;
	s2 =	simm.s32 @!p0 $0x1C0A  }
0x29c: {  	[timem:s3], [sflag:s2] =	dma.local @!p0 [hbm:s0], s1  }
0x29d: {  	s0 =	simm.s32 @!p0 $0xA  }
0x29e: {  	_ =	swait.ge @!p0 [sflag:s0], s1  }
0x29f: {  	s1 =	ssub.s32 @!p0 $0x0, s1;
	[sflag:s0] =	ssyncset.done @!p0 $0x0  }
0x2a0: {  	[sflag:s0] =	ssyncadd.s32 @!p0 s1  }
0x2a1: {  	[bflag:$0x3] =	sbarrier.arrive $0xFFFF  }
0x2a2: {  	_ =	shalt  }

</sc_bundles>
